<compile_context>
chip_gen: v7x
topology: tpu7x:2x2x1
jax: 0.10.2.dev20260603
libtpu: 0.0.44.dev20260713+nightly
codegen_flags: <defaults>
</compile_context>

<pallas_src>
import functools

import jax
import jax.numpy as jnp
import numpy as np
from jax import lax
from jax.experimental import pallas as pl
from jax.experimental.pallas import tpu as pltpu
from jax.experimental.pallas import tpu_sc as plsc

_SC_MESH = plsc.VectorSubcoreMesh(core_axis_name="c", subcore_axis_name="s")
NW = 32

N_SCALARS = 16
HEAD_DIM = 32
MUL = 16
FEAT_DIM = 64
ISQRTD = 5.0

BE = 1000


def _w_kernel(ga_ref, ef_ref, wq1_ref, wq2_ref, wq3_ref, wk1_ref, wk2_ref,
              wk3_ref, sel_ref, out_ref, out128_ref):
    ga = ga_ref[:, :64]
    ef = ef_ref[...]
    q = jax.nn.silu(jnp.dot(ga, wq1_ref[...], preferred_element_type=jnp.float32))
    q = jax.nn.silu(jnp.dot(q, wq2_ref[...], preferred_element_type=jnp.float32))
    q = jnp.dot(q, wq3_ref[...], preferred_element_type=jnp.float32)
    k = jax.nn.silu(jnp.dot(ef, wk1_ref[...], preferred_element_type=jnp.float32))
    k = jax.nn.silu(jnp.dot(k, wk2_ref[...], preferred_element_type=jnp.float32))
    k = jnp.dot(k, wk3_ref[...], preferred_element_type=jnp.float32)
    qk = q * k
    w128 = jnp.dot(qk, sel_ref[...], preferred_element_type=jnp.float32) * ISQRTD
    out128_ref[...] = w128
    out_ref[...] = w128[:, :N_SCALARS]


def _compute_w(ga, ef16, Wq1, Wq2, Wq3, Wk1, Wk2, Wk3):
    E = ga.shape[0]
    sel = jnp.repeat(jnp.eye(N_SCALARS, dtype=jnp.float32), HEAD_DIM, axis=0)
    sel = jnp.pad(sel, ((0, 0), (0, 128 - N_SCALARS)))
    grid = (E // BE,)
    return pl.pallas_call(
        _w_kernel,
        grid=grid,
        in_specs=[
            pl.BlockSpec((BE, 128), lambda i: (i, 0)),
            pl.BlockSpec((BE, N_SCALARS), lambda i: (i, 0)),
            pl.BlockSpec((64, 64), lambda i: (0, 0)),
            pl.BlockSpec((64, 64), lambda i: (0, 0)),
            pl.BlockSpec((64, 512), lambda i: (0, 0)),
            pl.BlockSpec((N_SCALARS, 64), lambda i: (0, 0)),
            pl.BlockSpec((64, 64), lambda i: (0, 0)),
            pl.BlockSpec((64, 512), lambda i: (0, 0)),
            pl.BlockSpec((512, 128), lambda i: (0, 0)),
        ],
        out_specs=[
            pl.BlockSpec((BE, N_SCALARS), lambda i: (i, 0)),
            pl.BlockSpec((BE, 128), lambda i: (i, 0)),
        ],
        out_shape=[
            jax.ShapeDtypeStruct((E, N_SCALARS), jnp.float32),
            jax.ShapeDtypeStruct((E, 128), jnp.float32),
        ],
    )(ga, ef16, Wq1, Wq2, Wq3, Wk1, Wk2, Wk3, sel)


def _gather_body(centers2_hbm, table_hbm, out_hbm, idx_v, rows_v, sem):
    n_chunks = centers2_hbm.shape[0]
    w = lax.axis_index("s") * 2 + lax.axis_index("c")

    def body(t, carry):
        cidx = w + NW * t

        @pl.when(cidx < n_chunks)
        def _():
            pltpu.sync_copy(centers2_hbm.at[cidx], idx_v)
            pltpu.async_copy(table_hbm.at[idx_v], rows_v, sem).wait()
            pltpu.sync_copy(rows_v, out_hbm.at[pl.ds(cidx * 64, 64)])

        return carry

    lax.fori_loop(0, (n_chunks + NW - 1) // NW, body, 0)


def _sc_gather(centers, table):
    E = centers.shape[0]
    D = table.shape[1]
    centers2 = centers.reshape(E // 64, 64)
    return pl.kernel(
        _gather_body,
        out_type=jax.ShapeDtypeStruct((E, D), jnp.float32),
        mesh=_SC_MESH,
        scratch_types=[
            pltpu.VMEM((64,), jnp.int32),
            pltpu.VMEM((64, D), jnp.float32),
            pltpu.SemaphoreType.DMA,
        ],
    )(centers2, table)


NPAD = 10240
NODES_PER_W = 320
SCAN_CH = 6400
N_SCAN_CH = 25
GB = 256



def _seg_max_body(centers_hbm, w128_hbm, m_hbm, scanbuf, cid, cct,
                  rows_g, macc, cbr, sem):
    w = lax.axis_index("s") * 2 + lax.axis_index("c")
    base = w * NODES_PER_W
    iota = lax.iota(jnp.int32, 16)
    neginf = jnp.full((16,), -jnp.inf, dtype=jnp.float32)
    zeros_i = jnp.zeros((16,), dtype=jnp.int32)

    def init_macc(i, c):
        macc[i, pl.ds(0, 16)] = neginf
        return c

    lax.fori_loop(0, NODES_PER_W, init_macc, 0)

    def init_cbuf(i, c):
        cid[pl.ds(i * 16, 16)] = zeros_i
        cct[pl.ds(i * 16, 16)] = zeros_i
        return c

    lax.fori_loop(0, SCAN_CH // 16, init_cbuf, 0)

    def chunk_body(chp, carry):
        pltpu.sync_copy(centers_hbm.at[pl.ds(chp * SCAN_CH, SCAN_CH)], scanbuf)

        def scan_group(g, cnt):
            v = scanbuf[pl.ds(g * 16, 16)]
            rel = v - base
            msk = (rel >= 0) & (rel < NODES_PER_W)
            ids = jnp.full((16,), chp * SCAN_CH + g * 16, jnp.int32) + iota
            plsc.store_compressed(cid.at[pl.ds(cnt, 16)], ids, mask=msk)
            plsc.store_compressed(cct.at[pl.ds(cnt, 16)], rel, mask=msk)
            cbr[pl.ds(0, 16)] = plsc.all_reduce_population_count(msk)
            return cnt + cbr[pl.ds(0, 16)][0]

        cnt = lax.fori_loop(0, SCAN_CH // 16, scan_group, 0)
        nb = (cnt + GB - 1) // GB

        def cand_batch(gb, carry2):
            pltpu.async_copy(
                w128_hbm.at[cid.at[pl.ds(gb * GB, GB)]], rows_g, sem).wait()

            def sub_group(sg, carry3):
                lnv = cct[pl.ds(gb * GB + sg * 16, 16)]
                for j in range(16):
                    pos = gb * GB + sg * 16 + j

                    @pl.when(pos < cnt)
                    def _():
                        ln = lnv[j]
                        wrow = rows_g[sg * 16 + j, pl.ds(0, 16)]
                        cur = macc[ln, pl.ds(0, 16)]
                        macc[ln, pl.ds(0, 16)] = jnp.maximum(cur, wrow)

                return carry3

            lax.fori_loop(0, GB // 16, sub_group, 0)
            return carry2

        lax.fori_loop(0, nb, cand_batch, 0)
        return carry

    lax.fori_loop(0, N_SCAN_CH, chunk_body, 0)
    pltpu.sync_copy(macc, m_hbm.at[pl.ds(base, NODES_PER_W)])


def _seg_max(centers, w128):
    return pl.kernel(
        _seg_max_body,
        out_type=jax.ShapeDtypeStruct((NPAD, 16), jnp.float32),
        mesh=_SC_MESH,
        compiler_params=pltpu.CompilerParams(needs_layout_passes=False),
        scratch_types=[
            pltpu.VMEM((SCAN_CH,), jnp.int32),
            pltpu.VMEM((SCAN_CH,), jnp.int32),
            pltpu.VMEM((SCAN_CH,), jnp.int32),
            pltpu.VMEM((GB, 128), jnp.float32),
            pltpu.VMEM((NODES_PER_W, 16), jnp.float32),
            pltpu.VMEM((16,), jnp.int32),
            pltpu.SemaphoreType.DMA,
        ],
    )(centers, w128)


def _denom_body(centers_hbm, w16_hbm, m_hbm, dacc_hbm, wexp_hbm,
                m_sp, dacc_sp, ctrv, wbuf, mbuf, wxbuf, sem):
    c = lax.axis_index("c")
    s = lax.axis_index("s")
    w = s * 2 + c
    zeros = jnp.zeros((16,), dtype=jnp.float32)
    rows_per_s = NPAD // 16

    def zinit(i, carry):
        wxbuf[i, pl.ds(0, 16)] = zeros
        return carry

    lax.fori_loop(0, 128, zinit, 0)
    pltpu.sync_copy(m_hbm.at[pl.ds(s * rows_per_s, rows_per_s)],
                    m_sp.at[pl.ds(s * rows_per_s, rows_per_s)])
    for k in range(rows_per_s // 128):
        pltpu.sync_copy(wxbuf, dacc_sp.at[pl.ds(s * rows_per_s + k * 128, 128)])
    plsc.subcore_barrier()

    n_chunks = 160000 // 128

    def chunk_body(t, carry):
        cidx = w + NW * t

        @pl.when(cidx < n_chunks)
        def _():
            e0 = cidx * 128
            pltpu.sync_copy(centers_hbm.at[pl.ds(e0, 128)], ctrv)
            pltpu.sync_copy(w16_hbm.at[pl.ds(e0, 128)], wbuf)
            pltpu.async_copy(m_sp.at[ctrv], mbuf, sem).wait()

            def edge_body(e, carry2):
                wrow = wbuf[e, pl.ds(0, 16)]
                mrow = mbuf[e, pl.ds(0, 16)]
                wxbuf[e, pl.ds(0, 16)] = jnp.exp(wrow - mrow)
                return carry2

            lax.fori_loop(0, 128, edge_body, 0)
            pltpu.sync_copy(wxbuf, wexp_hbm.at[pl.ds(e0, 128)])
            pltpu.sync_copy(wxbuf, dacc_sp.at[ctrv], add=True)

        return carry

    lax.fori_loop(0, (n_chunks + NW - 1) // NW, chunk_body, 0)
    plsc.subcore_barrier()

    pltpu.sync_copy(dacc_sp.at[pl.ds(s * rows_per_s, rows_per_s)],
                    dacc_hbm.at[c, pl.ds(s * rows_per_s, rows_per_s)])


def _denom(centers, w16, m):
    return pl.kernel(
        _denom_body,
        out_type=[
            jax.ShapeDtypeStruct((2, NPAD, 16), jnp.float32),
            jax.ShapeDtypeStruct((160000, 16), jnp.float32),
        ],
        mesh=_SC_MESH,
        compiler_params=pltpu.CompilerParams(needs_layout_passes=False),
        scratch_types=[
            pltpu.VMEM_SHARED((NPAD, 16), jnp.float32),
            pltpu.VMEM_SHARED((NPAD, 16), jnp.float32),
            pltpu.VMEM((128,), jnp.int32),
            pltpu.VMEM((128, 16), jnp.float32),
            pltpu.VMEM((128, 16), jnp.float32),
            pltpu.VMEM((128, 16), jnp.float32),
            pltpu.SemaphoreType.DMA,
        ],
    )(centers, w16, m)


def _wsum_body(centers_hbm, ef_hbm, wexp_hbm, oacc_hbm,
               oacc_sp, ctrv, efbuf, wxbuf, obuf, sem):
    c = lax.axis_index("c")
    s = lax.axis_index("s")
    w = s * 2 + c
    iota = lax.iota(jnp.int32, 16)
    zeros = jnp.zeros((16,), dtype=jnp.float32)
    p0 = iota // 3
    p1 = (iota + 16) // 3
    p2 = (iota + 32) // 3
    rows_per_s = NPAD // 16

    def zinit(i, carry):
        for k in range(4):
            obuf[i, pl.ds(k * 16, 16)] = zeros
        return carry

    lax.fori_loop(0, 128, zinit, 0)
    for k in range(rows_per_s // 128):
        pltpu.sync_copy(obuf, oacc_sp.at[pl.ds(s * rows_per_s + k * 128, 128)])
    plsc.subcore_barrier()

    n_chunks = 160000 // 128

    def chunk_body(t, carry):
        cidx = w + NW * t

        @pl.when(cidx < n_chunks)
        def _():
            e0 = cidx * 128
            pltpu.sync_copy(centers_hbm.at[pl.ds(e0, 128)], ctrv)
            pltpu.sync_copy(ef_hbm.at[pl.ds(e0, 128)], efbuf)
            pltpu.sync_copy(wexp_hbm.at[pl.ds(e0, 128)], wxbuf)

            def edge_body(e, carry2):
                wx = wxbuf[e, pl.ds(0, 16)]
                a0 = wx.at[p0].get(mode="promise_in_bounds")
                a1 = wx.at[p1].get(mode="promise_in_bounds")
                a2 = wx.at[p2].get(mode="promise_in_bounds")
                obuf[e, pl.ds(0, 16)] = efbuf[e, pl.ds(0, 16)] * wx
                obuf[e, pl.ds(16, 16)] = efbuf[e, pl.ds(16, 16)] * a0
                obuf[e, pl.ds(32, 16)] = efbuf[e, pl.ds(32, 16)] * a1
                obuf[e, pl.ds(48, 16)] = efbuf[e, pl.ds(48, 16)] * a2
                return carry2

            lax.fori_loop(0, 128, edge_body, 0)
            pltpu.sync_copy(obuf, oacc_sp.at[ctrv], add=True)

        return carry

    lax.fori_loop(0, (n_chunks + NW - 1) // NW, chunk_body, 0)
    plsc.subcore_barrier()

    pltpu.sync_copy(oacc_sp.at[pl.ds(s * rows_per_s, rows_per_s)],
                    oacc_hbm.at[c, pl.ds(s * rows_per_s, rows_per_s)])


def _wsum(centers, ef, wexp):
    return pl.kernel(
        _wsum_body,
        out_type=jax.ShapeDtypeStruct((2, NPAD, 64), jnp.float32),
        mesh=_SC_MESH,
        compiler_params=pltpu.CompilerParams(needs_layout_passes=False),
        scratch_types=[
            pltpu.VMEM_SHARED((NPAD, 64), jnp.float32),
            pltpu.VMEM((128,), jnp.int32),
            pltpu.VMEM((128, 64), jnp.float32),
            pltpu.VMEM((128, 16), jnp.float32),
            pltpu.VMEM((128, 64), jnp.float32),
            pltpu.SemaphoreType.DMA,
        ],
    )(centers, ef, wexp)


def _final_kernel(dacc_ref, oacc_ref, p_ref, out_ref):
    d = dacc_ref[0] + dacc_ref[1]
    o = oacc_ref[0] + oacc_ref[1]
    r = jnp.where(d > 0.0, 1.0 / d, 0.0)
    out_ref[...] = o * jnp.dot(r, p_ref[...], preferred_element_type=jnp.float32)


def _finalize(dacc, oacc, num_nodes):
    pmat = np.zeros((16, 64), dtype=np.float32)
    for col in range(64):
        pmat[col if col < 16 else (col - 16) // 3, col] = 1.0
    BN = 1024
    out = pl.pallas_call(
        _final_kernel,
        grid=(NPAD // BN,),
        in_specs=[
            pl.BlockSpec((2, BN, 16), lambda i: (0, i, 0)),
            pl.BlockSpec((2, BN, 64), lambda i: (0, i, 0)),
            pl.BlockSpec((16, 64), lambda i: (0, 0)),
        ],
        out_specs=pl.BlockSpec((BN, 64), lambda i: (i, 0)),
        out_shape=jax.ShapeDtypeStruct((NPAD, 64), jnp.float32),
    )(dacc, oacc, jnp.asarray(pmat))
    return out[:num_nodes]


def kernel(edge_features, node_attrs, Wq1, Wq2, Wq3, Wk1, Wk2, Wk3, edge_index, node_types):
    E = edge_features.shape[0]
    num_nodes = node_types.shape[0]
    edge_center = edge_index[0]

    na_pad = jnp.pad(node_attrs, ((0, 0), (0, 128 - node_attrs.shape[1])))
    ga = _sc_gather(edge_center, na_pad)
    w16, w128 = _compute_w(ga, edge_features[:, :N_SCALARS],
                           Wq1, Wq2, Wq3, Wk1, Wk2, Wk3)
    m = _seg_max(edge_center, w128)
    dacc, wexp = _denom(edge_center, w16, m)
    oacc = _wsum(edge_center, edge_features, wexp)
    return _finalize(dacc, oacc, num_nodes)

# --- scband reference (transcript-rebuilt; emitter-appended) ---
"""Pipeline reference for scband-edgewise-reduce-49632642072860 (READ-ONLY COPY).

The authoritative reference and input builder live on the scoring server;
editing this copy changes nothing except your own understanding.
"""

import jax, jax.numpy as jnp
import numpy as np

N_NODES = 10000
N_EDGES = 160000
MUL = 16
HEAD_DIM = 32
N_SCALARS = 16  # irreps_mul * n_l[0] = 16 * 1
FEAT_DIM = 64   # 16x0e + 16x1o -> 16 + 48
ATTR_DIM = 64
LATENT = 64
ISQRTD = 5  # math.isqrt(32); original code MULTIPLIES by isqrt(head_dim)


def _mlp(x, W1, W2, W3):
    # ScalarMLPFunction with mlp_latent_dimensions=[64, 64], silu nonlinearity
    h = jax.nn.silu(x @ W1)
    h = jax.nn.silu(h @ W2)
    return h @ W3


def _forward(edge_features, node_attrs, Wq1, Wq2, Wq3, Wk1, Wk2, Wk3, edge_index, node_types):
    E = edge_features.shape[0]
    num_nodes = node_types.shape[0]
    edge_center = edge_index[0]
    # Q from gathered node attrs, K from scalar part of edge features
    Q = _mlp(node_attrs[edge_center], Wq1, Wq2, Wq3).reshape(E, N_SCALARS, HEAD_DIM)
    K = _mlp(edge_features[:, :N_SCALARS], Wk1, Wk2, Wk3).reshape(E, N_SCALARS, HEAD_DIM)
    W = jnp.sum(Q * K, axis=-1) * ISQRTD  # [E, n_scalars]
    # scatter_softmax over edges grouped by center node
    m = jax.ops.segment_max(W, edge_center, num_segments=num_nodes)
    m = jnp.where(jnp.isfinite(m), m, 0.0)
    w_exp = jnp.exp(W - jax.lax.stop_gradient(m)[edge_center])
    denom = jax.ops.segment_sum(w_exp, edge_center, num_segments=num_nodes)
    alpha = w_exp / denom[edge_center]  # [E, MUL]
    # reshape_irreps: [E, 64] -> [E, MUL=16, 4] (scalar + 3 vector comps per mul channel)
    scal = edge_features[:, :MUL].reshape(E, MUL, 1)
    vec = edge_features[:, MUL:].reshape(E, MUL, 3)
    ef = jnp.concatenate([scal, vec], axis=-1)
    # einsum('emd,em->emd', ...)
    ef = ef * alpha[:, :, None]
    # inverse_reshape_irreps: [E, 16, 4] -> [E, 64]
    out_edge = jnp.concatenate([ef[:, :, 0], ef[:, :, 1:].reshape(E, MUL * 3)], axis=-1)
    # scatter-sum into nodes
    return jax.ops.segment_sum(out_edge, edge_center, num_segments=num_nodes)


def setup_inputs(seed: int = 0):
    key = jax.random.key(seed)
    ks = jax.random.split(key, 10)
    edge_index = jax.random.randint(ks[0], (2, N_EDGES), 0, N_NODES)
    edge_features = jax.random.normal(ks[1], (N_EDGES, FEAT_DIM), dtype=jnp.float32)
    node_attrs = jax.random.normal(ks[2], (N_NODES, ATTR_DIM), dtype=jnp.float32)
    node_types = jax.random.randint(ks[3], (N_NODES,), 0, 4)
    Wq1 = jax.random.normal(ks[4], (ATTR_DIM, LATENT), dtype=jnp.float32) / np.sqrt(ATTR_DIM)
    Wq2 = jax.random.normal(ks[5], (LATENT, LATENT), dtype=jnp.float32) / np.sqrt(LATENT)
    Wq3 = jax.random.normal(ks[6], (LATENT, N_SCALARS * HEAD_DIM), dtype=jnp.float32) / np.sqrt(LATENT)
    Wk1 = jax.random.normal(ks[7], (N_SCALARS, LATENT), dtype=jnp.float32) / np.sqrt(N_SCALARS)
    Wk2 = jax.random.normal(ks[8], (LATENT, LATENT), dtype=jnp.float32) / np.sqrt(LATENT)
    Wk3 = jax.random.normal(ks[9], (LATENT, N_SCALARS * HEAD_DIM), dtype=jnp.float32) / np.sqrt(LATENT)
    return {"edge_features": edge_features, "node_attrs": node_attrs, "Wq1": Wq1, "Wq2": Wq2, "Wq3": Wq3, "Wk1": Wk1, "Wk2": Wk2, "Wk3": Wk3, "edge_index": edge_index, "node_types": node_types}


def reference(edge_features, node_attrs, Wq1, Wq2, Wq3, Wk1, Wk2, Wk3, edge_index, node_types):
    return _forward(edge_features, node_attrs, Wq1, Wq2, Wq3, Wk1, Wk2, Wk3, edge_index, node_types)

if __name__ == "__main__":
    import jax
    _d = setup_inputs()
    print(jax.jit(kernel)(*tuple(_d.values())))

</pallas_src>

<mosaic_0001>
#map = affine_map<(d0, d1) -> (0)>
#map1 = affine_map<(d0, d1) -> (0, 0)>
#map2 = affine_map<(d0, d1) -> (0, 0, 0)>
module attributes {stable_mosaic.version = 14 : i64} {
  func.func @_denom_body(%arg0: i32, %arg1: i32, %arg2: memref<160000xi32, #tpu.memory_space<hbm>>, %arg3: memref<160000x16xf32, #tpu.memory_space<hbm>>, %arg4: memref<10240x16xf32, #tpu.memory_space<hbm>>, %arg5: memref<2x10240x16xf32, #tpu.memory_space<hbm>>, %arg6: memref<160000x16xf32, #tpu.memory_space<hbm>>, %arg7: memref<10240x16xf32, #tpu.memory_space<vmem_shared>>, %arg8: memref<10240x16xf32, #tpu.memory_space<vmem_shared>>, %arg9: memref<128xi32, #tpu.memory_space<vmem>>, %arg10: memref<128x16xf32, #tpu.memory_space<vmem>>, %arg11: memref<128x16xf32, #tpu.memory_space<vmem>>, %arg12: memref<128x16xf32, #tpu.memory_space<vmem>>, %arg13: memref<!tpu.dma_semaphore, #tpu.memory_space<semaphore_mem>>) attributes {dimension_semantics = [#tpu.dimension_semantics<core_parallel>, #tpu.dimension_semantics<subcore_parallel>], iteration_bounds = array<i64: 2, 16>, scalar_prefetch = 0 : i64, scratch_operands = 7 : i64, tpu.core_type = #tpu.core_type<sc_vector_subcore>, window_params = [{transform_indices = #map}, {transform_indices = #map1}, {transform_indices = #map1}, {transform_indices = #map2}, {transform_indices = #map1}]} {
    %mul3A = arith.constant 2 : i32
    %mul3A_0 = arith.muli %arg1, %mul3A : i32
    %add3A = arith.addi %mul3A_0, %arg0 : i32
    %broadcast_in_dim3A = arith.constant 0.000000e+00 : f32
    %broadcast_in_dim3A_1 = vector.broadcast %broadcast_in_dim3A : f32 to vector<16xf32>
    %scan3A = arith.constant 0 : i32
    %scan3A_2 = arith.constant 0 : i32
    %scan3A_3 = arith.constant 128 : i32
    %scan3A_4 = arith.addi %scan3A_2, %scan3A_3 : i32
    %scan3A_5 = arith.constant 1 : i32
    scf.for %scan3A_42 = %scan3A_2 to %scan3A_4 step %scan3A_5  : i32 {
      %swap3A = arith.index_cast %scan3A_42 : i32 to index
      %swap3A_43 = arith.constant 0 : index
      %swap3A_44 = tpu.vector_load %arg12[%swap3A, %swap3A_43] {strides = array<i32>} : memref<128x16xf32, #tpu.memory_space<vmem>>, vector<16xf32>,
      tpu.vector_store %arg12[%swap3A, %swap3A_43], %broadcast_in_dim3A_1 {strides = array<i32>} : memref<128x16xf32, #tpu.memory_space<vmem>>, vector<16xf32>,
    }
    %scan3A_6 = arith.constant 128 : i32
    %mul3A_7 = arith.constant 640 : i32
    %mul3A_8 = arith.muli %arg1, %mul3A_7 : i32
    %mul3A_9 = arith.constant 640 : i32
    %mul3A_10 = arith.muli %arg1, %mul3A_9 : i32
    "tpu.region"() ({
      %run_scoped3A = tpu.sem_alloc : memref<!tpu.dma_semaphore, #tpu.memory_space<semaphore_mem>>
      %dma_start3A = arith.constant 0 : i32
      %dma_start3A_42 = tpu.memref_slice %arg7[%mul3A_10, %dma_start3A] : memref<10240x16xf32, #tpu.memory_space<vmem_shared>> -> memref<640x16xf32, #tpu.memory_space<vmem_shared>>
      %dma_start3A_43 = arith.constant 0 : i32
      %dma_start3A_44 = tpu.memref_slice %arg4[%mul3A_8, %dma_start3A_43] : memref<10240x16xf32, #tpu.memory_space<hbm>> -> memref<640x16xf32, #tpu.memory_space<hbm>>
      tpu.enqueue_dma source(%dma_start3A_44 : memref<640x16xf32, #tpu.memory_space<hbm>>) target(%dma_start3A_42 : memref<640x16xf32, #tpu.memory_space<vmem_shared>>) target_semaphore(%run_scoped3A : memref<!tpu.dma_semaphore, #tpu.memory_space<semaphore_mem>>)
      %dma_wait3A = arith.constant 0 : i32
      %dma_wait3A_45 = tpu.memref_slice %arg7[%mul3A_10, %dma_wait3A] : memref<10240x16xf32, #tpu.memory_space<vmem_shared>> -> memref<640x16xf32, #tpu.memory_space<vmem_shared>>
      %dma_wait3A_46 = arith.constant 0 : i32
      %dma_wait3A_47 = tpu.memref_slice %arg4[%mul3A_8, %dma_wait3A_46] : memref<10240x16xf32, #tpu.memory_space<hbm>> -> memref<640x16xf32, #tpu.memory_space<hbm>>
      tpu.wait_dma2 semaphore(%run_scoped3A : memref<!tpu.dma_semaphore, #tpu.memory_space<semaphore_mem>>) src(%dma_wait3A_47 : memref<640x16xf32, #tpu.memory_space<hbm>>) dst(%dma_wait3A_45 : memref<640x16xf32, #tpu.memory_space<vmem_shared>>)
      tpu.yield
    }) : () -> ()
    %mul3A_11 = arith.constant 640 : i32
    %mul3A_12 = arith.muli %arg1, %mul3A_11 : i32
    %add3A_13 = arith.constant 0 : i32
    %add3A_14 = arith.addi %mul3A_12, %add3A_13 : i32
    "tpu.region"() ({
      %run_scoped3A = tpu.sem_alloc : memref<!tpu.dma_semaphore, #tpu.memory_space<semaphore_mem>>
      %dma_start3A = arith.constant 0 : i32
      %dma_start3A_42 = tpu.memref_slice %arg8[%add3A_14, %dma_start3A] : memref<10240x16xf32, #tpu.memory_space<vmem_shared>> -> memref<128x16xf32, #tpu.memory_space<vmem_shared>>
      %dma_start3A_43 = arith.constant 0 : i32
      %dma_start3A_44 = tpu.memref_slice %arg8[%add3A_14, %dma_start3A_43] : memref<10240x16xf32, #tpu.memory_space<vmem_shared>> -> memref<128x16xf32, #tpu.memory_space<vmem_shared>>
      tpu.enqueue_dma source(%arg12 : memref<128x16xf32, #tpu.memory_space<vmem>>) target(%dma_start3A_44 : memref<128x16xf32, #tpu.memory_space<vmem_shared>>) target_semaphore(%run_scoped3A : memref<!tpu.dma_semaphore, #tpu.memory_space<semaphore_mem>>)
      %dma_wait3A = arith.constant 0 : i32
      %dma_wait3A_45 = tpu.memref_slice %arg8[%add3A_14, %dma_wait3A] : memref<10240x16xf32, #tpu.memory_space<vmem_shared>> -> memref<128x16xf32, #tpu.memory_space<vmem_shared>>
      %dma_wait3A_46 = arith.constant 0 : i32
      %dma_wait3A_47 = tpu.memref_slice %arg8[%add3A_14, %dma_wait3A_46] : memref<10240x16xf32, #tpu.memory_space<vmem_shared>> -> memref<128x16xf32, #tpu.memory_space<vmem_shared>>
      tpu.wait_dma2 semaphore(%run_scoped3A : memref<!tpu.dma_semaphore, #tpu.memory_space<semaphore_mem>>) src(%arg12 : memref<128x16xf32, #tpu.memory_space<vmem>>) dst(%dma_wait3A_47 : memref<128x16xf32, #tpu.memory_space<vmem_shared>>)
      tpu.yield
    }) : () -> ()
    %mul3A_15 = arith.constant 640 : i32
    %mul3A_16 = arith.muli %arg1, %mul3A_15 : i32
    %add3A_17 = arith.constant 128 : i32
    %add3A_18 = arith.addi %mul3A_16, %add3A_17 : i32
    "tpu.region"() ({
      %run_scoped3A = tpu.sem_alloc : memref<!tpu.dma_semaphore, #tpu.memory_space<semaphore_mem>>
      %dma_start3A = arith.constant 0 : i32
      %dma_start3A_42 = tpu.memref_slice %arg8[%add3A_18, %dma_start3A] : memref<10240x16xf32, #tpu.memory_space<vmem_shared>> -> memref<128x16xf32, #tpu.memory_space<vmem_shared>>
      %dma_start3A_43 = arith.constant 0 : i32
      %dma_start3A_44 = tpu.memref_slice %arg8[%add3A_18, %dma_start3A_43] : memref<10240x16xf32, #tpu.memory_space<vmem_shared>> -> memref<128x16xf32, #tpu.memory_space<vmem_shared>>
      tpu.enqueue_dma source(%arg12 : memref<128x16xf32, #tpu.memory_space<vmem>>) target(%dma_start3A_44 : memref<128x16xf32, #tpu.memory_space<vmem_shared>>) target_semaphore(%run_scoped3A : memref<!tpu.dma_semaphore, #tpu.memory_space<semaphore_mem>>)
      %dma_wait3A = arith.constant 0 : i32
      %dma_wait3A_45 = tpu.memref_slice %arg8[%add3A_18, %dma_wait3A] : memref<10240x16xf32, #tpu.memory_space<vmem_shared>> -> memref<128x16xf32, #tpu.memory_space<vmem_shared>>
      %dma_wait3A_46 = arith.constant 0 : i32
      %dma_wait3A_47 = tpu.memref_slice %arg8[%add3A_18, %dma_wait3A_46] : memref<10240x16xf32, #tpu.memory_space<vmem_shared>> -> memref<128x16xf32, #tpu.memory_space<vmem_shared>>
      tpu.wait_dma2 semaphore(%run_scoped3A : memref<!tpu.dma_semaphore, #tpu.memory_space<semaphore_mem>>) src(%arg12 : memref<128x16xf32, #tpu.memory_space<vmem>>) dst(%dma_wait3A_47 : memref<128x16xf32, #tpu.memory_space<vmem_shared>>)
      tpu.yield
    }) : () -> ()
    %mul3A_19 = arith.constant 640 : i32
    %mul3A_20 = arith.muli %arg1, %mul3A_19 : i32
    %add3A_21 = arith.constant 256 : i32
    %add3A_22 = arith.addi %mul3A_20, %add3A_21 : i32
    "tpu.region"() ({
      %run_scoped3A = tpu.sem_alloc : memref<!tpu.dma_semaphore, #tpu.memory_space<semaphore_mem>>
      %dma_start3A = arith.constant 0 : i32
      %dma_start3A_42 = tpu.memref_slice %arg8[%add3A_22, %dma_start3A] : memref<10240x16xf32, #tpu.memory_space<vmem_shared>> -> memref<128x16xf32, #tpu.memory_space<vmem_shared>>
      %dma_start3A_43 = arith.constant 0 : i32
      %dma_start3A_44 = tpu.memref_slice %arg8[%add3A_22, %dma_start3A_43] : memref<10240x16xf32, #tpu.memory_space<vmem_shared>> -> memref<128x16xf32, #tpu.memory_space<vmem_shared>>
      tpu.enqueue_dma source(%arg12 : memref<128x16xf32, #tpu.memory_space<vmem>>) target(%dma_start3A_44 : memref<128x16xf32, #tpu.memory_space<vmem_shared>>) target_semaphore(%run_scoped3A : memref<!tpu.dma_semaphore, #tpu.memory_space<semaphore_mem>>)
      %dma_wait3A = arith.constant 0 : i32
      %dma_wait3A_45 = tpu.memref_slice %arg8[%add3A_22, %dma_wait3A] : memref<10240x16xf32, #tpu.memory_space<vmem_shared>> -> memref<128x16xf32, #tpu.memory_space<vmem_shared>>
      %dma_wait3A_46 = arith.constant 0 : i32
      %dma_wait3A_47 = tpu.memref_slice %arg8[%add3A_22, %dma_wait3A_46] : memref<10240x16xf32, #tpu.memory_space<vmem_shared>> -> memref<128x16xf32, #tpu.memory_space<vmem_shared>>
      tpu.wait_dma2 semaphore(%run_scoped3A : memref<!tpu.dma_semaphore, #tpu.memory_space<semaphore_mem>>) src(%arg12 : memref<128x16xf32, #tpu.memory_space<vmem>>) dst(%dma_wait3A_47 : memref<128x16xf32, #tpu.memory_space<vmem_shared>>)
      tpu.yield
    }) : () -> ()
    %mul3A_23 = arith.constant 640 : i32
    %mul3A_24 = arith.muli %arg1, %mul3A_23 : i32
    %add3A_25 = arith.constant 384 : i32
    %add3A_26 = arith.addi %mul3A_24, %add3A_25 : i32
    "tpu.region"() ({
      %run_scoped3A = tpu.sem_alloc : memref<!tpu.dma_semaphore, #tpu.memory_space<semaphore_mem>>
      %dma_start3A = arith.constant 0 : i32
      %dma_start3A_42 = tpu.memref_slice %arg8[%add3A_26, %dma_start3A] : memref<10240x16xf32, #tpu.memory_space<vmem_shared>> -> memref<128x16xf32, #tpu.memory_space<vmem_shared>>
      %dma_start3A_43 = arith.constant 0 : i32
      %dma_start3A_44 = tpu.memref_slice %arg8[%add3A_26, %dma_start3A_43] : memref<10240x16xf32, #tpu.memory_space<vmem_shared>> -> memref<128x16xf32, #tpu.memory_space<vmem_shared>>
      tpu.enqueue_dma source(%arg12 : memref<128x16xf32, #tpu.memory_space<vmem>>) target(%dma_start3A_44 : memref<128x16xf32, #tpu.memory_space<vmem_shared>>) target_semaphore(%run_scoped3A : memref<!tpu.dma_semaphore, #tpu.memory_space<semaphore_mem>>)
      %dma_wait3A = arith.constant 0 : i32
      %dma_wait3A_45 = tpu.memref_slice %arg8[%add3A_26, %dma_wait3A] : memref<10240x16xf32, #tpu.memory_space<vmem_shared>> -> memref<128x16xf32, #tpu.memory_space<vmem_shared>>
      %dma_wait3A_46 = arith.constant 0 : i32
      %dma_wait3A_47 = tpu.memref_slice %arg8[%add3A_26, %dma_wait3A_46] : memref<10240x16xf32, #tpu.memory_space<vmem_shared>> -> memref<128x16xf32, #tpu.memory_space<vmem_shared>>
      tpu.wait_dma2 semaphore(%run_scoped3A : memref<!tpu.dma_semaphore, #tpu.memory_space<semaphore_mem>>) src(%arg12 : memref<128x16xf32, #tpu.memory_space<vmem>>) dst(%dma_wait3A_47 : memref<128x16xf32, #tpu.memory_space<vmem_shared>>)
      tpu.yield
    }) : () -> ()
    %mul3A_27 = arith.constant 640 : i32
    %mul3A_28 = arith.muli %arg1, %mul3A_27 : i32
    %add3A_29 = arith.constant 512 : i32
    %add3A_30 = arith.addi %mul3A_28, %add3A_29 : i32
    "tpu.region"() ({
      %run_scoped3A = tpu.sem_alloc : memref<!tpu.dma_semaphore, #tpu.memory_space<semaphore_mem>>
      %dma_start3A = arith.constant 0 : i32
      %dma_start3A_42 = tpu.memref_slice %arg8[%add3A_30, %dma_start3A] : memref<10240x16xf32, #tpu.memory_space<vmem_shared>> -> memref<128x16xf32, #tpu.memory_space<vmem_shared>>
      %dma_start3A_43 = arith.constant 0 : i32
      %dma_start3A_44 = tpu.memref_slice %arg8[%add3A_30, %dma_start3A_43] : memref<10240x16xf32, #tpu.memory_space<vmem_shared>> -> memref<128x16xf32, #tpu.memory_space<vmem_shared>>
      tpu.enqueue_dma source(%arg12 : memref<128x16xf32, #tpu.memory_space<vmem>>) target(%dma_start3A_44 : memref<128x16xf32, #tpu.memory_space<vmem_shared>>) target_semaphore(%run_scoped3A : memref<!tpu.dma_semaphore, #tpu.memory_space<semaphore_mem>>)
      %dma_wait3A = arith.constant 0 : i32
      %dma_wait3A_45 = tpu.memref_slice %arg8[%add3A_30, %dma_wait3A] : memref<10240x16xf32, #tpu.memory_space<vmem_shared>> -> memref<128x16xf32, #tpu.memory_space<vmem_shared>>
      %dma_wait3A_46 = arith.constant 0 : i32
      %dma_wait3A_47 = tpu.memref_slice %arg8[%add3A_30, %dma_wait3A_46] : memref<10240x16xf32, #tpu.memory_space<vmem_shared>> -> memref<128x16xf32, #tpu.memory_space<vmem_shared>>
      tpu.wait_dma2 semaphore(%run_scoped3A : memref<!tpu.dma_semaphore, #tpu.memory_space<semaphore_mem>>) src(%arg12 : memref<128x16xf32, #tpu.memory_space<vmem>>) dst(%dma_wait3A_47 : memref<128x16xf32, #tpu.memory_space<vmem_shared>>)
      tpu.yield
    }) : () -> ()
    %barrier3A = arith.constant 0 : index
    tpu.barrier barrier_id(%barrier3A)
    %scan3A_31 = arith.constant 0 : i32
    %scan3A_32 = arith.constant 0 : i32
    %scan3A_33 = arith.constant 40 : i32
    %scan3A_34 = arith.addi %scan3A_32, %scan3A_33 : i32
    %scan3A_35 = arith.constant 1 : i32
    scf.for %scan3A_42 = %scan3A_32 to %scan3A_34 step %scan3A_35  : i32 {
      %mul3A_43 = arith.constant 32 : i32
      %mul3A_44 = arith.muli %mul3A_43, %scan3A_42 : i32
      %add3A_45 = arith.addi %add3A, %mul3A_44 : i32
      %lt3A = arith.constant 1250 : i32
      %lt3A_46 = arith.cmpi slt, %add3A_45, %lt3A : i32
      %convert_element_type3A = arith.extui %lt3A_46 : i1 to i32
      %cond3A = arith.constant 0 : i32
      %cond3A_47 = arith.cmpi ne, %convert_element_type3A, %cond3A : i32
      scf.if %cond3A_47 {
        %mul3A_48 = arith.constant 128 : i32
        %mul3A_49 = arith.muli %add3A_45, %mul3A_48 : i32
        "tpu.region"() ({
          %run_scoped3A = tpu.sem_alloc : memref<!tpu.dma_semaphore, #tpu.memory_space<semaphore_mem>>
          %dma_start3A_60 = tpu.memref_slice %arg2[%mul3A_49] : memref<160000xi32, #tpu.memory_space<hbm>> -> memref<128xi32, #tpu.memory_space<hbm>>
          %dma_start3A_61 = tpu.memref_slice %arg2[%mul3A_49] : memref<160000xi32, #tpu.memory_space<hbm>> -> memref<128xi32, #tpu.memory_space<hbm>>
          tpu.enqueue_dma source(%dma_start3A_61 : memref<128xi32, #tpu.memory_space<hbm>>) target(%arg9 : memref<128xi32, #tpu.memory_space<vmem>>) target_semaphore(%run_scoped3A : memref<!tpu.dma_semaphore, #tpu.memory_space<semaphore_mem>>)
          %dma_wait3A_62 = tpu.memref_slice %arg2[%mul3A_49] : memref<160000xi32, #tpu.memory_space<hbm>> -> memref<128xi32, #tpu.memory_space<hbm>>
          %dma_wait3A_63 = tpu.memref_slice %arg2[%mul3A_49] : memref<160000xi32, #tpu.memory_space<hbm>> -> memref<128xi32, #tpu.memory_space<hbm>>
          tpu.wait_dma2 semaphore(%run_scoped3A : memref<!tpu.dma_semaphore, #tpu.memory_space<semaphore_mem>>) src(%dma_wait3A_63 : memref<128xi32, #tpu.memory_space<hbm>>) dst(%arg9 : memref<128xi32, #tpu.memory_space<vmem>>)
          tpu.yield
        }) : () -> ()
        "tpu.region"() ({
          %run_scoped3A = tpu.sem_alloc : memref<!tpu.dma_semaphore, #tpu.memory_space<semaphore_mem>>
          %dma_start3A_60 = arith.constant 0 : i32
          %dma_start3A_61 = tpu.memref_slice %arg3[%mul3A_49, %dma_start3A_60] : memref<160000x16xf32, #tpu.memory_space<hbm>> -> memref<128x16xf32, #tpu.memory_space<hbm>>
          %dma_start3A_62 = arith.constant 0 : i32
          %dma_start3A_63 = tpu.memref_slice %arg3[%mul3A_49, %dma_start3A_62] : memref<160000x16xf32, #tpu.memory_space<hbm>> -> memref<128x16xf32, #tpu.memory_space<hbm>>
          tpu.enqueue_dma source(%dma_start3A_63 : memref<128x16xf32, #tpu.memory_space<hbm>>) target(%arg10 : memref<128x16xf32, #tpu.memory_space<vmem>>) target_semaphore(%run_scoped3A : memref<!tpu.dma_semaphore, #tpu.memory_space<semaphore_mem>>)
          %dma_wait3A_64 = arith.constant 0 : i32
          %dma_wait3A_65 = tpu.memref_slice %arg3[%mul3A_49, %dma_wait3A_64] : memref<160000x16xf32, #tpu.memory_space<hbm>> -> memref<128x16xf32, #tpu.memory_space<hbm>>
          %dma_wait3A_66 = arith.constant 0 : i32
          %dma_wait3A_67 = tpu.memref_slice %arg3[%mul3A_49, %dma_wait3A_66] : memref<160000x16xf32, #tpu.memory_space<hbm>> -> memref<128x16xf32, #tpu.memory_space<hbm>>
          tpu.wait_dma2 semaphore(%run_scoped3A : memref<!tpu.dma_semaphore, #tpu.memory_space<semaphore_mem>>) src(%dma_wait3A_67 : memref<128x16xf32, #tpu.memory_space<hbm>>) dst(%arg10 : memref<128x16xf32, #tpu.memory_space<vmem>>)
          tpu.yield
        }) : () -> ()
        %dma_start3A = arith.constant 0 : i32
        %dma_start3A_50 = arith.constant 0 : i32
        %dma_start3A_51 = tpu.memref_slice %arg7[%dma_start3A, %dma_start3A_50] : memref<10240x16xf32, #tpu.memory_space<vmem_shared>> -> memref<10240x16xf32, #tpu.memory_space<vmem_shared>>
        tpu.enqueue_indirect_dma source(%dma_start3A_51 : memref<10240x16xf32, #tpu.memory_space<vmem_shared>>) target(%arg11 : memref<128x16xf32, #tpu.memory_space<vmem>>) offsets(%arg9 : memref<128xi32, #tpu.memory_space<vmem>>) semaphore(%arg13 : memref<!tpu.dma_semaphore, #tpu.memory_space<semaphore_mem>>)
        %dma_wait3A = arith.constant 0 : i32
        %dma_wait3A_52 = arith.constant 0 : i32
        %dma_wait3A_53 = tpu.memref_slice %arg7[%dma_wait3A, %dma_wait3A_52] : memref<10240x16xf32, #tpu.memory_space<vmem_shared>> -> memref<10240x16xf32, #tpu.memory_space<vmem_shared>>
        tpu.wait_indirect_dma semaphore(%arg13 : memref<!tpu.dma_semaphore, #tpu.memory_space<semaphore_mem>>) src(%dma_wait3A_53 : memref<10240x16xf32, #tpu.memory_space<vmem_shared>>) dst(%arg11 : memref<128x16xf32, #tpu.memory_space<vmem>>)
        %scan3A_54 = arith.constant 0 : i32
        %scan3A_55 = arith.constant 0 : i32
        %scan3A_56 = arith.constant 128 : i32
        %scan3A_57 = arith.addi %scan3A_55, %scan3A_56 : i32
        %scan3A_58 = arith.constant 1 : i32
        scf.for %scan3A_60 = %scan3A_55 to %scan3A_57 step %scan3A_58  : i32 {
          %get3A = arith.index_cast %scan3A_60 : i32 to index
          %get3A_61 = arith.constant 0 : index
          %get3A_62 = tpu.vector_load %arg10[%get3A, %get3A_61] {strides = array<i32>} : memref<128x16xf32, #tpu.memory_space<vmem>>, vector<16xf32>,
          %get3A_63 = arith.index_cast %scan3A_60 : i32 to index
          %get3A_64 = arith.constant 0 : index
          %get3A_65 = tpu.vector_load %arg11[%get3A_63, %get3A_64] {strides = array<i32>} : memref<128x16xf32, #tpu.memory_space<vmem>>, vector<16xf32>,
          %sub3A = arith.subf %get3A_62, %get3A_65 : vector<16xf32>
          %exp3A = math.exp %sub3A : vector<16xf32>
          %swap3A = arith.index_cast %scan3A_60 : i32 to index
          %swap3A_66 = arith.constant 0 : index
          %swap3A_67 = tpu.vector_load %arg12[%swap3A, %swap3A_66] {strides = array<i32>} : memref<128x16xf32, #tpu.memory_space<vmem>>, vector<16xf32>,
          tpu.vector_store %arg12[%swap3A, %swap3A_66], %exp3A {strides = array<i32>} : memref<128x16xf32, #tpu.memory_space<vmem>>, vector<16xf32>,
        }
        %scan3A_59 = arith.constant 128 : i32
        "tpu.region"() ({
          %run_scoped3A = tpu.sem_alloc : memref<!tpu.dma_semaphore, #tpu.memory_space<semaphore_mem>>
          %dma_start3A_60 = arith.constant 0 : i32
          %dma_start3A_61 = tpu.memref_slice %arg6[%mul3A_49, %dma_start3A_60] : memref<160000x16xf32, #tpu.memory_space<hbm>> -> memref<128x16xf32, #tpu.memory_space<hbm>>
          %dma_start3A_62 = arith.constant 0 : i32
          %dma_start3A_63 = tpu.memref_slice %arg6[%mul3A_49, %dma_start3A_62] : memref<160000x16xf32, #tpu.memory_space<hbm>> -> memref<128x16xf32, #tpu.memory_space<hbm>>
          tpu.enqueue_dma source(%arg12 : memref<128x16xf32, #tpu.memory_space<vmem>>) target(%dma_start3A_63 : memref<128x16xf32, #tpu.memory_space<hbm>>) target_semaphore(%run_scoped3A : memref<!tpu.dma_semaphore, #tpu.memory_space<semaphore_mem>>)
          %dma_wait3A_64 = arith.constant 0 : i32
          %dma_wait3A_65 = tpu.memref_slice %arg6[%mul3A_49, %dma_wait3A_64] : memref<160000x16xf32, #tpu.memory_space<hbm>> -> memref<128x16xf32, #tpu.memory_space<hbm>>
          %dma_wait3A_66 = arith.constant 0 : i32
          %dma_wait3A_67 = tpu.memref_slice %arg6[%mul3A_49, %dma_wait3A_66] : memref<160000x16xf32, #tpu.memory_space<hbm>> -> memref<128x16xf32, #tpu.memory_space<hbm>>
          tpu.wait_dma2 semaphore(%run_scoped3A : memref<!tpu.dma_semaphore, #tpu.memory_space<semaphore_mem>>) src(%arg12 : memref<128x16xf32, #tpu.memory_space<vmem>>) dst(%dma_wait3A_67 : memref<128x16xf32, #tpu.memory_space<hbm>>)
          tpu.yield
        }) : () -> ()
        "tpu.region"() ({
          %run_scoped3A = tpu.sem_alloc : memref<!tpu.dma_semaphore, #tpu.memory_space<semaphore_mem>>
          %dma_start3A_60 = arith.constant 0 : i32
          %dma_start3A_61 = arith.constant 0 : i32
          %dma_start3A_62 = tpu.memref_slice %arg8[%dma_start3A_60, %dma_start3A_61] : memref<10240x16xf32, #tpu.memory_space<vmem_shared>> -> memref<10240x16xf32, #tpu.memory_space<vmem_shared>>
          tpu.enqueue_indirect_dma source(%arg12 : memref<128x16xf32, #tpu.memory_space<vmem>>) target(%dma_start3A_62 : memref<10240x16xf32, #tpu.memory_space<vmem_shared>>) offsets(%arg9 : memref<128xi32, #tpu.memory_space<vmem>>) semaphore(%run_scoped3A : memref<!tpu.dma_semaphore, #tpu.memory_space<semaphore_mem>>) {add = true}
          %dma_wait3A_63 = arith.constant 0 : i32
          %dma_wait3A_64 = arith.constant 0 : i32
          %dma_wait3A_65 = tpu.memref_slice %arg8[%dma_wait3A_63, %dma_wait3A_64] : memref<10240x16xf32, #tpu.memory_space<vmem_shared>> -> memref<10240x16xf32, #tpu.memory_space<vmem_shared>>
          tpu.wait_indirect_dma semaphore(%run_scoped3A : memref<!tpu.dma_semaphore, #tpu.memory_space<semaphore_mem>>) src(%arg12 : memref<128x16xf32, #tpu.memory_space<vmem>>) dst(%dma_wait3A_65 : memref<10240x16xf32, #tpu.memory_space<vmem_shared>>)
          tpu.yield
        }) : () -> ()
      } else {
      }
    }
    %scan3A_36 = arith.constant 40 : i32
    %barrier3A_37 = arith.constant 0 : index
    tpu.barrier barrier_id(%barrier3A_37)
    %mul3A_38 = arith.constant 640 : i32
    %mul3A_39 = arith.muli %arg1, %mul3A_38 : i32
    %mul3A_40 = arith.constant 640 : i32
    %mul3A_41 = arith.muli %arg1, %mul3A_40 : i32
    "tpu.region"() ({
      %run_scoped3A = tpu.sem_alloc : memref<!tpu.dma_semaphore, #tpu.memory_space<semaphore_mem>>
      %dma_start3A = arith.constant 0 : i32
      %dma_start3A_42 = tpu.memref_slice %arg5[%arg0, %mul3A_41, %dma_start3A] : memref<2x10240x16xf32, #tpu.memory_space<hbm>> -> memref<1x640x16xf32, #tpu.memory_space<hbm>>
      %dma_start3A_43 = tpu.memref_squeeze %dma_start3A_42 : memref<1x640x16xf32, #tpu.memory_space<hbm>> -> memref<640x16xf32, #tpu.memory_space<hbm>>
      %dma_start3A_44 = arith.constant 0 : i32
      %dma_start3A_45 = tpu.memref_slice %arg8[%mul3A_39, %dma_start3A_44] : memref<10240x16xf32, #tpu.memory_space<vmem_shared>> -> memref<640x16xf32, #tpu.memory_space<vmem_shared>>
      tpu.enqueue_dma source(%dma_start3A_45 : memref<640x16xf32, #tpu.memory_space<vmem_shared>>) target(%dma_start3A_43 : memref<640x16xf32, #tpu.memory_space<hbm>>) target_semaphore(%run_scoped3A : memref<!tpu.dma_semaphore, #tpu.memory_space<semaphore_mem>>)
      %dma_wait3A = arith.constant 0 : i32
      %dma_wait3A_46 = tpu.memref_slice %arg5[%arg0, %mul3A_41, %dma_wait3A] : memref<2x10240x16xf32, #tpu.memory_space<hbm>> -> memref<1x640x16xf32, #tpu.memory_space<hbm>>
      %dma_wait3A_47 = tpu.memref_squeeze %dma_wait3A_46 : memref<1x640x16xf32, #tpu.memory_space<hbm>> -> memref<640x16xf32, #tpu.memory_space<hbm>>
      %dma_wait3A_48 = arith.constant 0 : i32
      %dma_wait3A_49 = tpu.memref_slice %arg8[%mul3A_39, %dma_wait3A_48] : memref<10240x16xf32, #tpu.memory_space<vmem_shared>> -> memref<640x16xf32, #tpu.memory_space<vmem_shared>>
      tpu.wait_dma2 semaphore(%run_scoped3A : memref<!tpu.dma_semaphore, #tpu.memory_space<semaphore_mem>>) src(%dma_wait3A_49 : memref<640x16xf32, #tpu.memory_space<vmem_shared>>) dst(%dma_wait3A_47 : memref<640x16xf32, #tpu.memory_space<hbm>>)
      tpu.yield
    }) : () -> ()
    return
  }
}

#map = affine_map<(d0, d1) -> (0)>
#map1 = affine_map<(d0, d1) -> (0, 0)>
module attributes {stable_mosaic.version = 14 : i64} {
  func.func @_seg_max_body(%arg0: i32, %arg1: i32, %arg2: memref<160000xi32, #tpu.memory_space<hbm>>, %arg3: memref<160000x128xf32, #tpu.memory_space<hbm>>, %arg4: memref<10240x16xf32, #tpu.memory_space<hbm>>, %arg5: memref<6400xi32, #tpu.memory_space<vmem>>, %arg6: memref<6400xi32, #tpu.memory_space<vmem>>, %arg7: memref<6400xi32, #tpu.memory_space<vmem>>, %arg8: memref<256x128xf32, #tpu.memory_space<vmem>>, %arg9: memref<320x16xf32, #tpu.memory_space<vmem>>, %arg10: memref<16xi32, #tpu.memory_space<vmem>>, %arg11: memref<!tpu.dma_semaphore, #tpu.memory_space<semaphore_mem>>) attributes {dimension_semantics = [#tpu.dimension_semantics<core_parallel>, #tpu.dimension_semantics<subcore_parallel>], iteration_bounds = array<i64: 2, 16>, scalar_prefetch = 0 : i64, scratch_operands = 7 : i64, tpu.core_type = #tpu.core_type<sc_vector_subcore>, window_params = [{transform_indices = #map}, {transform_indices = #map1}, {transform_indices = #map1}]} {
    %mul3A = arith.constant 2 : i32
    %mul3A_0 = arith.muli %arg1, %mul3A : i32
    %add3A = arith.addi %mul3A_0, %arg0 : i32
    %mul3A_1 = arith.constant 320 : i32
    %mul3A_2 = arith.muli %add3A, %mul3A_1 : i32
    %iota3A = tpu.iota {dimensions = array<i32: 0>} : vector<16xi32>
    %broadcast_in_dim3A = arith.constant 0xFF800000 : f32
    %broadcast_in_dim3A_3 = vector.broadcast %broadcast_in_dim3A : f32 to vector<16xf32>
    %broadcast_in_dim3A_4 = arith.constant 0 : i32
    %broadcast_in_dim3A_5 = vector.broadcast %broadcast_in_dim3A_4 : i32 to vector<16xi32>
    %scan3A = arith.constant 0 : i32
    %scan3A_6 = arith.constant 0 : i32
    %scan3A_7 = arith.constant 320 : i32
    %scan3A_8 = arith.addi %scan3A_6, %scan3A_7 : i32
    %scan3A_9 = arith.constant 1 : i32
    scf.for %scan3A_23 = %scan3A_6 to %scan3A_8 step %scan3A_9  : i32 {
      %swap3A = arith.index_cast %scan3A_23 : i32 to index
      %swap3A_24 = arith.constant 0 : index
      %swap3A_25 = tpu.vector_load %arg9[%swap3A, %swap3A_24] {strides = array<i32>} : memref<320x16xf32, #tpu.memory_space<vmem>>, vector<16xf32>,
      tpu.vector_store %arg9[%swap3A, %swap3A_24], %broadcast_in_dim3A_3 {strides = array<i32>} : memref<320x16xf32, #tpu.memory_space<vmem>>, vector<16xf32>,
    }
    %scan3A_10 = arith.constant 320 : i32
    %scan3A_11 = arith.constant 0 : i32
    %scan3A_12 = arith.constant 0 : i32
    %scan3A_13 = arith.constant 400 : i32
    %scan3A_14 = arith.addi %scan3A_12, %scan3A_13 : i32
    %scan3A_15 = arith.constant 1 : i32
    scf.for %scan3A_23 = %scan3A_12 to %scan3A_14 step %scan3A_15  : i32 {
      %mul3A_24 = arith.constant 16 : i32
      %mul3A_25 = arith.muli %scan3A_23, %mul3A_24 : i32
      %swap3A = arith.index_cast %mul3A_25 : i32 to index
      %swap3A_26 = tpu.vector_load %arg6[%swap3A] {strides = array<i32>} : memref<6400xi32, #tpu.memory_space<vmem>>, vector<16xi32>,
      tpu.vector_store %arg6[%swap3A], %broadcast_in_dim3A_5 {strides = array<i32>} : memref<6400xi32, #tpu.memory_space<vmem>>, vector<16xi32>,
      %mul3A_27 = arith.constant 16 : i32
      %mul3A_28 = arith.muli %scan3A_23, %mul3A_27 : i32
      %swap3A_29 = arith.index_cast %mul3A_28 : i32 to index
      %swap3A_30 = tpu.vector_load %arg7[%swap3A_29] {strides = array<i32>} : memref<6400xi32, #tpu.memory_space<vmem>>, vector<16xi32>,
      tpu.vector_store %arg7[%swap3A_29], %broadcast_in_dim3A_5 {strides = array<i32>} : memref<6400xi32, #tpu.memory_space<vmem>>, vector<16xi32>,
    }
    %scan3A_16 = arith.constant 400 : i32
    %scan3A_17 = arith.constant 0 : i32
    %scan3A_18 = arith.constant 0 : i32
    %scan3A_19 = arith.constant 25 : i32
    %scan3A_20 = arith.addi %scan3A_18, %scan3A_19 : i32
    %scan3A_21 = arith.constant 1 : i32
    scf.for %scan3A_23 = %scan3A_18 to %scan3A_20 step %scan3A_21  : i32 {
      %mul3A_24 = arith.constant 6400 : i32
      %mul3A_25 = arith.muli %scan3A_23, %mul3A_24 : i32
      "tpu.region"() ({
        %run_scoped3A = tpu.sem_alloc : memref<!tpu.dma_semaphore, #tpu.memory_space<semaphore_mem>>
        %dma_start3A = tpu.memref_slice %arg2[%mul3A_25] : memref<160000xi32, #tpu.memory_space<hbm>> -> memref<6400xi32, #tpu.memory_space<hbm>>
        %dma_start3A_62 = tpu.memref_slice %arg2[%mul3A_25] : memref<160000xi32, #tpu.memory_space<hbm>> -> memref<6400xi32, #tpu.memory_space<hbm>>
        tpu.enqueue_dma source(%dma_start3A_62 : memref<6400xi32, #tpu.memory_space<hbm>>) target(%arg5 : memref<6400xi32, #tpu.memory_space<vmem>>) target_semaphore(%run_scoped3A : memref<!tpu.dma_semaphore, #tpu.memory_space<semaphore_mem>>)
        %dma_wait3A = tpu.memref_slice %arg2[%mul3A_25] : memref<160000xi32, #tpu.memory_space<hbm>> -> memref<6400xi32, #tpu.memory_space<hbm>>
        %dma_wait3A_63 = tpu.memref_slice %arg2[%mul3A_25] : memref<160000xi32, #tpu.memory_space<hbm>> -> memref<6400xi32, #tpu.memory_space<hbm>>
        tpu.wait_dma2 semaphore(%run_scoped3A : memref<!tpu.dma_semaphore, #tpu.memory_space<semaphore_mem>>) src(%dma_wait3A_63 : memref<6400xi32, #tpu.memory_space<hbm>>) dst(%arg5 : memref<6400xi32, #tpu.memory_space<vmem>>)
        tpu.yield
      }) : () -> ()
      %scan3A_26 = arith.constant 0 : i32
      %scan3A_27 = arith.constant 0 : i32
      %scan3A_28 = arith.constant 400 : i32
      %scan3A_29 = arith.addi %scan3A_27, %scan3A_28 : i32
      %scan3A_30 = arith.constant 1 : i32
      %scan3A_31 = scf.for %scan3A_62 = %scan3A_27 to %scan3A_29 step %scan3A_30 iter_args(%scan3A_63 = %scan3A_26) -> (i32)  : i32 {
        %mul3A_64 = arith.constant 16 : i32
        %mul3A_65 = arith.muli %scan3A_62, %mul3A_64 : i32
        %get3A = arith.index_cast %mul3A_65 : i32 to index
        %get3A_66 = tpu.vector_load %arg5[%get3A] {strides = array<i32>} : memref<6400xi32, #tpu.memory_space<vmem>>, vector<16xi32>,
        %sub3A_67 = vector.broadcast %mul3A_2 : i32 to vector<16xi32>
        %sub3A_68 = arith.subi %get3A_66, %sub3A_67 : vector<16xi32>
        %ge3A = arith.constant 0 : i32
        %ge3A_69 = vector.broadcast %ge3A : i32 to vector<16xi32>
        %ge3A_70 = arith.cmpi sge, %sub3A_68, %ge3A_69 : vector<16xi32>
        %lt3A = arith.constant 320 : i32
        %lt3A_71 = vector.broadcast %lt3A : i32 to vector<16xi32>
        %lt3A_72 = arith.cmpi slt, %sub3A_68, %lt3A_71 : vector<16xi32>
        %and3A_73 = arith.andi %ge3A_70, %lt3A_72 : vector<16xi1>
        %mul3A_74 = arith.constant 6400 : i32
        %mul3A_75 = arith.muli %scan3A_23, %mul3A_74 : i32
        %mul3A_76 = arith.constant 16 : i32
        %mul3A_77 = arith.muli %scan3A_62, %mul3A_76 : i32
        %add3A_78 = arith.addi %mul3A_75, %mul3A_77 : i32
        %broadcast_in_dim3A_79 = vector.broadcast %add3A_78 : i32 to vector<16xi32>
        %add3A_80 = arith.addi %broadcast_in_dim3A_79, %iota3A : vector<16xi32>
        %swap3A = arith.index_cast %scan3A_63 : i32 to index
        %swap3A_81 = tpu.vector_load %arg6[%swap3A] masked %and3A_73 {strides = array<i32>} : memref<6400xi32, #tpu.memory_space<vmem>>, vector<16xi32>, vector<16xi1>
        tpu.vector_store %arg6[%swap3A], %add3A_80 masked %and3A_73 {strides = array<i32>} : memref<6400xi32, #tpu.memory_space<vmem>>, vector<16xi32>, vector<16xi1>
        %swap3A_82 = arith.index_cast %scan3A_63 : i32 to index
        %swap3A_83 = tpu.vector_load %arg7[%swap3A_82] masked %and3A_73 {strides = array<i32>} : memref<6400xi32, #tpu.memory_space<vmem>>, vector<16xi32>, vector<16xi1>
        tpu.vector_store %arg7[%swap3A_82], %sub3A_68 masked %and3A_73 {strides = array<i32>} : memref<6400xi32, #tpu.memory_space<vmem>>, vector<16xi32>, vector<16xi1>
        %all_reduce_population_count3A = tpu.all_reduce %and3A_73 {dim = 0 : i64, kind = #tpu.reduction_kind<sum>} : vector<16xi1> -> vector<16xi32>
        %swap3A_84 = arith.constant 0 : index
        %swap3A_85 = tpu.vector_load %arg10[%swap3A_84] {strides = array<i32>} : memref<16xi32, #tpu.memory_space<vmem>>, vector<16xi32>,
        tpu.vector_store %arg10[%swap3A_84], %all_reduce_population_count3A {strides = array<i32>} : memref<16xi32, #tpu.memory_space<vmem>>, vector<16xi32>,
        %get3A_86 = arith.constant 0 : index
        %get3A_87 = tpu.vector_load %arg10[%get3A_86] {strides = array<i32>} : memref<16xi32, #tpu.memory_space<vmem>>, vector<16xi32>,
        %slice3A = vector.extract_strided_slice %get3A_87 {offsets = [0], sizes = [1], strides = [1]} : vector<16xi32> to vector<1xi32>
        %squeeze3A = vector.extract %slice3A[0] : i32 from vector<1xi32>
        %add3A_88 = arith.addi %scan3A_63, %squeeze3A : i32
        scf.yield %add3A_88 : i32
      }
      %scan3A_32 = arith.constant 400 : i32
      %add3A_33 = arith.constant 256 : i32
      %add3A_34 = arith.addi %scan3A_31, %add3A_33 : i32
      %sub3A = arith.constant 1 : i32
      %sub3A_35 = arith.subi %add3A_34, %sub3A : i32
      %jit3A = arith.constant 256 : i32
      %div3A = arith.divsi %sub3A_35, %jit3A : i32
      %sign3A = arith.constant 0 : i32
      %sign3A_36 = arith.cmpi sgt, %sub3A_35, %sign3A : i32
      %sign3A_37 = arith.extui %sign3A_36 : i1 to i32
      %sign3A_38 = arith.constant 0 : i32
      %sign3A_39 = arith.cmpi slt, %sub3A_35, %sign3A_38 : i32
      %sign3A_40 = arith.extui %sign3A_39 : i1 to i32
      %sign3A_41 = arith.subi %sign3A_37, %sign3A_40 : i32
      %sign3A_42 = arith.constant 0 : i32
      %sign3A_43 = arith.cmpi sgt, %jit3A, %sign3A_42 : i32
      %sign3A_44 = arith.extui %sign3A_43 : i1 to i32
      %sign3A_45 = arith.constant 0 : i32
      %sign3A_46 = arith.cmpi slt, %jit3A, %sign3A_45 : i32
      %sign3A_47 = arith.extui %sign3A_46 : i1 to i32
      %sign3A_48 = arith.subi %sign3A_44, %sign3A_47 : i32
      %ne3A = arith.cmpi ne, %sign3A_41, %sign3A_48 : i32
      %rem3A = arith.remsi %sub3A_35, %jit3A : i32
      %ne3A_49 = arith.constant 0 : i32
      %ne3A_50 = arith.cmpi ne, %rem3A, %ne3A_49 : i32
      %and3A = arith.andi %ne3A, %ne3A_50 : i1
      %sub3A_51 = arith.constant 1 : i32
      %sub3A_52 = arith.subi %div3A, %sub3A_51 : i32
      %select_n3A = arith.select %and3A, %sub3A_52, %div3A : i32
      %while3A = arith.constant 0 : i32
      %while3A_53 = arith.constant 0 : i32
      %while3A_54 = arith.subi %select_n3A, %while3A_53 : i32
      %while3A_55 = arith.addi %while3A_53, %while3A_54 : i32
      %while3A_56 = arith.constant 1 : i32
      %while3A_57 = arith.divsi %while3A_54, %while3A_56 : i32
      %while3A_58 = arith.muli %while3A_57, %while3A_56 : i32
      %while3A_59 = arith.addi %while3A_53, %while3A_58 : i32
      %while3A_60 = arith.constant 1 : i32
      scf.for %while3A_62 = %while3A_53 to %while3A_59 step %while3A_60  : i32 {
        %mul3A_63 = arith.constant 256 : i32
        %mul3A_64 = arith.muli %while3A_62, %mul3A_63 : i32
        %dma_start3A = tpu.memref_slice %arg6[%mul3A_64] : memref<6400xi32, #tpu.memory_space<vmem>> -> memref<256xi32, #tpu.memory_space<vmem>>
        %dma_start3A_65 = arith.constant 0 : i32
        %dma_start3A_66 = arith.constant 0 : i32
        %dma_start3A_67 = tpu.memref_slice %arg3[%dma_start3A_65, %dma_start3A_66] : memref<160000x128xf32, #tpu.memory_space<hbm>> -> memref<160000x128xf32, #tpu.memory_space<hbm>>
        tpu.enqueue_indirect_dma source(%dma_start3A_67 : memref<160000x128xf32, #tpu.memory_space<hbm>>) target(%arg8 : memref<256x128xf32, #tpu.memory_space<vmem>>) offsets(%dma_start3A : memref<256xi32, #tpu.memory_space<vmem>>) semaphore(%arg11 : memref<!tpu.dma_semaphore, #tpu.memory_space<semaphore_mem>>)
        %dma_wait3A = tpu.memref_slice %arg6[%mul3A_64] : memref<6400xi32, #tpu.memory_space<vmem>> -> memref<256xi32, #tpu.memory_space<vmem>>
        %dma_wait3A_68 = arith.constant 0 : i32
        %dma_wait3A_69 = arith.constant 0 : i32
        %dma_wait3A_70 = tpu.memref_slice %arg3[%dma_wait3A_68, %dma_wait3A_69] : memref<160000x128xf32, #tpu.memory_space<hbm>> -> memref<160000x128xf32, #tpu.memory_space<hbm>>
        tpu.wait_indirect_dma semaphore(%arg11 : memref<!tpu.dma_semaphore, #tpu.memory_space<semaphore_mem>>) src(%dma_wait3A_70 : memref<160000x128xf32, #tpu.memory_space<hbm>>) dst(%arg8 : memref<256x128xf32, #tpu.memory_space<vmem>>)
        %scan3A_71 = arith.constant 0 : i32
        %scan3A_72 = arith.constant 0 : i32
        %scan3A_73 = arith.constant 16 : i32
        %scan3A_74 = arith.addi %scan3A_72, %scan3A_73 : i32
        %scan3A_75 = arith.constant 1 : i32
        scf.for %scan3A_77 = %scan3A_72 to %scan3A_74 step %scan3A_75  : i32 {
          %mul3A_78 = arith.constant 256 : i32
          %mul3A_79 = arith.muli %while3A_62, %mul3A_78 : i32
          %mul3A_80 = arith.constant 16 : i32
          %mul3A_81 = arith.muli %scan3A_77, %mul3A_80 : i32
          %add3A_82 = arith.addi %mul3A_79, %mul3A_81 : i32
          %get3A = arith.index_cast %add3A_82 : i32 to index
          %get3A_83 = tpu.vector_load %arg7[%get3A] {strides = array<i32>} : memref<6400xi32, #tpu.memory_space<vmem>>, vector<16xi32>,
          %mul3A_84 = arith.constant 256 : i32
          %mul3A_85 = arith.muli %while3A_62, %mul3A_84 : i32
          %mul3A_86 = arith.constant 16 : i32
          %mul3A_87 = arith.muli %scan3A_77, %mul3A_86 : i32
          %add3A_88 = arith.addi %mul3A_85, %mul3A_87 : i32
          %add3A_89 = arith.constant 0 : i32
          %add3A_90 = arith.addi %add3A_88, %add3A_89 : i32
          %lt3A = arith.cmpi slt, %add3A_90, %scan3A_31 : i32
          %convert_element_type3A = arith.extui %lt3A : i1 to i32
          %cond3A = arith.constant 0 : i32
          %cond3A_91 = arith.cmpi ne, %convert_element_type3A, %cond3A : i32
          scf.if %cond3A_91 {
            %slice3A = vector.extract_strided_slice %get3A_83 {offsets = [0], sizes = [1], strides = [1]} : vector<16xi32> to vector<1xi32>
            %squeeze3A = vector.extract %slice3A[0] : i32 from vector<1xi32>
            %mul3A_257 = arith.constant 16 : i32
            %mul3A_258 = arith.muli %scan3A_77, %mul3A_257 : i32
            %add3A_259 = arith.constant 0 : i32
            %add3A_260 = arith.addi %mul3A_258, %add3A_259 : i32
            %get3A_261 = arith.index_cast %add3A_260 : i32 to index
            %get3A_262 = arith.constant 0 : index
            %get3A_263 = tpu.vector_load %arg8[%get3A_261, %get3A_262] {strides = array<i32>} : memref<256x128xf32, #tpu.memory_space<vmem>>, vector<16xf32>,
            %get3A_264 = arith.index_cast %squeeze3A : i32 to index
            %get3A_265 = arith.constant 0 : index
            %get3A_266 = tpu.vector_load %arg9[%get3A_264, %get3A_265] {strides = array<i32>} : memref<320x16xf32, #tpu.memory_space<vmem>>, vector<16xf32>,
            %max3A = arith.maximumf %get3A_266, %get3A_263 : vector<16xf32>
            %swap3A = arith.index_cast %squeeze3A : i32 to index
            %swap3A_267 = arith.constant 0 : index
            %swap3A_268 = tpu.vector_load %arg9[%swap3A, %swap3A_267] {strides = array<i32>} : memref<320x16xf32, #tpu.memory_space<vmem>>, vector<16xf32>,
            tpu.vector_store %arg9[%swap3A, %swap3A_267], %max3A {strides = array<i32>} : memref<320x16xf32, #tpu.memory_space<vmem>>, vector<16xf32>,
          } else {
          }
          %mul3A_92 = arith.constant 256 : i32
          %mul3A_93 = arith.muli %while3A_62, %mul3A_92 : i32
          %mul3A_94 = arith.constant 16 : i32
          %mul3A_95 = arith.muli %scan3A_77, %mul3A_94 : i32
          %add3A_96 = arith.addi %mul3A_93, %mul3A_95 : i32
          %add3A_97 = arith.constant 1 : i32
          %add3A_98 = arith.addi %add3A_96, %add3A_97 : i32
          %lt3A_99 = arith.cmpi slt, %add3A_98, %scan3A_31 : i32
          %convert_element_type3A_100 = arith.extui %lt3A_99 : i1 to i32
          %cond3A_101 = arith.constant 0 : i32
          %cond3A_102 = arith.cmpi ne, %convert_element_type3A_100, %cond3A_101 : i32
          scf.if %cond3A_102 {
            %slice3A = vector.extract_strided_slice %get3A_83 {offsets = [1], sizes = [1], strides = [1]} : vector<16xi32> to vector<1xi32>
            %squeeze3A = vector.extract %slice3A[0] : i32 from vector<1xi32>
            %mul3A_257 = arith.constant 16 : i32
            %mul3A_258 = arith.muli %scan3A_77, %mul3A_257 : i32
            %add3A_259 = arith.constant 1 : i32
            %add3A_260 = arith.addi %mul3A_258, %add3A_259 : i32
            %get3A_261 = arith.index_cast %add3A_260 : i32 to index
            %get3A_262 = arith.constant 0 : index
            %get3A_263 = tpu.vector_load %arg8[%get3A_261, %get3A_262] {strides = array<i32>} : memref<256x128xf32, #tpu.memory_space<vmem>>, vector<16xf32>,
            %get3A_264 = arith.index_cast %squeeze3A : i32 to index
            %get3A_265 = arith.constant 0 : index
            %get3A_266 = tpu.vector_load %arg9[%get3A_264, %get3A_265] {strides = array<i32>} : memref<320x16xf32, #tpu.memory_space<vmem>>, vector<16xf32>,
            %max3A = arith.maximumf %get3A_266, %get3A_263 : vector<16xf32>
            %swap3A = arith.index_cast %squeeze3A : i32 to index
            %swap3A_267 = arith.constant 0 : index
            %swap3A_268 = tpu.vector_load %arg9[%swap3A, %swap3A_267] {strides = array<i32>} : memref<320x16xf32, #tpu.memory_space<vmem>>, vector<16xf32>,
            tpu.vector_store %arg9[%swap3A, %swap3A_267], %max3A {strides = array<i32>} : memref<320x16xf32, #tpu.memory_space<vmem>>, vector<16xf32>,
          } else {
          }
          %mul3A_103 = arith.constant 256 : i32
          %mul3A_104 = arith.muli %while3A_62, %mul3A_103 : i32
          %mul3A_105 = arith.constant 16 : i32
          %mul3A_106 = arith.muli %scan3A_77, %mul3A_105 : i32
          %add3A_107 = arith.addi %mul3A_104, %mul3A_106 : i32
          %add3A_108 = arith.constant 2 : i32
          %add3A_109 = arith.addi %add3A_107, %add3A_108 : i32
          %lt3A_110 = arith.cmpi slt, %add3A_109, %scan3A_31 : i32
          %convert_element_type3A_111 = arith.extui %lt3A_110 : i1 to i32
          %cond3A_112 = arith.constant 0 : i32
          %cond3A_113 = arith.cmpi ne, %convert_element_type3A_111, %cond3A_112 : i32
          scf.if %cond3A_113 {
            %slice3A = vector.extract_strided_slice %get3A_83 {offsets = [2], sizes = [1], strides = [1]} : vector<16xi32> to vector<1xi32>
            %squeeze3A = vector.extract %slice3A[0] : i32 from vector<1xi32>
            %mul3A_257 = arith.constant 16 : i32
            %mul3A_258 = arith.muli %scan3A_77, %mul3A_257 : i32
            %add3A_259 = arith.constant 2 : i32
            %add3A_260 = arith.addi %mul3A_258, %add3A_259 : i32
            %get3A_261 = arith.index_cast %add3A_260 : i32 to index
            %get3A_262 = arith.constant 0 : index
            %get3A_263 = tpu.vector_load %arg8[%get3A_261, %get3A_262] {strides = array<i32>} : memref<256x128xf32, #tpu.memory_space<vmem>>, vector<16xf32>,
            %get3A_264 = arith.index_cast %squeeze3A : i32 to index
            %get3A_265 = arith.constant 0 : index
            %get3A_266 = tpu.vector_load %arg9[%get3A_264, %get3A_265] {strides = array<i32>} : memref<320x16xf32, #tpu.memory_space<vmem>>, vector<16xf32>,
            %max3A = arith.maximumf %get3A_266, %get3A_263 : vector<16xf32>
            %swap3A = arith.index_cast %squeeze3A : i32 to index
            %swap3A_267 = arith.constant 0 : index
            %swap3A_268 = tpu.vector_load %arg9[%swap3A, %swap3A_267] {strides = array<i32>} : memref<320x16xf32, #tpu.memory_space<vmem>>, vector<16xf32>,
            tpu.vector_store %arg9[%swap3A, %swap3A_267], %max3A {strides = array<i32>} : memref<320x16xf32, #tpu.memory_space<vmem>>, vector<16xf32>,
          } else {
          }
          %mul3A_114 = arith.constant 256 : i32
          %mul3A_115 = arith.muli %while3A_62, %mul3A_114 : i32
          %mul3A_116 = arith.constant 16 : i32
          %mul3A_117 = arith.muli %scan3A_77, %mul3A_116 : i32
          %add3A_118 = arith.addi %mul3A_115, %mul3A_117 : i32
          %add3A_119 = arith.constant 3 : i32
          %add3A_120 = arith.addi %add3A_118, %add3A_119 : i32
          %lt3A_121 = arith.cmpi slt, %add3A_120, %scan3A_31 : i32
          %convert_element_type3A_122 = arith.extui %lt3A_121 : i1 to i32
          %cond3A_123 = arith.constant 0 : i32
          %cond3A_124 = arith.cmpi ne, %convert_element_type3A_122, %cond3A_123 : i32
          scf.if %cond3A_124 {
            %slice3A = vector.extract_strided_slice %get3A_83 {offsets = [3], sizes = [1], strides = [1]} : vector<16xi32> to vector<1xi32>
            %squeeze3A = vector.extract %slice3A[0] : i32 from vector<1xi32>
            %mul3A_257 = arith.constant 16 : i32
            %mul3A_258 = arith.muli %scan3A_77, %mul3A_257 : i32
            %add3A_259 = arith.constant 3 : i32
            %add3A_260 = arith.addi %mul3A_258, %add3A_259 : i32
            %get3A_261 = arith.index_cast %add3A_260 : i32 to index
            %get3A_262 = arith.constant 0 : index
            %get3A_263 = tpu.vector_load %arg8[%get3A_261, %get3A_262] {strides = array<i32>} : memref<256x128xf32, #tpu.memory_space<vmem>>, vector<16xf32>,
            %get3A_264 = arith.index_cast %squeeze3A : i32 to index
            %get3A_265 = arith.constant 0 : index
            %get3A_266 = tpu.vector_load %arg9[%get3A_264, %get3A_265] {strides = array<i32>} : memref<320x16xf32, #tpu.memory_space<vmem>>, vector<16xf32>,
            %max3A = arith.maximumf %get3A_266, %get3A_263 : vector<16xf32>
            %swap3A = arith.index_cast %squeeze3A : i32 to index
            %swap3A_267 = arith.constant 0 : index
            %swap3A_268 = tpu.vector_load %arg9[%swap3A, %swap3A_267] {strides = array<i32>} : memref<320x16xf32, #tpu.memory_space<vmem>>, vector<16xf32>,
            tpu.vector_store %arg9[%swap3A, %swap3A_267], %max3A {strides = array<i32>} : memref<320x16xf32, #tpu.memory_space<vmem>>, vector<16xf32>,
          } else {
          }
          %mul3A_125 = arith.constant 256 : i32
          %mul3A_126 = arith.muli %while3A_62, %mul3A_125 : i32
          %mul3A_127 = arith.constant 16 : i32
          %mul3A_128 = arith.muli %scan3A_77, %mul3A_127 : i32
          %add3A_129 = arith.addi %mul3A_126, %mul3A_128 : i32
          %add3A_130 = arith.constant 4 : i32
          %add3A_131 = arith.addi %add3A_129, %add3A_130 : i32
          %lt3A_132 = arith.cmpi slt, %add3A_131, %scan3A_31 : i32
          %convert_element_type3A_133 = arith.extui %lt3A_132 : i1 to i32
          %cond3A_134 = arith.constant 0 : i32
          %cond3A_135 = arith.cmpi ne, %convert_element_type3A_133, %cond3A_134 : i32
          scf.if %cond3A_135 {
            %slice3A = vector.extract_strided_slice %get3A_83 {offsets = [4], sizes = [1], strides = [1]} : vector<16xi32> to vector<1xi32>
            %squeeze3A = vector.extract %slice3A[0] : i32 from vector<1xi32>
            %mul3A_257 = arith.constant 16 : i32
            %mul3A_258 = arith.muli %scan3A_77, %mul3A_257 : i32
            %add3A_259 = arith.constant 4 : i32
            %add3A_260 = arith.addi %mul3A_258, %add3A_259 : i32
            %get3A_261 = arith.index_cast %add3A_260 : i32 to index
            %get3A_262 = arith.constant 0 : index
            %get3A_263 = tpu.vector_load %arg8[%get3A_261, %get3A_262] {strides = array<i32>} : memref<256x128xf32, #tpu.memory_space<vmem>>, vector<16xf32>,
            %get3A_264 = arith.index_cast %squeeze3A : i32 to index
            %get3A_265 = arith.constant 0 : index
            %get3A_266 = tpu.vector_load %arg9[%get3A_264, %get3A_265] {strides = array<i32>} : memref<320x16xf32, #tpu.memory_space<vmem>>, vector<16xf32>,
            %max3A = arith.maximumf %get3A_266, %get3A_263 : vector<16xf32>
            %swap3A = arith.index_cast %squeeze3A : i32 to index
            %swap3A_267 = arith.constant 0 : index
            %swap3A_268 = tpu.vector_load %arg9[%swap3A, %swap3A_267] {strides = array<i32>} : memref<320x16xf32, #tpu.memory_space<vmem>>, vector<16xf32>,
            tpu.vector_store %arg9[%swap3A, %swap3A_267], %max3A {strides = array<i32>} : memref<320x16xf32, #tpu.memory_space<vmem>>, vector<16xf32>,
          } else {
          }
          %mul3A_136 = arith.constant 256 : i32
          %mul3A_137 = arith.muli %while3A_62, %mul3A_136 : i32
          %mul3A_138 = arith.constant 16 : i32
          %mul3A_139 = arith.muli %scan3A_77, %mul3A_138 : i32
          %add3A_140 = arith.addi %mul3A_137, %mul3A_139 : i32
          %add3A_141 = arith.constant 5 : i32
          %add3A_142 = arith.addi %add3A_140, %add3A_141 : i32
          %lt3A_143 = arith.cmpi slt, %add3A_142, %scan3A_31 : i32
          %convert_element_type3A_144 = arith.extui %lt3A_143 : i1 to i32
          %cond3A_145 = arith.constant 0 : i32
          %cond3A_146 = arith.cmpi ne, %convert_element_type3A_144, %cond3A_145 : i32
          scf.if %cond3A_146 {
            %slice3A = vector.extract_strided_slice %get3A_83 {offsets = [5], sizes = [1], strides = [1]} : vector<16xi32> to vector<1xi32>
            %squeeze3A = vector.extract %slice3A[0] : i32 from vector<1xi32>
            %mul3A_257 = arith.constant 16 : i32
            %mul3A_258 = arith.muli %scan3A_77, %mul3A_257 : i32
            %add3A_259 = arith.constant 5 : i32
            %add3A_260 = arith.addi %mul3A_258, %add3A_259 : i32
            %get3A_261 = arith.index_cast %add3A_260 : i32 to index
            %get3A_262 = arith.constant 0 : index
            %get3A_263 = tpu.vector_load %arg8[%get3A_261, %get3A_262] {strides = array<i32>} : memref<256x128xf32, #tpu.memory_space<vmem>>, vector<16xf32>,
            %get3A_264 = arith.index_cast %squeeze3A : i32 to index
            %get3A_265 = arith.constant 0 : index
            %get3A_266 = tpu.vector_load %arg9[%get3A_264, %get3A_265] {strides = array<i32>} : memref<320x16xf32, #tpu.memory_space<vmem>>, vector<16xf32>,
            %max3A = arith.maximumf %get3A_266, %get3A_263 : vector<16xf32>
            %swap3A = arith.index_cast %squeeze3A : i32 to index
            %swap3A_267 = arith.constant 0 : index
            %swap3A_268 = tpu.vector_load %arg9[%swap3A, %swap3A_267] {strides = array<i32>} : memref<320x16xf32, #tpu.memory_space<vmem>>, vector<16xf32>,
            tpu.vector_store %arg9[%swap3A, %swap3A_267], %max3A {strides = array<i32>} : memref<320x16xf32, #tpu.memory_space<vmem>>, vector<16xf32>,
          } else {
          }
          %mul3A_147 = arith.constant 256 : i32
          %mul3A_148 = arith.muli %while3A_62, %mul3A_147 : i32
          %mul3A_149 = arith.constant 16 : i32
          %mul3A_150 = arith.muli %scan3A_77, %mul3A_149 : i32
          %add3A_151 = arith.addi %mul3A_148, %mul3A_150 : i32
          %add3A_152 = arith.constant 6 : i32
          %add3A_153 = arith.addi %add3A_151, %add3A_152 : i32
          %lt3A_154 = arith.cmpi slt, %add3A_153, %scan3A_31 : i32
          %convert_element_type3A_155 = arith.extui %lt3A_154 : i1 to i32
          %cond3A_156 = arith.constant 0 : i32
          %cond3A_157 = arith.cmpi ne, %convert_element_type3A_155, %cond3A_156 : i32
          scf.if %cond3A_157 {
            %slice3A = vector.extract_strided_slice %get3A_83 {offsets = [6], sizes = [1], strides = [1]} : vector<16xi32> to vector<1xi32>
            %squeeze3A = vector.extract %slice3A[0] : i32 from vector<1xi32>
            %mul3A_257 = arith.constant 16 : i32
            %mul3A_258 = arith.muli %scan3A_77, %mul3A_257 : i32
            %add3A_259 = arith.constant 6 : i32
            %add3A_260 = arith.addi %mul3A_258, %add3A_259 : i32
            %get3A_261 = arith.index_cast %add3A_260 : i32 to index
            %get3A_262 = arith.constant 0 : index
            %get3A_263 = tpu.vector_load %arg8[%get3A_261, %get3A_262] {strides = array<i32>} : memref<256x128xf32, #tpu.memory_space<vmem>>, vector<16xf32>,
            %get3A_264 = arith.index_cast %squeeze3A : i32 to index
            %get3A_265 = arith.constant 0 : index
            %get3A_266 = tpu.vector_load %arg9[%get3A_264, %get3A_265] {strides = array<i32>} : memref<320x16xf32, #tpu.memory_space<vmem>>, vector<16xf32>,
            %max3A = arith.maximumf %get3A_266, %get3A_263 : vector<16xf32>
            %swap3A = arith.index_cast %squeeze3A : i32 to index
            %swap3A_267 = arith.constant 0 : index
            %swap3A_268 = tpu.vector_load %arg9[%swap3A, %swap3A_267] {strides = array<i32>} : memref<320x16xf32, #tpu.memory_space<vmem>>, vector<16xf32>,
            tpu.vector_store %arg9[%swap3A, %swap3A_267], %max3A {strides = array<i32>} : memref<320x16xf32, #tpu.memory_space<vmem>>, vector<16xf32>,
          } else {
          }
          %mul3A_158 = arith.constant 256 : i32
          %mul3A_159 = arith.muli %while3A_62, %mul3A_158 : i32
          %mul3A_160 = arith.constant 16 : i32
          %mul3A_161 = arith.muli %scan3A_77, %mul3A_160 : i32
          %add3A_162 = arith.addi %mul3A_159, %mul3A_161 : i32
          %add3A_163 = arith.constant 7 : i32
          %add3A_164 = arith.addi %add3A_162, %add3A_163 : i32
          %lt3A_165 = arith.cmpi slt, %add3A_164, %scan3A_31 : i32
          %convert_element_type3A_166 = arith.extui %lt3A_165 : i1 to i32
          %cond3A_167 = arith.constant 0 : i32
          %cond3A_168 = arith.cmpi ne, %convert_element_type3A_166, %cond3A_167 : i32
          scf.if %cond3A_168 {
            %slice3A = vector.extract_strided_slice %get3A_83 {offsets = [7], sizes = [1], strides = [1]} : vector<16xi32> to vector<1xi32>
            %squeeze3A = vector.extract %slice3A[0] : i32 from vector<1xi32>
            %mul3A_257 = arith.constant 16 : i32
            %mul3A_258 = arith.muli %scan3A_77, %mul3A_257 : i32
            %add3A_259 = arith.constant 7 : i32
            %add3A_260 = arith.addi %mul3A_258, %add3A_259 : i32
            %get3A_261 = arith.index_cast %add3A_260 : i32 to index
            %get3A_262 = arith.constant 0 : index
            %get3A_263 = tpu.vector_load %arg8[%get3A_261, %get3A_262] {strides = array<i32>} : memref<256x128xf32, #tpu.memory_space<vmem>>, vector<16xf32>,
            %get3A_264 = arith.index_cast %squeeze3A : i32 to index
            %get3A_265 = arith.constant 0 : index
            %get3A_266 = tpu.vector_load %arg9[%get3A_264, %get3A_265] {strides = array<i32>} : memref<320x16xf32, #tpu.memory_space<vmem>>, vector<16xf32>,
            %max3A = arith.maximumf %get3A_266, %get3A_263 : vector<16xf32>
            %swap3A = arith.index_cast %squeeze3A : i32 to index
            %swap3A_267 = arith.constant 0 : index
            %swap3A_268 = tpu.vector_load %arg9[%swap3A, %swap3A_267] {strides = array<i32>} : memref<320x16xf32, #tpu.memory_space<vmem>>, vector<16xf32>,
            tpu.vector_store %arg9[%swap3A, %swap3A_267], %max3A {strides = array<i32>} : memref<320x16xf32, #tpu.memory_space<vmem>>, vector<16xf32>,
          } else {
          }
          %mul3A_169 = arith.constant 256 : i32
          %mul3A_170 = arith.muli %while3A_62, %mul3A_169 : i32
          %mul3A_171 = arith.constant 16 : i32
          %mul3A_172 = arith.muli %scan3A_77, %mul3A_171 : i32
          %add3A_173 = arith.addi %mul3A_170, %mul3A_172 : i32
          %add3A_174 = arith.constant 8 : i32
          %add3A_175 = arith.addi %add3A_173, %add3A_174 : i32
          %lt3A_176 = arith.cmpi slt, %add3A_175, %scan3A_31 : i32
          %convert_element_type3A_177 = arith.extui %lt3A_176 : i1 to i32
          %cond3A_178 = arith.constant 0 : i32
          %cond3A_179 = arith.cmpi ne, %convert_element_type3A_177, %cond3A_178 : i32
          scf.if %cond3A_179 {
            %slice3A = vector.extract_strided_slice %get3A_83 {offsets = [8], sizes = [1], strides = [1]} : vector<16xi32> to vector<1xi32>
            %squeeze3A = vector.extract %slice3A[0] : i32 from vector<1xi32>
            %mul3A_257 = arith.constant 16 : i32
            %mul3A_258 = arith.muli %scan3A_77, %mul3A_257 : i32
            %add3A_259 = arith.constant 8 : i32
            %add3A_260 = arith.addi %mul3A_258, %add3A_259 : i32
            %get3A_261 = arith.index_cast %add3A_260 : i32 to index
            %get3A_262 = arith.constant 0 : index
            %get3A_263 = tpu.vector_load %arg8[%get3A_261, %get3A_262] {strides = array<i32>} : memref<256x128xf32, #tpu.memory_space<vmem>>, vector<16xf32>,
            %get3A_264 = arith.index_cast %squeeze3A : i32 to index
            %get3A_265 = arith.constant 0 : index
            %get3A_266 = tpu.vector_load %arg9[%get3A_264, %get3A_265] {strides = array<i32>} : memref<320x16xf32, #tpu.memory_space<vmem>>, vector<16xf32>,
            %max3A = arith.maximumf %get3A_266, %get3A_263 : vector<16xf32>
            %swap3A = arith.index_cast %squeeze3A : i32 to index
            %swap3A_267 = arith.constant 0 : index
            %swap3A_268 = tpu.vector_load %arg9[%swap3A, %swap3A_267] {strides = array<i32>} : memref<320x16xf32, #tpu.memory_space<vmem>>, vector<16xf32>,
            tpu.vector_store %arg9[%swap3A, %swap3A_267], %max3A {strides = array<i32>} : memref<320x16xf32, #tpu.memory_space<vmem>>, vector<16xf32>,
          } else {
          }
          %mul3A_180 = arith.constant 256 : i32
          %mul3A_181 = arith.muli %while3A_62, %mul3A_180 : i32
          %mul3A_182 = arith.constant 16 : i32
          %mul3A_183 = arith.muli %scan3A_77, %mul3A_182 : i32
          %add3A_184 = arith.addi %mul3A_181, %mul3A_183 : i32
          %add3A_185 = arith.constant 9 : i32
          %add3A_186 = arith.addi %add3A_184, %add3A_185 : i32
          %lt3A_187 = arith.cmpi slt, %add3A_186, %scan3A_31 : i32
          %convert_element_type3A_188 = arith.extui %lt3A_187 : i1 to i32
          %cond3A_189 = arith.constant 0 : i32
          %cond3A_190 = arith.cmpi ne, %convert_element_type3A_188, %cond3A_189 : i32
          scf.if %cond3A_190 {
            %slice3A = vector.extract_strided_slice %get3A_83 {offsets = [9], sizes = [1], strides = [1]} : vector<16xi32> to vector<1xi32>
            %squeeze3A = vector.extract %slice3A[0] : i32 from vector<1xi32>
            %mul3A_257 = arith.constant 16 : i32
            %mul3A_258 = arith.muli %scan3A_77, %mul3A_257 : i32
            %add3A_259 = arith.constant 9 : i32
            %add3A_260 = arith.addi %mul3A_258, %add3A_259 : i32
            %get3A_261 = arith.index_cast %add3A_260 : i32 to index
            %get3A_262 = arith.constant 0 : index
            %get3A_263 = tpu.vector_load %arg8[%get3A_261, %get3A_262] {strides = array<i32>} : memref<256x128xf32, #tpu.memory_space<vmem>>, vector<16xf32>,
            %get3A_264 = arith.index_cast %squeeze3A : i32 to index
            %get3A_265 = arith.constant 0 : index
            %get3A_266 = tpu.vector_load %arg9[%get3A_264, %get3A_265] {strides = array<i32>} : memref<320x16xf32, #tpu.memory_space<vmem>>, vector<16xf32>,
            %max3A = arith.maximumf %get3A_266, %get3A_263 : vector<16xf32>
            %swap3A = arith.index_cast %squeeze3A : i32 to index
            %swap3A_267 = arith.constant 0 : index
            %swap3A_268 = tpu.vector_load %arg9[%swap3A, %swap3A_267] {strides = array<i32>} : memref<320x16xf32, #tpu.memory_space<vmem>>, vector<16xf32>,
            tpu.vector_store %arg9[%swap3A, %swap3A_267], %max3A {strides = array<i32>} : memref<320x16xf32, #tpu.memory_space<vmem>>, vector<16xf32>,
          } else {
          }
          %mul3A_191 = arith.constant 256 : i32
          %mul3A_192 = arith.muli %while3A_62, %mul3A_191 : i32
          %mul3A_193 = arith.constant 16 : i32
          %mul3A_194 = arith.muli %scan3A_77, %mul3A_193 : i32
          %add3A_195 = arith.addi %mul3A_192, %mul3A_194 : i32
          %add3A_196 = arith.constant 10 : i32
          %add3A_197 = arith.addi %add3A_195, %add3A_196 : i32
          %lt3A_198 = arith.cmpi slt, %add3A_197, %scan3A_31 : i32
          %convert_element_type3A_199 = arith.extui %lt3A_198 : i1 to i32
          %cond3A_200 = arith.constant 0 : i32
          %cond3A_201 = arith.cmpi ne, %convert_element_type3A_199, %cond3A_200 : i32
          scf.if %cond3A_201 {
            %slice3A = vector.extract_strided_slice %get3A_83 {offsets = [10], sizes = [1], strides = [1]} : vector<16xi32> to vector<1xi32>
            %squeeze3A = vector.extract %slice3A[0] : i32 from vector<1xi32>
            %mul3A_257 = arith.constant 16 : i32
            %mul3A_258 = arith.muli %scan3A_77, %mul3A_257 : i32
            %add3A_259 = arith.constant 10 : i32
            %add3A_260 = arith.addi %mul3A_258, %add3A_259 : i32
            %get3A_261 = arith.index_cast %add3A_260 : i32 to index
            %get3A_262 = arith.constant 0 : index
            %get3A_263 = tpu.vector_load %arg8[%get3A_261, %get3A_262] {strides = array<i32>} : memref<256x128xf32, #tpu.memory_space<vmem>>, vector<16xf32>,
            %get3A_264 = arith.index_cast %squeeze3A : i32 to index
            %get3A_265 = arith.constant 0 : index
            %get3A_266 = tpu.vector_load %arg9[%get3A_264, %get3A_265] {strides = array<i32>} : memref<320x16xf32, #tpu.memory_space<vmem>>, vector<16xf32>,
            %max3A = arith.maximumf %get3A_266, %get3A_263 : vector<16xf32>
            %swap3A = arith.index_cast %squeeze3A : i32 to index
            %swap3A_267 = arith.constant 0 : index
            %swap3A_268 = tpu.vector_load %arg9[%swap3A, %swap3A_267] {strides = array<i32>} : memref<320x16xf32, #tpu.memory_space<vmem>>, vector<16xf32>,
            tpu.vector_store %arg9[%swap3A, %swap3A_267], %max3A {strides = array<i32>} : memref<320x16xf32, #tpu.memory_space<vmem>>, vector<16xf32>,
          } else {
          }
          %mul3A_202 = arith.constant 256 : i32
          %mul3A_203 = arith.muli %while3A_62, %mul3A_202 : i32
          %mul3A_204 = arith.constant 16 : i32
          %mul3A_205 = arith.muli %scan3A_77, %mul3A_204 : i32
          %add3A_206 = arith.addi %mul3A_203, %mul3A_205 : i32
          %add3A_207 = arith.constant 11 : i32
          %add3A_208 = arith.addi %add3A_206, %add3A_207 : i32
          %lt3A_209 = arith.cmpi slt, %add3A_208, %scan3A_31 : i32
          %convert_element_type3A_210 = arith.extui %lt3A_209 : i1 to i32
          %cond3A_211 = arith.constant 0 : i32
          %cond3A_212 = arith.cmpi ne, %convert_element_type3A_210, %cond3A_211 : i32
          scf.if %cond3A_212 {
            %slice3A = vector.extract_strided_slice %get3A_83 {offsets = [11], sizes = [1], strides = [1]} : vector<16xi32> to vector<1xi32>
            %squeeze3A = vector.extract %slice3A[0] : i32 from vector<1xi32>
            %mul3A_257 = arith.constant 16 : i32
            %mul3A_258 = arith.muli %scan3A_77, %mul3A_257 : i32
            %add3A_259 = arith.constant 11 : i32
            %add3A_260 = arith.addi %mul3A_258, %add3A_259 : i32
            %get3A_261 = arith.index_cast %add3A_260 : i32 to index
            %get3A_262 = arith.constant 0 : index
            %get3A_263 = tpu.vector_load %arg8[%get3A_261, %get3A_262] {strides = array<i32>} : memref<256x128xf32, #tpu.memory_space<vmem>>, vector<16xf32>,
            %get3A_264 = arith.index_cast %squeeze3A : i32 to index
            %get3A_265 = arith.constant 0 : index
            %get3A_266 = tpu.vector_load %arg9[%get3A_264, %get3A_265] {strides = array<i32>} : memref<320x16xf32, #tpu.memory_space<vmem>>, vector<16xf32>,
            %max3A = arith.maximumf %get3A_266, %get3A_263 : vector<16xf32>
            %swap3A = arith.index_cast %squeeze3A : i32 to index
            %swap3A_267 = arith.constant 0 : index
            %swap3A_268 = tpu.vector_load %arg9[%swap3A, %swap3A_267] {strides = array<i32>} : memref<320x16xf32, #tpu.memory_space<vmem>>, vector<16xf32>,
            tpu.vector_store %arg9[%swap3A, %swap3A_267], %max3A {strides = array<i32>} : memref<320x16xf32, #tpu.memory_space<vmem>>, vector<16xf32>,
          } else {
          }
          %mul3A_213 = arith.constant 256 : i32
          %mul3A_214 = arith.muli %while3A_62, %mul3A_213 : i32
          %mul3A_215 = arith.constant 16 : i32
          %mul3A_216 = arith.muli %scan3A_77, %mul3A_215 : i32
          %add3A_217 = arith.addi %mul3A_214, %mul3A_216 : i32
          %add3A_218 = arith.constant 12 : i32
          %add3A_219 = arith.addi %add3A_217, %add3A_218 : i32
          %lt3A_220 = arith.cmpi slt, %add3A_219, %scan3A_31 : i32
          %convert_element_type3A_221 = arith.extui %lt3A_220 : i1 to i32
          %cond3A_222 = arith.constant 0 : i32
          %cond3A_223 = arith.cmpi ne, %convert_element_type3A_221, %cond3A_222 : i32
          scf.if %cond3A_223 {
            %slice3A = vector.extract_strided_slice %get3A_83 {offsets = [12], sizes = [1], strides = [1]} : vector<16xi32> to vector<1xi32>
            %squeeze3A = vector.extract %slice3A[0] : i32 from vector<1xi32>
            %mul3A_257 = arith.constant 16 : i32
            %mul3A_258 = arith.muli %scan3A_77, %mul3A_257 : i32
            %add3A_259 = arith.constant 12 : i32
            %add3A_260 = arith.addi %mul3A_258, %add3A_259 : i32
            %get3A_261 = arith.index_cast %add3A_260 : i32 to index
            %get3A_262 = arith.constant 0 : index
            %get3A_263 = tpu.vector_load %arg8[%get3A_261, %get3A_262] {strides = array<i32>} : memref<256x128xf32, #tpu.memory_space<vmem>>, vector<16xf32>,
            %get3A_264 = arith.index_cast %squeeze3A : i32 to index
            %get3A_265 = arith.constant 0 : index
            %get3A_266 = tpu.vector_load %arg9[%get3A_264, %get3A_265] {strides = array<i32>} : memref<320x16xf32, #tpu.memory_space<vmem>>, vector<16xf32>,
            %max3A = arith.maximumf %get3A_266, %get3A_263 : vector<16xf32>
            %swap3A = arith.index_cast %squeeze3A : i32 to index
            %swap3A_267 = arith.constant 0 : index
            %swap3A_268 = tpu.vector_load %arg9[%swap3A, %swap3A_267] {strides = array<i32>} : memref<320x16xf32, #tpu.memory_space<vmem>>, vector<16xf32>,
            tpu.vector_store %arg9[%swap3A, %swap3A_267], %max3A {strides = array<i32>} : memref<320x16xf32, #tpu.memory_space<vmem>>, vector<16xf32>,
          } else {
          }
          %mul3A_224 = arith.constant 256 : i32
          %mul3A_225 = arith.muli %while3A_62, %mul3A_224 : i32
          %mul3A_226 = arith.constant 16 : i32
          %mul3A_227 = arith.muli %scan3A_77, %mul3A_226 : i32
          %add3A_228 = arith.addi %mul3A_225, %mul3A_227 : i32
          %add3A_229 = arith.constant 13 : i32
          %add3A_230 = arith.addi %add3A_228, %add3A_229 : i32
          %lt3A_231 = arith.cmpi slt, %add3A_230, %scan3A_31 : i32
          %convert_element_type3A_232 = arith.extui %lt3A_231 : i1 to i32
          %cond3A_233 = arith.constant 0 : i32
          %cond3A_234 = arith.cmpi ne, %convert_element_type3A_232, %cond3A_233 : i32
          scf.if %cond3A_234 {
            %slice3A = vector.extract_strided_slice %get3A_83 {offsets = [13], sizes = [1], strides = [1]} : vector<16xi32> to vector<1xi32>
            %squeeze3A = vector.extract %slice3A[0] : i32 from vector<1xi32>
            %mul3A_257 = arith.constant 16 : i32
            %mul3A_258 = arith.muli %scan3A_77, %mul3A_257 : i32
            %add3A_259 = arith.constant 13 : i32
            %add3A_260 = arith.addi %mul3A_258, %add3A_259 : i32
            %get3A_261 = arith.index_cast %add3A_260 : i32 to index
            %get3A_262 = arith.constant 0 : index
            %get3A_263 = tpu.vector_load %arg8[%get3A_261, %get3A_262] {strides = array<i32>} : memref<256x128xf32, #tpu.memory_space<vmem>>, vector<16xf32>,
            %get3A_264 = arith.index_cast %squeeze3A : i32 to index
            %get3A_265 = arith.constant 0 : index
            %get3A_266 = tpu.vector_load %arg9[%get3A_264, %get3A_265] {strides = array<i32>} : memref<320x16xf32, #tpu.memory_space<vmem>>, vector<16xf32>,
            %max3A = arith.maximumf %get3A_266, %get3A_263 : vector<16xf32>
            %swap3A = arith.index_cast %squeeze3A : i32 to index
            %swap3A_267 = arith.constant 0 : index
            %swap3A_268 = tpu.vector_load %arg9[%swap3A, %swap3A_267] {strides = array<i32>} : memref<320x16xf32, #tpu.memory_space<vmem>>, vector<16xf32>,
            tpu.vector_store %arg9[%swap3A, %swap3A_267], %max3A {strides = array<i32>} : memref<320x16xf32, #tpu.memory_space<vmem>>, vector<16xf32>,
          } else {
          }
          %mul3A_235 = arith.constant 256 : i32
          %mul3A_236 = arith.muli %while3A_62, %mul3A_235 : i32
          %mul3A_237 = arith.constant 16 : i32
          %mul3A_238 = arith.muli %scan3A_77, %mul3A_237 : i32
          %add3A_239 = arith.addi %mul3A_236, %mul3A_238 : i32
          %add3A_240 = arith.constant 14 : i32
          %add3A_241 = arith.addi %add3A_239, %add3A_240 : i32
          %lt3A_242 = arith.cmpi slt, %add3A_241, %scan3A_31 : i32
          %convert_element_type3A_243 = arith.extui %lt3A_242 : i1 to i32
          %cond3A_244 = arith.constant 0 : i32
          %cond3A_245 = arith.cmpi ne, %convert_element_type3A_243, %cond3A_244 : i32
          scf.if %cond3A_245 {
            %slice3A = vector.extract_strided_slice %get3A_83 {offsets = [14], sizes = [1], strides = [1]} : vector<16xi32> to vector<1xi32>
            %squeeze3A = vector.extract %slice3A[0] : i32 from vector<1xi32>
            %mul3A_257 = arith.constant 16 : i32
            %mul3A_258 = arith.muli %scan3A_77, %mul3A_257 : i32
            %add3A_259 = arith.constant 14 : i32
            %add3A_260 = arith.addi %mul3A_258, %add3A_259 : i32
            %get3A_261 = arith.index_cast %add3A_260 : i32 to index
            %get3A_262 = arith.constant 0 : index
            %get3A_263 = tpu.vector_load %arg8[%get3A_261, %get3A_262] {strides = array<i32>} : memref<256x128xf32, #tpu.memory_space<vmem>>, vector<16xf32>,
            %get3A_264 = arith.index_cast %squeeze3A : i32 to index
            %get3A_265 = arith.constant 0 : index
            %get3A_266 = tpu.vector_load %arg9[%get3A_264, %get3A_265] {strides = array<i32>} : memref<320x16xf32, #tpu.memory_space<vmem>>, vector<16xf32>,
            %max3A = arith.maximumf %get3A_266, %get3A_263 : vector<16xf32>
            %swap3A = arith.index_cast %squeeze3A : i32 to index
            %swap3A_267 = arith.constant 0 : index
            %swap3A_268 = tpu.vector_load %arg9[%swap3A, %swap3A_267] {strides = array<i32>} : memref<320x16xf32, #tpu.memory_space<vmem>>, vector<16xf32>,
            tpu.vector_store %arg9[%swap3A, %swap3A_267], %max3A {strides = array<i32>} : memref<320x16xf32, #tpu.memory_space<vmem>>, vector<16xf32>,
          } else {
          }
          %mul3A_246 = arith.constant 256 : i32
          %mul3A_247 = arith.muli %while3A_62, %mul3A_246 : i32
          %mul3A_248 = arith.constant 16 : i32
          %mul3A_249 = arith.muli %scan3A_77, %mul3A_248 : i32
          %add3A_250 = arith.addi %mul3A_247, %mul3A_249 : i32
          %add3A_251 = arith.constant 15 : i32
          %add3A_252 = arith.addi %add3A_250, %add3A_251 : i32
          %lt3A_253 = arith.cmpi slt, %add3A_252, %scan3A_31 : i32
          %convert_element_type3A_254 = arith.extui %lt3A_253 : i1 to i32
          %cond3A_255 = arith.constant 0 : i32
          %cond3A_256 = arith.cmpi ne, %convert_element_type3A_254, %cond3A_255 : i32
          scf.if %cond3A_256 {
            %slice3A = vector.extract_strided_slice %get3A_83 {offsets = [15], sizes = [1], strides = [1]} : vector<16xi32> to vector<1xi32>
            %squeeze3A = vector.extract %slice3A[0] : i32 from vector<1xi32>
            %mul3A_257 = arith.constant 16 : i32
            %mul3A_258 = arith.muli %scan3A_77, %mul3A_257 : i32
            %add3A_259 = arith.constant 15 : i32
            %add3A_260 = arith.addi %mul3A_258, %add3A_259 : i32
            %get3A_261 = arith.index_cast %add3A_260 : i32 to index
            %get3A_262 = arith.constant 0 : index
            %get3A_263 = tpu.vector_load %arg8[%get3A_261, %get3A_262] {strides = array<i32>} : memref<256x128xf32, #tpu.memory_space<vmem>>, vector<16xf32>,
            %get3A_264 = arith.index_cast %squeeze3A : i32 to index
            %get3A_265 = arith.constant 0 : index
            %get3A_266 = tpu.vector_load %arg9[%get3A_264, %get3A_265] {strides = array<i32>} : memref<320x16xf32, #tpu.memory_space<vmem>>, vector<16xf32>,
            %max3A = arith.maximumf %get3A_266, %get3A_263 : vector<16xf32>
            %swap3A = arith.index_cast %squeeze3A : i32 to index
            %swap3A_267 = arith.constant 0 : index
            %swap3A_268 = tpu.vector_load %arg9[%swap3A, %swap3A_267] {strides = array<i32>} : memref<320x16xf32, #tpu.memory_space<vmem>>, vector<16xf32>,
            tpu.vector_store %arg9[%swap3A, %swap3A_267], %max3A {strides = array<i32>} : memref<320x16xf32, #tpu.memory_space<vmem>>, vector<16xf32>,
          } else {
          }
        }
        %scan3A_76 = arith.constant 16 : i32
      }
      %while3A_61 = arith.constant 1 : i32
      scf.for %while3A_62 = %while3A_59 to %while3A_55 step %while3A_61  : i32 {
        %mul3A_63 = arith.constant 256 : i32
        %mul3A_64 = arith.muli %while3A_62, %mul3A_63 : i32
        %dma_start3A = tpu.memref_slice %arg6[%mul3A_64] : memref<6400xi32, #tpu.memory_space<vmem>> -> memref<256xi32, #tpu.memory_space<vmem>>
        %dma_start3A_65 = arith.constant 0 : i32
        %dma_start3A_66 = arith.constant 0 : i32
        %dma_start3A_67 = tpu.memref_slice %arg3[%dma_start3A_65, %dma_start3A_66] : memref<160000x128xf32, #tpu.memory_space<hbm>> -> memref<160000x128xf32, #tpu.memory_space<hbm>>
        tpu.enqueue_indirect_dma source(%dma_start3A_67 : memref<160000x128xf32, #tpu.memory_space<hbm>>) target(%arg8 : memref<256x128xf32, #tpu.memory_space<vmem>>) offsets(%dma_start3A : memref<256xi32, #tpu.memory_space<vmem>>) semaphore(%arg11 : memref<!tpu.dma_semaphore, #tpu.memory_space<semaphore_mem>>)
        %dma_wait3A = tpu.memref_slice %arg6[%mul3A_64] : memref<6400xi32, #tpu.memory_space<vmem>> -> memref<256xi32, #tpu.memory_space<vmem>>
        %dma_wait3A_68 = arith.constant 0 : i32
        %dma_wait3A_69 = arith.constant 0 : i32
        %dma_wait3A_70 = tpu.memref_slice %arg3[%dma_wait3A_68, %dma_wait3A_69] : memref<160000x128xf32, #tpu.memory_space<hbm>> -> memref<160000x128xf32, #tpu.memory_space<hbm>>
        tpu.wait_indirect_dma semaphore(%arg11 : memref<!tpu.dma_semaphore, #tpu.memory_space<semaphore_mem>>) src(%dma_wait3A_70 : memref<160000x128xf32, #tpu.memory_space<hbm>>) dst(%arg8 : memref<256x128xf32, #tpu.memory_space<vmem>>)
        %scan3A_71 = arith.constant 0 : i32
        %scan3A_72 = arith.constant 0 : i32
        %scan3A_73 = arith.constant 16 : i32
        %scan3A_74 = arith.addi %scan3A_72, %scan3A_73 : i32
        %scan3A_75 = arith.constant 1 : i32
        scf.for %scan3A_77 = %scan3A_72 to %scan3A_74 step %scan3A_75  : i32 {
          %mul3A_78 = arith.constant 256 : i32
          %mul3A_79 = arith.muli %while3A_62, %mul3A_78 : i32
          %mul3A_80 = arith.constant 16 : i32
          %mul3A_81 = arith.muli %scan3A_77, %mul3A_80 : i32
          %add3A_82 = arith.addi %mul3A_79, %mul3A_81 : i32
          %get3A = arith.index_cast %add3A_82 : i32 to index
          %get3A_83 = tpu.vector_load %arg7[%get3A] {strides = array<i32>} : memref<6400xi32, #tpu.memory_space<vmem>>, vector<16xi32>,
          %mul3A_84 = arith.constant 256 : i32
          %mul3A_85 = arith.muli %while3A_62, %mul3A_84 : i32
          %mul3A_86 = arith.constant 16 : i32
          %mul3A_87 = arith.muli %scan3A_77, %mul3A_86 : i32
          %add3A_88 = arith.addi %mul3A_85, %mul3A_87 : i32
          %add3A_89 = arith.constant 0 : i32
          %add3A_90 = arith.addi %add3A_88, %add3A_89 : i32
          %lt3A = arith.cmpi slt, %add3A_90, %scan3A_31 : i32
          %convert_element_type3A = arith.extui %lt3A : i1 to i32
          %cond3A = arith.constant 0 : i32
          %cond3A_91 = arith.cmpi ne, %convert_element_type3A, %cond3A : i32
          scf.if %cond3A_91 {
            %slice3A = vector.extract_strided_slice %get3A_83 {offsets = [0], sizes = [1], strides = [1]} : vector<16xi32> to vector<1xi32>
            %squeeze3A = vector.extract %slice3A[0] : i32 from vector<1xi32>
            %mul3A_257 = arith.constant 16 : i32
            %mul3A_258 = arith.muli %scan3A_77, %mul3A_257 : i32
            %add3A_259 = arith.constant 0 : i32
            %add3A_260 = arith.addi %mul3A_258, %add3A_259 : i32
            %get3A_261 = arith.index_cast %add3A_260 : i32 to index
            %get3A_262 = arith.constant 0 : index
            %get3A_263 = tpu.vector_load %arg8[%get3A_261, %get3A_262] {strides = array<i32>} : memref<256x128xf32, #tpu.memory_space<vmem>>, vector<16xf32>,
            %get3A_264 = arith.index_cast %squeeze3A : i32 to index
            %get3A_265 = arith.constant 0 : index
            %get3A_266 = tpu.vector_load %arg9[%get3A_264, %get3A_265] {strides = array<i32>} : memref<320x16xf32, #tpu.memory_space<vmem>>, vector<16xf32>,
            %max3A = arith.maximumf %get3A_266, %get3A_263 : vector<16xf32>
            %swap3A = arith.index_cast %squeeze3A : i32 to index
            %swap3A_267 = arith.constant 0 : index
            %swap3A_268 = tpu.vector_load %arg9[%swap3A, %swap3A_267] {strides = array<i32>} : memref<320x16xf32, #tpu.memory_space<vmem>>, vector<16xf32>,
            tpu.vector_store %arg9[%swap3A, %swap3A_267], %max3A {strides = array<i32>} : memref<320x16xf32, #tpu.memory_space<vmem>>, vector<16xf32>,
          } else {
          }
          %mul3A_92 = arith.constant 256 : i32
          %mul3A_93 = arith.muli %while3A_62, %mul3A_92 : i32
          %mul3A_94 = arith.constant 16 : i32
          %mul3A_95 = arith.muli %scan3A_77, %mul3A_94 : i32
          %add3A_96 = arith.addi %mul3A_93, %mul3A_95 : i32
          %add3A_97 = arith.constant 1 : i32
          %add3A_98 = arith.addi %add3A_96, %add3A_97 : i32
          %lt3A_99 = arith.cmpi slt, %add3A_98, %scan3A_31 : i32
          %convert_element_type3A_100 = arith.extui %lt3A_99 : i1 to i32
          %cond3A_101 = arith.constant 0 : i32
          %cond3A_102 = arith.cmpi ne, %convert_element_type3A_100, %cond3A_101 : i32
          scf.if %cond3A_102 {
            %slice3A = vector.extract_strided_slice %get3A_83 {offsets = [1], sizes = [1], strides = [1]} : vector<16xi32> to vector<1xi32>
            %squeeze3A = vector.extract %slice3A[0] : i32 from vector<1xi32>
            %mul3A_257 = arith.constant 16 : i32
            %mul3A_258 = arith.muli %scan3A_77, %mul3A_257 : i32
            %add3A_259 = arith.constant 1 : i32
            %add3A_260 = arith.addi %mul3A_258, %add3A_259 : i32
            %get3A_261 = arith.index_cast %add3A_260 : i32 to index
            %get3A_262 = arith.constant 0 : index
            %get3A_263 = tpu.vector_load %arg8[%get3A_261, %get3A_262] {strides = array<i32>} : memref<256x128xf32, #tpu.memory_space<vmem>>, vector<16xf32>,
            %get3A_264 = arith.index_cast %squeeze3A : i32 to index
            %get3A_265 = arith.constant 0 : index
            %get3A_266 = tpu.vector_load %arg9[%get3A_264, %get3A_265] {strides = array<i32>} : memref<320x16xf32, #tpu.memory_space<vmem>>, vector<16xf32>,
            %max3A = arith.maximumf %get3A_266, %get3A_263 : vector<16xf32>
            %swap3A = arith.index_cast %squeeze3A : i32 to index
            %swap3A_267 = arith.constant 0 : index
            %swap3A_268 = tpu.vector_load %arg9[%swap3A, %swap3A_267] {strides = array<i32>} : memref<320x16xf32, #tpu.memory_space<vmem>>, vector<16xf32>,
            tpu.vector_store %arg9[%swap3A, %swap3A_267], %max3A {strides = array<i32>} : memref<320x16xf32, #tpu.memory_space<vmem>>, vector<16xf32>,
          } else {
          }
          %mul3A_103 = arith.constant 256 : i32
          %mul3A_104 = arith.muli %while3A_62, %mul3A_103 : i32
          %mul3A_105 = arith.constant 16 : i32
          %mul3A_106 = arith.muli %scan3A_77, %mul3A_105 : i32
          %add3A_107 = arith.addi %mul3A_104, %mul3A_106 : i32
          %add3A_108 = arith.constant 2 : i32
          %add3A_109 = arith.addi %add3A_107, %add3A_108 : i32
          %lt3A_110 = arith.cmpi slt, %add3A_109, %scan3A_31 : i32
          %convert_element_type3A_111 = arith.extui %lt3A_110 : i1 to i32
          %cond3A_112 = arith.constant 0 : i32
          %cond3A_113 = arith.cmpi ne, %convert_element_type3A_111, %cond3A_112 : i32
          scf.if %cond3A_113 {
            %slice3A = vector.extract_strided_slice %get3A_83 {offsets = [2], sizes = [1], strides = [1]} : vector<16xi32> to vector<1xi32>
            %squeeze3A = vector.extract %slice3A[0] : i32 from vector<1xi32>
            %mul3A_257 = arith.constant 16 : i32
            %mul3A_258 = arith.muli %scan3A_77, %mul3A_257 : i32
            %add3A_259 = arith.constant 2 : i32
            %add3A_260 = arith.addi %mul3A_258, %add3A_259 : i32
            %get3A_261 = arith.index_cast %add3A_260 : i32 to index
            %get3A_262 = arith.constant 0 : index
            %get3A_263 = tpu.vector_load %arg8[%get3A_261, %get3A_262] {strides = array<i32>} : memref<256x128xf32, #tpu.memory_space<vmem>>, vector<16xf32>,
            %get3A_264 = arith.index_cast %squeeze3A : i32 to index
            %get3A_265 = arith.constant 0 : index
            %get3A_266 = tpu.vector_load %arg9[%get3A_264, %get3A_265] {strides = array<i32>} : memref<320x16xf32, #tpu.memory_space<vmem>>, vector<16xf32>,
            %max3A = arith.maximumf %get3A_266, %get3A_263 : vector<16xf32>
            %swap3A = arith.index_cast %squeeze3A : i32 to index
            %swap3A_267 = arith.constant 0 : index
            %swap3A_268 = tpu.vector_load %arg9[%swap3A, %swap3A_267] {strides = array<i32>} : memref<320x16xf32, #tpu.memory_space<vmem>>, vector<16xf32>,
            tpu.vector_store %arg9[%swap3A, %swap3A_267], %max3A {strides = array<i32>} : memref<320x16xf32, #tpu.memory_space<vmem>>, vector<16xf32>,
          } else {
          }
          %mul3A_114 = arith.constant 256 : i32
          %mul3A_115 = arith.muli %while3A_62, %mul3A_114 : i32
          %mul3A_116 = arith.constant 16 : i32
          %mul3A_117 = arith.muli %scan3A_77, %mul3A_116 : i32
          %add3A_118 = arith.addi %mul3A_115, %mul3A_117 : i32
          %add3A_119 = arith.constant 3 : i32
          %add3A_120 = arith.addi %add3A_118, %add3A_119 : i32
          %lt3A_121 = arith.cmpi slt, %add3A_120, %scan3A_31 : i32
          %convert_element_type3A_122 = arith.extui %lt3A_121 : i1 to i32
          %cond3A_123 = arith.constant 0 : i32
          %cond3A_124 = arith.cmpi ne, %convert_element_type3A_122, %cond3A_123 : i32
          scf.if %cond3A_124 {
            %slice3A = vector.extract_strided_slice %get3A_83 {offsets = [3], sizes = [1], strides = [1]} : vector<16xi32> to vector<1xi32>
            %squeeze3A = vector.extract %slice3A[0] : i32 from vector<1xi32>
            %mul3A_257 = arith.constant 16 : i32
            %mul3A_258 = arith.muli %scan3A_77, %mul3A_257 : i32
            %add3A_259 = arith.constant 3 : i32
            %add3A_260 = arith.addi %mul3A_258, %add3A_259 : i32
            %get3A_261 = arith.index_cast %add3A_260 : i32 to index
            %get3A_262 = arith.constant 0 : index
            %get3A_263 = tpu.vector_load %arg8[%get3A_261, %get3A_262] {strides = array<i32>} : memref<256x128xf32, #tpu.memory_space<vmem>>, vector<16xf32>,
            %get3A_264 = arith.index_cast %squeeze3A : i32 to index
            %get3A_265 = arith.constant 0 : index
            %get3A_266 = tpu.vector_load %arg9[%get3A_264, %get3A_265] {strides = array<i32>} : memref<320x16xf32, #tpu.memory_space<vmem>>, vector<16xf32>,
            %max3A = arith.maximumf %get3A_266, %get3A_263 : vector<16xf32>
            %swap3A = arith.index_cast %squeeze3A : i32 to index
            %swap3A_267 = arith.constant 0 : index
            %swap3A_268 = tpu.vector_load %arg9[%swap3A, %swap3A_267] {strides = array<i32>} : memref<320x16xf32, #tpu.memory_space<vmem>>, vector<16xf32>,
            tpu.vector_store %arg9[%swap3A, %swap3A_267], %max3A {strides = array<i32>} : memref<320x16xf32, #tpu.memory_space<vmem>>, vector<16xf32>,
          } else {
          }
          %mul3A_125 = arith.constant 256 : i32
          %mul3A_126 = arith.muli %while3A_62, %mul3A_125 : i32
          %mul3A_127 = arith.constant 16 : i32
          %mul3A_128 = arith.muli %scan3A_77, %mul3A_127 : i32
          %add3A_129 = arith.addi %mul3A_126, %mul3A_128 : i32
          %add3A_130 = arith.constant 4 : i32
          %add3A_131 = arith.addi %add3A_129, %add3A_130 : i32
          %lt3A_132 = arith.cmpi slt, %add3A_131, %scan3A_31 : i32
          %convert_element_type3A_133 = arith.extui %lt3A_132 : i1 to i32
          %cond3A_134 = arith.constant 0 : i32
          %cond3A_135 = arith.cmpi ne, %convert_element_type3A_133, %cond3A_134 : i32
          scf.if %cond3A_135 {
            %slice3A = vector.extract_strided_slice %get3A_83 {offsets = [4], sizes = [1], strides = [1]} : vector<16xi32> to vector<1xi32>
            %squeeze3A = vector.extract %slice3A[0] : i32 from vector<1xi32>
            %mul3A_257 = arith.constant 16 : i32
            %mul3A_258 = arith.muli %scan3A_77, %mul3A_257 : i32
            %add3A_259 = arith.constant 4 : i32
            %add3A_260 = arith.addi %mul3A_258, %add3A_259 : i32
            %get3A_261 = arith.index_cast %add3A_260 : i32 to index
            %get3A_262 = arith.constant 0 : index
            %get3A_263 = tpu.vector_load %arg8[%get3A_261, %get3A_262] {strides = array<i32>} : memref<256x128xf32, #tpu.memory_space<vmem>>, vector<16xf32>,
            %get3A_264 = arith.index_cast %squeeze3A : i32 to index
            %get3A_265 = arith.constant 0 : index
            %get3A_266 = tpu.vector_load %arg9[%get3A_264, %get3A_265] {strides = array<i32>} : memref<320x16xf32, #tpu.memory_space<vmem>>, vector<16xf32>,
            %max3A = arith.maximumf %get3A_266, %get3A_263 : vector<16xf32>
            %swap3A = arith.index_cast %squeeze3A : i32 to index
            %swap3A_267 = arith.constant 0 : index
            %swap3A_268 = tpu.vector_load %arg9[%swap3A, %swap3A_267] {strides = array<i32>} : memref<320x16xf32, #tpu.memory_space<vmem>>, vector<16xf32>,
            tpu.vector_store %arg9[%swap3A, %swap3A_267], %max3A {strides = array<i32>} : memref<320x16xf32, #tpu.memory_space<vmem>>, vector<16xf32>,
          } else {
          }
          %mul3A_136 = arith.constant 256 : i32
          %mul3A_137 = arith.muli %while3A_62, %mul3A_136 : i32
          %mul3A_138 = arith.constant 16 : i32
          %mul3A_139 = arith.muli %scan3A_77, %mul3A_138 : i32
          %add3A_140 = arith.addi %mul3A_137, %mul3A_139 : i32
          %add3A_141 = arith.constant 5 : i32
          %add3A_142 = arith.addi %add3A_140, %add3A_141 : i32
          %lt3A_143 = arith.cmpi slt, %add3A_142, %scan3A_31 : i32
          %convert_element_type3A_144 = arith.extui %lt3A_143 : i1 to i32
          %cond3A_145 = arith.constant 0 : i32
          %cond3A_146 = arith.cmpi ne, %convert_element_type3A_144, %cond3A_145 : i32
          scf.if %cond3A_146 {
            %slice3A = vector.extract_strided_slice %get3A_83 {offsets = [5], sizes = [1], strides = [1]} : vector<16xi32> to vector<1xi32>
            %squeeze3A = vector.extract %slice3A[0] : i32 from vector<1xi32>
            %mul3A_257 = arith.constant 16 : i32
            %mul3A_258 = arith.muli %scan3A_77, %mul3A_257 : i32
            %add3A_259 = arith.constant 5 : i32
            %add3A_260 = arith.addi %mul3A_258, %add3A_259 : i32
            %get3A_261 = arith.index_cast %add3A_260 : i32 to index
            %get3A_262 = arith.constant 0 : index
            %get3A_263 = tpu.vector_load %arg8[%get3A_261, %get3A_262] {strides = array<i32>} : memref<256x128xf32, #tpu.memory_space<vmem>>, vector<16xf32>,
            %get3A_264 = arith.index_cast %squeeze3A : i32 to index
            %get3A_265 = arith.constant 0 : index
            %get3A_266 = tpu.vector_load %arg9[%get3A_264, %get3A_265] {strides = array<i32>} : memref<320x16xf32, #tpu.memory_space<vmem>>, vector<16xf32>,
            %max3A = arith.maximumf %get3A_266, %get3A_263 : vector<16xf32>
            %swap3A = arith.index_cast %squeeze3A : i32 to index
            %swap3A_267 = arith.constant 0 : index
            %swap3A_268 = tpu.vector_load %arg9[%swap3A, %swap3A_267] {strides = array<i32>} : memref<320x16xf32, #tpu.memory_space<vmem>>, vector<16xf32>,
            tpu.vector_store %arg9[%swap3A, %swap3A_267], %max3A {strides = array<i32>} : memref<320x16xf32, #tpu.memory_space<vmem>>, vector<16xf32>,
          } else {
          }
          %mul3A_147 = arith.constant 256 : i32
          %mul3A_148 = arith.muli %while3A_62, %mul3A_147 : i32
          %mul3A_149 = arith.constant 16 : i32
          %mul3A_150 = arith.muli %scan3A_77, %mul3A_149 : i32
          %add3A_151 = arith.addi %mul3A_148, %mul3A_150 : i32
          %add3A_152 = arith.constant 6 : i32
          %add3A_153 = arith.addi %add3A_151, %add3A_152 : i32
          %lt3A_154 = arith.cmpi slt, %add3A_153, %scan3A_31 : i32
          %convert_element_type3A_155 = arith.extui %lt3A_154 : i1 to i32
          %cond3A_156 = arith.constant 0 : i32
          %cond3A_157 = arith.cmpi ne, %convert_element_type3A_155, %cond3A_156 : i32
          scf.if %cond3A_157 {
            %slice3A = vector.extract_strided_slice %get3A_83 {offsets = [6], sizes = [1], strides = [1]} : vector<16xi32> to vector<1xi32>
            %squeeze3A = vector.extract %slice3A[0] : i32 from vector<1xi32>
            %mul3A_257 = arith.constant 16 : i32
            %mul3A_258 = arith.muli %scan3A_77, %mul3A_257 : i32
            %add3A_259 = arith.constant 6 : i32
            %add3A_260 = arith.addi %mul3A_258, %add3A_259 : i32
            %get3A_261 = arith.index_cast %add3A_260 : i32 to index
            %get3A_262 = arith.constant 0 : index
            %get3A_263 = tpu.vector_load %arg8[%get3A_261, %get3A_262] {strides = array<i32>} : memref<256x128xf32, #tpu.memory_space<vmem>>, vector<16xf32>,
            %get3A_264 = arith.index_cast %squeeze3A : i32 to index
            %get3A_265 = arith.constant 0 : index
            %get3A_266 = tpu.vector_load %arg9[%get3A_264, %get3A_265] {strides = array<i32>} : memref<320x16xf32, #tpu.memory_space<vmem>>, vector<16xf32>,
            %max3A = arith.maximumf %get3A_266, %get3A_263 : vector<16xf32>
            %swap3A = arith.index_cast %squeeze3A : i32 to index
            %swap3A_267 = arith.constant 0 : index
            %swap3A_268 = tpu.vector_load %arg9[%swap3A, %swap3A_267] {strides = array<i32>} : memref<320x16xf32, #tpu.memory_space<vmem>>, vector<16xf32>,
            tpu.vector_store %arg9[%swap3A, %swap3A_267], %max3A {strides = array<i32>} : memref<320x16xf32, #tpu.memory_space<vmem>>, vector<16xf32>,
          } else {
          }
          %mul3A_158 = arith.constant 256 : i32
          %mul3A_159 = arith.muli %while3A_62, %mul3A_158 : i32
          %mul3A_160 = arith.constant 16 : i32
          %mul3A_161 = arith.muli %scan3A_77, %mul3A_160 : i32
          %add3A_162 = arith.addi %mul3A_159, %mul3A_161 : i32
          %add3A_163 = arith.constant 7 : i32
          %add3A_164 = arith.addi %add3A_162, %add3A_163 : i32
          %lt3A_165 = arith.cmpi slt, %add3A_164, %scan3A_31 : i32
          %convert_element_type3A_166 = arith.extui %lt3A_165 : i1 to i32
          %cond3A_167 = arith.constant 0 : i32
          %cond3A_168 = arith.cmpi ne, %convert_element_type3A_166, %cond3A_167 : i32
          scf.if %cond3A_168 {
            %slice3A = vector.extract_strided_slice %get3A_83 {offsets = [7], sizes = [1], strides = [1]} : vector<16xi32> to vector<1xi32>
            %squeeze3A = vector.extract %slice3A[0] : i32 from vector<1xi32>
            %mul3A_257 = arith.constant 16 : i32
            %mul3A_258 = arith.muli %scan3A_77, %mul3A_257 : i32
            %add3A_259 = arith.constant 7 : i32
            %add3A_260 = arith.addi %mul3A_258, %add3A_259 : i32
            %get3A_261 = arith.index_cast %add3A_260 : i32 to index
            %get3A_262 = arith.constant 0 : index
            %get3A_263 = tpu.vector_load %arg8[%get3A_261, %get3A_262] {strides = array<i32>} : memref<256x128xf32, #tpu.memory_space<vmem>>, vector<16xf32>,
            %get3A_264 = arith.index_cast %squeeze3A : i32 to index
            %get3A_265 = arith.constant 0 : index
            %get3A_266 = tpu.vector_load %arg9[%get3A_264, %get3A_265] {strides = array<i32>} : memref<320x16xf32, #tpu.memory_space<vmem>>, vector<16xf32>,
            %max3A = arith.maximumf %get3A_266, %get3A_263 : vector<16xf32>
            %swap3A = arith.index_cast %squeeze3A : i32 to index
            %swap3A_267 = arith.constant 0 : index
            %swap3A_268 = tpu.vector_load %arg9[%swap3A, %swap3A_267] {strides = array<i32>} : memref<320x16xf32, #tpu.memory_space<vmem>>, vector<16xf32>,
            tpu.vector_store %arg9[%swap3A, %swap3A_267], %max3A {strides = array<i32>} : memref<320x16xf32, #tpu.memory_space<vmem>>, vector<16xf32>,
          } else {
          }
          %mul3A_169 = arith.constant 256 : i32
          %mul3A_170 = arith.muli %while3A_62, %mul3A_169 : i32
          %mul3A_171 = arith.constant 16 : i32
          %mul3A_172 = arith.muli %scan3A_77, %mul3A_171 : i32
          %add3A_173 = arith.addi %mul3A_170, %mul3A_172 : i32
          %add3A_174 = arith.constant 8 : i32
          %add3A_175 = arith.addi %add3A_173, %add3A_174 : i32
          %lt3A_176 = arith.cmpi slt, %add3A_175, %scan3A_31 : i32
          %convert_element_type3A_177 = arith.extui %lt3A_176 : i1 to i32
          %cond3A_178 = arith.constant 0 : i32
          %cond3A_179 = arith.cmpi ne, %convert_element_type3A_177, %cond3A_178 : i32
          scf.if %cond3A_179 {
            %slice3A = vector.extract_strided_slice %get3A_83 {offsets = [8], sizes = [1], strides = [1]} : vector<16xi32> to vector<1xi32>
            %squeeze3A = vector.extract %slice3A[0] : i32 from vector<1xi32>
            %mul3A_257 = arith.constant 16 : i32
            %mul3A_258 = arith.muli %scan3A_77, %mul3A_257 : i32
            %add3A_259 = arith.constant 8 : i32
            %add3A_260 = arith.addi %mul3A_258, %add3A_259 : i32
            %get3A_261 = arith.index_cast %add3A_260 : i32 to index
            %get3A_262 = arith.constant 0 : index
            %get3A_263 = tpu.vector_load %arg8[%get3A_261, %get3A_262] {strides = array<i32>} : memref<256x128xf32, #tpu.memory_space<vmem>>, vector<16xf32>,
            %get3A_264 = arith.index_cast %squeeze3A : i32 to index
            %get3A_265 = arith.constant 0 : index
            %get3A_266 = tpu.vector_load %arg9[%get3A_264, %get3A_265] {strides = array<i32>} : memref<320x16xf32, #tpu.memory_space<vmem>>, vector<16xf32>,
            %max3A = arith.maximumf %get3A_266, %get3A_263 : vector<16xf32>
            %swap3A = arith.index_cast %squeeze3A : i32 to index
            %swap3A_267 = arith.constant 0 : index
            %swap3A_268 = tpu.vector_load %arg9[%swap3A, %swap3A_267] {strides = array<i32>} : memref<320x16xf32, #tpu.memory_space<vmem>>, vector<16xf32>,
            tpu.vector_store %arg9[%swap3A, %swap3A_267], %max3A {strides = array<i32>} : memref<320x16xf32, #tpu.memory_space<vmem>>, vector<16xf32>,
          } else {
          }
          %mul3A_180 = arith.constant 256 : i32
          %mul3A_181 = arith.muli %while3A_62, %mul3A_180 : i32
          %mul3A_182 = arith.constant 16 : i32
          %mul3A_183 = arith.muli %scan3A_77, %mul3A_182 : i32
          %add3A_184 = arith.addi %mul3A_181, %mul3A_183 : i32
          %add3A_185 = arith.constant 9 : i32
          %add3A_186 = arith.addi %add3A_184, %add3A_185 : i32
          %lt3A_187 = arith.cmpi slt, %add3A_186, %scan3A_31 : i32
          %convert_element_type3A_188 = arith.extui %lt3A_187 : i1 to i32
          %cond3A_189 = arith.constant 0 : i32
          %cond3A_190 = arith.cmpi ne, %convert_element_type3A_188, %cond3A_189 : i32
          scf.if %cond3A_190 {
            %slice3A = vector.extract_strided_slice %get3A_83 {offsets = [9], sizes = [1], strides = [1]} : vector<16xi32> to vector<1xi32>
            %squeeze3A = vector.extract %slice3A[0] : i32 from vector<1xi32>
            %mul3A_257 = arith.constant 16 : i32
            %mul3A_258 = arith.muli %scan3A_77, %mul3A_257 : i32
            %add3A_259 = arith.constant 9 : i32
            %add3A_260 = arith.addi %mul3A_258, %add3A_259 : i32
            %get3A_261 = arith.index_cast %add3A_260 : i32 to index
            %get3A_262 = arith.constant 0 : index
            %get3A_263 = tpu.vector_load %arg8[%get3A_261, %get3A_262] {strides = array<i32>} : memref<256x128xf32, #tpu.memory_space<vmem>>, vector<16xf32>,
            %get3A_264 = arith.index_cast %squeeze3A : i32 to index
            %get3A_265 = arith.constant 0 : index
            %get3A_266 = tpu.vector_load %arg9[%get3A_264, %get3A_265] {strides = array<i32>} : memref<320x16xf32, #tpu.memory_space<vmem>>, vector<16xf32>,
            %max3A = arith.maximumf %get3A_266, %get3A_263 : vector<16xf32>
            %swap3A = arith.index_cast %squeeze3A : i32 to index
            %swap3A_267 = arith.constant 0 : index
            %swap3A_268 = tpu.vector_load %arg9[%swap3A, %swap3A_267] {strides = array<i32>} : memref<320x16xf32, #tpu.memory_space<vmem>>, vector<16xf32>,
            tpu.vector_store %arg9[%swap3A, %swap3A_267], %max3A {strides = array<i32>} : memref<320x16xf32, #tpu.memory_space<vmem>>, vector<16xf32>,
          } else {
          }
          %mul3A_191 = arith.constant 256 : i32
          %mul3A_192 = arith.muli %while3A_62, %mul3A_191 : i32
          %mul3A_193 = arith.constant 16 : i32
          %mul3A_194 = arith.muli %scan3A_77, %mul3A_193 : i32
          %add3A_195 = arith.addi %mul3A_192, %mul3A_194 : i32
          %add3A_196 = arith.constant 10 : i32
          %add3A_197 = arith.addi %add3A_195, %add3A_196 : i32
          %lt3A_198 = arith.cmpi slt, %add3A_197, %scan3A_31 : i32
          %convert_element_type3A_199 = arith.extui %lt3A_198 : i1 to i32
          %cond3A_200 = arith.constant 0 : i32
          %cond3A_201 = arith.cmpi ne, %convert_element_type3A_199, %cond3A_200 : i32
          scf.if %cond3A_201 {
            %slice3A = vector.extract_strided_slice %get3A_83 {offsets = [10], sizes = [1], strides = [1]} : vector<16xi32> to vector<1xi32>
            %squeeze3A = vector.extract %slice3A[0] : i32 from vector<1xi32>
            %mul3A_257 = arith.constant 16 : i32
            %mul3A_258 = arith.muli %scan3A_77, %mul3A_257 : i32
            %add3A_259 = arith.constant 10 : i32
            %add3A_260 = arith.addi %mul3A_258, %add3A_259 : i32
            %get3A_261 = arith.index_cast %add3A_260 : i32 to index
            %get3A_262 = arith.constant 0 : index
            %get3A_263 = tpu.vector_load %arg8[%get3A_261, %get3A_262] {strides = array<i32>} : memref<256x128xf32, #tpu.memory_space<vmem>>, vector<16xf32>,
            %get3A_264 = arith.index_cast %squeeze3A : i32 to index
            %get3A_265 = arith.constant 0 : index
            %get3A_266 = tpu.vector_load %arg9[%get3A_264, %get3A_265] {strides = array<i32>} : memref<320x16xf32, #tpu.memory_space<vmem>>, vector<16xf32>,
            %max3A = arith.maximumf %get3A_266, %get3A_263 : vector<16xf32>
            %swap3A = arith.index_cast %squeeze3A : i32 to index
            %swap3A_267 = arith.constant 0 : index
            %swap3A_268 = tpu.vector_load %arg9[%swap3A, %swap3A_267] {strides = array<i32>} : memref<320x16xf32, #tpu.memory_space<vmem>>, vector<16xf32>,
            tpu.vector_store %arg9[%swap3A, %swap3A_267], %max3A {strides = array<i32>} : memref<320x16xf32, #tpu.memory_space<vmem>>, vector<16xf32>,
          } else {
          }
          %mul3A_202 = arith.constant 256 : i32
          %mul3A_203 = arith.muli %while3A_62, %mul3A_202 : i32
          %mul3A_204 = arith.constant 16 : i32
          %mul3A_205 = arith.muli %scan3A_77, %mul3A_204 : i32
          %add3A_206 = arith.addi %mul3A_203, %mul3A_205 : i32
          %add3A_207 = arith.constant 11 : i32
          %add3A_208 = arith.addi %add3A_206, %add3A_207 : i32
          %lt3A_209 = arith.cmpi slt, %add3A_208, %scan3A_31 : i32
          %convert_element_type3A_210 = arith.extui %lt3A_209 : i1 to i32
          %cond3A_211 = arith.constant 0 : i32
          %cond3A_212 = arith.cmpi ne, %convert_element_type3A_210, %cond3A_211 : i32
          scf.if %cond3A_212 {
            %slice3A = vector.extract_strided_slice %get3A_83 {offsets = [11], sizes = [1], strides = [1]} : vector<16xi32> to vector<1xi32>
            %squeeze3A = vector.extract %slice3A[0] : i32 from vector<1xi32>
            %mul3A_257 = arith.constant 16 : i32
            %mul3A_258 = arith.muli %scan3A_77, %mul3A_257 : i32
            %add3A_259 = arith.constant 11 : i32
            %add3A_260 = arith.addi %mul3A_258, %add3A_259 : i32
            %get3A_261 = arith.index_cast %add3A_260 : i32 to index
            %get3A_262 = arith.constant 0 : index
            %get3A_263 = tpu.vector_load %arg8[%get3A_261, %get3A_262] {strides = array<i32>} : memref<256x128xf32, #tpu.memory_space<vmem>>, vector<16xf32>,
            %get3A_264 = arith.index_cast %squeeze3A : i32 to index
            %get3A_265 = arith.constant 0 : index
            %get3A_266 = tpu.vector_load %arg9[%get3A_264, %get3A_265] {strides = array<i32>} : memref<320x16xf32, #tpu.memory_space<vmem>>, vector<16xf32>,
            %max3A = arith.maximumf %get3A_266, %get3A_263 : vector<16xf32>
            %swap3A = arith.index_cast %squeeze3A : i32 to index
            %swap3A_267 = arith.constant 0 : index
            %swap3A_268 = tpu.vector_load %arg9[%swap3A, %swap3A_267] {strides = array<i32>} : memref<320x16xf32, #tpu.memory_space<vmem>>, vector<16xf32>,
            tpu.vector_store %arg9[%swap3A, %swap3A_267], %max3A {strides = array<i32>} : memref<320x16xf32, #tpu.memory_space<vmem>>, vector<16xf32>,
          } else {
          }
          %mul3A_213 = arith.constant 256 : i32
          %mul3A_214 = arith.muli %while3A_62, %mul3A_213 : i32
          %mul3A_215 = arith.constant 16 : i32
          %mul3A_216 = arith.muli %scan3A_77, %mul3A_215 : i32
          %add3A_217 = arith.addi %mul3A_214, %mul3A_216 : i32
          %add3A_218 = arith.constant 12 : i32
          %add3A_219 = arith.addi %add3A_217, %add3A_218 : i32
          %lt3A_220 = arith.cmpi slt, %add3A_219, %scan3A_31 : i32
          %convert_element_type3A_221 = arith.extui %lt3A_220 : i1 to i32
          %cond3A_222 = arith.constant 0 : i32
          %cond3A_223 = arith.cmpi ne, %convert_element_type3A_221, %cond3A_222 : i32
          scf.if %cond3A_223 {
            %slice3A = vector.extract_strided_slice %get3A_83 {offsets = [12], sizes = [1], strides = [1]} : vector<16xi32> to vector<1xi32>
            %squeeze3A = vector.extract %slice3A[0] : i32 from vector<1xi32>
            %mul3A_257 = arith.constant 16 : i32
            %mul3A_258 = arith.muli %scan3A_77, %mul3A_257 : i32
            %add3A_259 = arith.constant 12 : i32
            %add3A_260 = arith.addi %mul3A_258, %add3A_259 : i32
            %get3A_261 = arith.index_cast %add3A_260 : i32 to index
            %get3A_262 = arith.constant 0 : index
            %get3A_263 = tpu.vector_load %arg8[%get3A_261, %get3A_262] {strides = array<i32>} : memref<256x128xf32, #tpu.memory_space<vmem>>, vector<16xf32>,
            %get3A_264 = arith.index_cast %squeeze3A : i32 to index
            %get3A_265 = arith.constant 0 : index
            %get3A_266 = tpu.vector_load %arg9[%get3A_264, %get3A_265] {strides = array<i32>} : memref<320x16xf32, #tpu.memory_space<vmem>>, vector<16xf32>,
            %max3A = arith.maximumf %get3A_266, %get3A_263 : vector<16xf32>
            %swap3A = arith.index_cast %squeeze3A : i32 to index
            %swap3A_267 = arith.constant 0 : index
            %swap3A_268 = tpu.vector_load %arg9[%swap3A, %swap3A_267] {strides = array<i32>} : memref<320x16xf32, #tpu.memory_space<vmem>>, vector<16xf32>,
            tpu.vector_store %arg9[%swap3A, %swap3A_267], %max3A {strides = array<i32>} : memref<320x16xf32, #tpu.memory_space<vmem>>, vector<16xf32>,
          } else {
          }
          %mul3A_224 = arith.constant 256 : i32
          %mul3A_225 = arith.muli %while3A_62, %mul3A_224 : i32
          %mul3A_226 = arith.constant 16 : i32
          %mul3A_227 = arith.muli %scan3A_77, %mul3A_226 : i32
          %add3A_228 = arith.addi %mul3A_225, %mul3A_227 : i32
          %add3A_229 = arith.constant 13 : i32
          %add3A_230 = arith.addi %add3A_228, %add3A_229 : i32
          %lt3A_231 = arith.cmpi slt, %add3A_230, %scan3A_31 : i32
          %convert_element_type3A_232 = arith.extui %lt3A_231 : i1 to i32
          %cond3A_233 = arith.constant 0 : i32
          %cond3A_234 = arith.cmpi ne, %convert_element_type3A_232, %cond3A_233 : i32
          scf.if %cond3A_234 {
            %slice3A = vector.extract_strided_slice %get3A_83 {offsets = [13], sizes = [1], strides = [1]} : vector<16xi32> to vector<1xi32>
            %squeeze3A = vector.extract %slice3A[0] : i32 from vector<1xi32>
            %mul3A_257 = arith.constant 16 : i32
            %mul3A_258 = arith.muli %scan3A_77, %mul3A_257 : i32
            %add3A_259 = arith.constant 13 : i32
            %add3A_260 = arith.addi %mul3A_258, %add3A_259 : i32
            %get3A_261 = arith.index_cast %add3A_260 : i32 to index
            %get3A_262 = arith.constant 0 : index
            %get3A_263 = tpu.vector_load %arg8[%get3A_261, %get3A_262] {strides = array<i32>} : memref<256x128xf32, #tpu.memory_space<vmem>>, vector<16xf32>,
            %get3A_264 = arith.index_cast %squeeze3A : i32 to index
            %get3A_265 = arith.constant 0 : index
            %get3A_266 = tpu.vector_load %arg9[%get3A_264, %get3A_265] {strides = array<i32>} : memref<320x16xf32, #tpu.memory_space<vmem>>, vector<16xf32>,
            %max3A = arith.maximumf %get3A_266, %get3A_263 : vector<16xf32>
            %swap3A = arith.index_cast %squeeze3A : i32 to index
            %swap3A_267 = arith.constant 0 : index
            %swap3A_268 = tpu.vector_load %arg9[%swap3A, %swap3A_267] {strides = array<i32>} : memref<320x16xf32, #tpu.memory_space<vmem>>, vector<16xf32>,
            tpu.vector_store %arg9[%swap3A, %swap3A_267], %max3A {strides = array<i32>} : memref<320x16xf32, #tpu.memory_space<vmem>>, vector<16xf32>,
          } else {
          }
          %mul3A_235 = arith.constant 256 : i32
          %mul3A_236 = arith.muli %while3A_62, %mul3A_235 : i32
          %mul3A_237 = arith.constant 16 : i32
          %mul3A_238 = arith.muli %scan3A_77, %mul3A_237 : i32
          %add3A_239 = arith.addi %mul3A_236, %mul3A_238 : i32
          %add3A_240 = arith.constant 14 : i32
          %add3A_241 = arith.addi %add3A_239, %add3A_240 : i32
          %lt3A_242 = arith.cmpi slt, %add3A_241, %scan3A_31 : i32
          %convert_element_type3A_243 = arith.extui %lt3A_242 : i1 to i32
          %cond3A_244 = arith.constant 0 : i32
          %cond3A_245 = arith.cmpi ne, %convert_element_type3A_243, %cond3A_244 : i32
          scf.if %cond3A_245 {
            %slice3A = vector.extract_strided_slice %get3A_83 {offsets = [14], sizes = [1], strides = [1]} : vector<16xi32> to vector<1xi32>
            %squeeze3A = vector.extract %slice3A[0] : i32 from vector<1xi32>
            %mul3A_257 = arith.constant 16 : i32
            %mul3A_258 = arith.muli %scan3A_77, %mul3A_257 : i32
            %add3A_259 = arith.constant 14 : i32
            %add3A_260 = arith.addi %mul3A_258, %add3A_259 : i32
            %get3A_261 = arith.index_cast %add3A_260 : i32 to index
            %get3A_262 = arith.constant 0 : index
            %get3A_263 = tpu.vector_load %arg8[%get3A_261, %get3A_262] {strides = array<i32>} : memref<256x128xf32, #tpu.memory_space<vmem>>, vector<16xf32>,
            %get3A_264 = arith.index_cast %squeeze3A : i32 to index
            %get3A_265 = arith.constant 0 : index
            %get3A_266 = tpu.vector_load %arg9[%get3A_264, %get3A_265] {strides = array<i32>} : memref<320x16xf32, #tpu.memory_space<vmem>>, vector<16xf32>,
            %max3A = arith.maximumf %get3A_266, %get3A_263 : vector<16xf32>
            %swap3A = arith.index_cast %squeeze3A : i32 to index
            %swap3A_267 = arith.constant 0 : index
            %swap3A_268 = tpu.vector_load %arg9[%swap3A, %swap3A_267] {strides = array<i32>} : memref<320x16xf32, #tpu.memory_space<vmem>>, vector<16xf32>,
            tpu.vector_store %arg9[%swap3A, %swap3A_267], %max3A {strides = array<i32>} : memref<320x16xf32, #tpu.memory_space<vmem>>, vector<16xf32>,
          } else {
          }
          %mul3A_246 = arith.constant 256 : i32
          %mul3A_247 = arith.muli %while3A_62, %mul3A_246 : i32
          %mul3A_248 = arith.constant 16 : i32
          %mul3A_249 = arith.muli %scan3A_77, %mul3A_248 : i32
          %add3A_250 = arith.addi %mul3A_247, %mul3A_249 : i32
          %add3A_251 = arith.constant 15 : i32
          %add3A_252 = arith.addi %add3A_250, %add3A_251 : i32
          %lt3A_253 = arith.cmpi slt, %add3A_252, %scan3A_31 : i32
          %convert_element_type3A_254 = arith.extui %lt3A_253 : i1 to i32
          %cond3A_255 = arith.constant 0 : i32
          %cond3A_256 = arith.cmpi ne, %convert_element_type3A_254, %cond3A_255 : i32
          scf.if %cond3A_256 {
            %slice3A = vector.extract_strided_slice %get3A_83 {offsets = [15], sizes = [1], strides = [1]} : vector<16xi32> to vector<1xi32>
            %squeeze3A = vector.extract %slice3A[0] : i32 from vector<1xi32>
            %mul3A_257 = arith.constant 16 : i32
            %mul3A_258 = arith.muli %scan3A_77, %mul3A_257 : i32
            %add3A_259 = arith.constant 15 : i32
            %add3A_260 = arith.addi %mul3A_258, %add3A_259 : i32
            %get3A_261 = arith.index_cast %add3A_260 : i32 to index
            %get3A_262 = arith.constant 0 : index
            %get3A_263 = tpu.vector_load %arg8[%get3A_261, %get3A_262] {strides = array<i32>} : memref<256x128xf32, #tpu.memory_space<vmem>>, vector<16xf32>,
            %get3A_264 = arith.index_cast %squeeze3A : i32 to index
            %get3A_265 = arith.constant 0 : index
            %get3A_266 = tpu.vector_load %arg9[%get3A_264, %get3A_265] {strides = array<i32>} : memref<320x16xf32, #tpu.memory_space<vmem>>, vector<16xf32>,
            %max3A = arith.maximumf %get3A_266, %get3A_263 : vector<16xf32>
            %swap3A = arith.index_cast %squeeze3A : i32 to index
            %swap3A_267 = arith.constant 0 : index
            %swap3A_268 = tpu.vector_load %arg9[%swap3A, %swap3A_267] {strides = array<i32>} : memref<320x16xf32, #tpu.memory_space<vmem>>, vector<16xf32>,
            tpu.vector_store %arg9[%swap3A, %swap3A_267], %max3A {strides = array<i32>} : memref<320x16xf32, #tpu.memory_space<vmem>>, vector<16xf32>,
          } else {
          }
        }
        %scan3A_76 = arith.constant 16 : i32
      }
    }
    %scan3A_22 = arith.constant 25 : i32
    "tpu.region"() ({
      %run_scoped3A = tpu.sem_alloc : memref<!tpu.dma_semaphore, #tpu.memory_space<semaphore_mem>>
      %dma_start3A = arith.constant 0 : i32
      %dma_start3A_23 = tpu.memref_slice %arg4[%mul3A_2, %dma_start3A] : memref<10240x16xf32, #tpu.memory_space<hbm>> -> memref<320x16xf32, #tpu.memory_space<hbm>>
      %dma_start3A_24 = arith.constant 0 : i32
      %dma_start3A_25 = tpu.memref_slice %arg4[%mul3A_2, %dma_start3A_24] : memref<10240x16xf32, #tpu.memory_space<hbm>> -> memref<320x16xf32, #tpu.memory_space<hbm>>
      tpu.enqueue_dma source(%arg9 : memref<320x16xf32, #tpu.memory_space<vmem>>) target(%dma_start3A_25 : memref<320x16xf32, #tpu.memory_space<hbm>>) target_semaphore(%run_scoped3A : memref<!tpu.dma_semaphore, #tpu.memory_space<semaphore_mem>>)
      %dma_wait3A = arith.constant 0 : i32
      %dma_wait3A_26 = tpu.memref_slice %arg4[%mul3A_2, %dma_wait3A] : memref<10240x16xf32, #tpu.memory_space<hbm>> -> memref<320x16xf32, #tpu.memory_space<hbm>>
      %dma_wait3A_27 = arith.constant 0 : i32
      %dma_wait3A_28 = tpu.memref_slice %arg4[%mul3A_2, %dma_wait3A_27] : memref<10240x16xf32, #tpu.memory_space<hbm>> -> memref<320x16xf32, #tpu.memory_space<hbm>>
      tpu.wait_dma2 semaphore(%run_scoped3A : memref<!tpu.dma_semaphore, #tpu.memory_space<semaphore_mem>>) src(%arg9 : memref<320x16xf32, #tpu.memory_space<vmem>>) dst(%dma_wait3A_28 : memref<320x16xf32, #tpu.memory_space<hbm>>)
      tpu.yield
    }) : () -> ()
    return
  }
}

#map = affine_map<(d0, d1) -> (0)>
#map1 = affine_map<(d0, d1) -> (0, 0)>
#map2 = affine_map<(d0, d1) -> (0, 0, 0)>
module attributes {stable_mosaic.version = 14 : i64} {
  func.func @_wsum_body(%arg0: i32, %arg1: i32, %arg2: memref<160000xi32, #tpu.memory_space<hbm>>, %arg3: memref<160000x64xf32, #tpu.memory_space<hbm>>, %arg4: memref<160000x16xf32, #tpu.memory_space<hbm>>, %arg5: memref<2x10240x64xf32, #tpu.memory_space<hbm>>, %arg6: memref<10240x64xf32, #tpu.memory_space<vmem_shared>>, %arg7: memref<128xi32, #tpu.memory_space<vmem>>, %arg8: memref<128x64xf32, #tpu.memory_space<vmem>>, %arg9: memref<128x16xf32, #tpu.memory_space<vmem>>, %arg10: memref<128x64xf32, #tpu.memory_space<vmem>>, %arg11: memref<!tpu.dma_semaphore, #tpu.memory_space<semaphore_mem>>) attributes {dimension_semantics = [#tpu.dimension_semantics<core_parallel>, #tpu.dimension_semantics<subcore_parallel>], iteration_bounds = array<i64: 2, 16>, scalar_prefetch = 0 : i64, scratch_operands = 6 : i64, tpu.core_type = #tpu.core_type<sc_vector_subcore>, window_params = [{transform_indices = #map}, {transform_indices = #map1}, {transform_indices = #map1}, {transform_indices = #map2}]} {
    %mul3A = arith.constant 2 : i32
    %mul3A_0 = arith.muli %arg1, %mul3A : i32
    %add3A = arith.addi %mul3A_0, %arg0 : i32
    %iota3A = tpu.iota {dimensions = array<i32: 0>} : vector<16xi32>
    %broadcast_in_dim3A = arith.constant 0.000000e+00 : f32
    %broadcast_in_dim3A_1 = vector.broadcast %broadcast_in_dim3A : f32 to vector<16xf32>
    %jit3A = arith.constant 3 : i32
    %div3A = vector.broadcast %jit3A : i32 to vector<16xi32>
    %div3A_2 = arith.divsi %iota3A, %div3A : vector<16xi32>
    %sign3A = arith.constant 0 : i32
    %sign3A_3 = vector.broadcast %sign3A : i32 to vector<16xi32>
    %sign3A_4 = arith.cmpi sgt, %iota3A, %sign3A_3 : vector<16xi32>
    %sign3A_5 = arith.extui %sign3A_4 : vector<16xi1> to vector<16xi32>
    %sign3A_6 = arith.constant 0 : i32
    %sign3A_7 = vector.broadcast %sign3A_6 : i32 to vector<16xi32>
    %sign3A_8 = arith.cmpi slt, %iota3A, %sign3A_7 : vector<16xi32>
    %sign3A_9 = arith.extui %sign3A_8 : vector<16xi1> to vector<16xi32>
    %sign3A_10 = arith.subi %sign3A_5, %sign3A_9 : vector<16xi32>
    %sign3A_11 = arith.constant 0 : i32
    %sign3A_12 = arith.cmpi sgt, %jit3A, %sign3A_11 : i32
    %sign3A_13 = arith.extui %sign3A_12 : i1 to i32
    %sign3A_14 = arith.constant 0 : i32
    %sign3A_15 = arith.cmpi slt, %jit3A, %sign3A_14 : i32
    %sign3A_16 = arith.extui %sign3A_15 : i1 to i32
    %sign3A_17 = arith.subi %sign3A_13, %sign3A_16 : i32
    %ne3A = vector.broadcast %sign3A_17 : i32 to vector<16xi32>
    %ne3A_18 = arith.cmpi ne, %sign3A_10, %ne3A : vector<16xi32>
    %rem3A = vector.broadcast %jit3A : i32 to vector<16xi32>
    %rem3A_19 = arith.remsi %iota3A, %rem3A : vector<16xi32>
    %ne3A_20 = arith.constant 0 : i32
    %ne3A_21 = vector.broadcast %ne3A_20 : i32 to vector<16xi32>
    %ne3A_22 = arith.cmpi ne, %rem3A_19, %ne3A_21 : vector<16xi32>
    %and3A = arith.andi %ne3A_18, %ne3A_22 : vector<16xi1>
    %sub3A = arith.constant 1 : i32
    %sub3A_23 = vector.broadcast %sub3A : i32 to vector<16xi32>
    %sub3A_24 = arith.subi %div3A_2, %sub3A_23 : vector<16xi32>
    %select_n3A = arith.select %and3A, %sub3A_24, %div3A_2 : vector<16xi1>, vector<16xi32>
    %add3A_25 = arith.constant 16 : i32
    %add3A_26 = vector.broadcast %add3A_25 : i32 to vector<16xi32>
    %add3A_27 = arith.addi %iota3A, %add3A_26 : vector<16xi32>
    %jit3A_28 = arith.constant 3 : i32
    %div3A_29 = vector.broadcast %jit3A_28 : i32 to vector<16xi32>
    %div3A_30 = arith.divsi %add3A_27, %div3A_29 : vector<16xi32>
    %sign3A_31 = arith.constant 0 : i32
    %sign3A_32 = vector.broadcast %sign3A_31 : i32 to vector<16xi32>
    %sign3A_33 = arith.cmpi sgt, %add3A_27, %sign3A_32 : vector<16xi32>
    %sign3A_34 = arith.extui %sign3A_33 : vector<16xi1> to vector<16xi32>
    %sign3A_35 = arith.constant 0 : i32
    %sign3A_36 = vector.broadcast %sign3A_35 : i32 to vector<16xi32>
    %sign3A_37 = arith.cmpi slt, %add3A_27, %sign3A_36 : vector<16xi32>
    %sign3A_38 = arith.extui %sign3A_37 : vector<16xi1> to vector<16xi32>
    %sign3A_39 = arith.subi %sign3A_34, %sign3A_38 : vector<16xi32>
    %sign3A_40 = arith.constant 0 : i32
    %sign3A_41 = arith.cmpi sgt, %jit3A_28, %sign3A_40 : i32
    %sign3A_42 = arith.extui %sign3A_41 : i1 to i32
    %sign3A_43 = arith.constant 0 : i32
    %sign3A_44 = arith.cmpi slt, %jit3A_28, %sign3A_43 : i32
    %sign3A_45 = arith.extui %sign3A_44 : i1 to i32
    %sign3A_46 = arith.subi %sign3A_42, %sign3A_45 : i32
    %ne3A_47 = vector.broadcast %sign3A_46 : i32 to vector<16xi32>
    %ne3A_48 = arith.cmpi ne, %sign3A_39, %ne3A_47 : vector<16xi32>
    %rem3A_49 = vector.broadcast %jit3A_28 : i32 to vector<16xi32>
    %rem3A_50 = arith.remsi %add3A_27, %rem3A_49 : vector<16xi32>
    %ne3A_51 = arith.constant 0 : i32
    %ne3A_52 = vector.broadcast %ne3A_51 : i32 to vector<16xi32>
    %ne3A_53 = arith.cmpi ne, %rem3A_50, %ne3A_52 : vector<16xi32>
    %and3A_54 = arith.andi %ne3A_48, %ne3A_53 : vector<16xi1>
    %sub3A_55 = arith.constant 1 : i32
    %sub3A_56 = vector.broadcast %sub3A_55 : i32 to vector<16xi32>
    %sub3A_57 = arith.subi %div3A_30, %sub3A_56 : vector<16xi32>
    %select_n3A_58 = arith.select %and3A_54, %sub3A_57, %div3A_30 : vector<16xi1>, vector<16xi32>
    %add3A_59 = arith.constant 32 : i32
    %add3A_60 = vector.broadcast %add3A_59 : i32 to vector<16xi32>
    %add3A_61 = arith.addi %iota3A, %add3A_60 : vector<16xi32>
    %jit3A_62 = arith.constant 3 : i32
    %div3A_63 = vector.broadcast %jit3A_62 : i32 to vector<16xi32>
    %div3A_64 = arith.divsi %add3A_61, %div3A_63 : vector<16xi32>
    %sign3A_65 = arith.constant 0 : i32
    %sign3A_66 = vector.broadcast %sign3A_65 : i32 to vector<16xi32>
    %sign3A_67 = arith.cmpi sgt, %add3A_61, %sign3A_66 : vector<16xi32>
    %sign3A_68 = arith.extui %sign3A_67 : vector<16xi1> to vector<16xi32>
    %sign3A_69 = arith.constant 0 : i32
    %sign3A_70 = vector.broadcast %sign3A_69 : i32 to vector<16xi32>
    %sign3A_71 = arith.cmpi slt, %add3A_61, %sign3A_70 : vector<16xi32>
    %sign3A_72 = arith.extui %sign3A_71 : vector<16xi1> to vector<16xi32>
    %sign3A_73 = arith.subi %sign3A_68, %sign3A_72 : vector<16xi32>
    %sign3A_74 = arith.constant 0 : i32
    %sign3A_75 = arith.cmpi sgt, %jit3A_62, %sign3A_74 : i32
    %sign3A_76 = arith.extui %sign3A_75 : i1 to i32
    %sign3A_77 = arith.constant 0 : i32
    %sign3A_78 = arith.cmpi slt, %jit3A_62, %sign3A_77 : i32
    %sign3A_79 = arith.extui %sign3A_78 : i1 to i32
    %sign3A_80 = arith.subi %sign3A_76, %sign3A_79 : i32
    %ne3A_81 = vector.broadcast %sign3A_80 : i32 to vector<16xi32>
    %ne3A_82 = arith.cmpi ne, %sign3A_73, %ne3A_81 : vector<16xi32>
    %rem3A_83 = vector.broadcast %jit3A_62 : i32 to vector<16xi32>
    %rem3A_84 = arith.remsi %add3A_61, %rem3A_83 : vector<16xi32>
    %ne3A_85 = arith.constant 0 : i32
    %ne3A_86 = vector.broadcast %ne3A_85 : i32 to vector<16xi32>
    %ne3A_87 = arith.cmpi ne, %rem3A_84, %ne3A_86 : vector<16xi32>
    %and3A_88 = arith.andi %ne3A_82, %ne3A_87 : vector<16xi1>
    %sub3A_89 = arith.constant 1 : i32
    %sub3A_90 = vector.broadcast %sub3A_89 : i32 to vector<16xi32>
    %sub3A_91 = arith.subi %div3A_64, %sub3A_90 : vector<16xi32>
    %select_n3A_92 = arith.select %and3A_88, %sub3A_91, %div3A_64 : vector<16xi1>, vector<16xi32>
    %scan3A = arith.constant 0 : i32
    %scan3A_93 = arith.constant 0 : i32
    %scan3A_94 = arith.constant 128 : i32
    %scan3A_95 = arith.addi %scan3A_93, %scan3A_94 : i32
    %scan3A_96 = arith.constant 1 : i32
    scf.for %scan3A_129 = %scan3A_93 to %scan3A_95 step %scan3A_96  : i32 {
      %swap3A = arith.index_cast %scan3A_129 : i32 to index
      %swap3A_130 = arith.constant 0 : index
      %swap3A_131 = tpu.vector_load %arg10[%swap3A, %swap3A_130] {strides = array<i32>} : memref<128x64xf32, #tpu.memory_space<vmem>>, vector<16xf32>,
      tpu.vector_store %arg10[%swap3A, %swap3A_130], %broadcast_in_dim3A_1 {strides = array<i32>} : memref<128x64xf32, #tpu.memory_space<vmem>>, vector<16xf32>,
      %swap3A_132 = arith.index_cast %scan3A_129 : i32 to index
      %swap3A_133 = arith.constant 16 : index
      %swap3A_134 = tpu.vector_load %arg10[%swap3A_132, %swap3A_133] {strides = array<i32>} : memref<128x64xf32, #tpu.memory_space<vmem>>, vector<16xf32>,
      tpu.vector_store %arg10[%swap3A_132, %swap3A_133], %broadcast_in_dim3A_1 {strides = array<i32>} : memref<128x64xf32, #tpu.memory_space<vmem>>, vector<16xf32>,
      %swap3A_135 = arith.index_cast %scan3A_129 : i32 to index
      %swap3A_136 = arith.constant 32 : index
      %swap3A_137 = tpu.vector_load %arg10[%swap3A_135, %swap3A_136] {strides = array<i32>} : memref<128x64xf32, #tpu.memory_space<vmem>>, vector<16xf32>,
      tpu.vector_store %arg10[%swap3A_135, %swap3A_136], %broadcast_in_dim3A_1 {strides = array<i32>} : memref<128x64xf32, #tpu.memory_space<vmem>>, vector<16xf32>,
      %swap3A_138 = arith.index_cast %scan3A_129 : i32 to index
      %swap3A_139 = arith.constant 48 : index
      %swap3A_140 = tpu.vector_load %arg10[%swap3A_138, %swap3A_139] {strides = array<i32>} : memref<128x64xf32, #tpu.memory_space<vmem>>, vector<16xf32>,
      tpu.vector_store %arg10[%swap3A_138, %swap3A_139], %broadcast_in_dim3A_1 {strides = array<i32>} : memref<128x64xf32, #tpu.memory_space<vmem>>, vector<16xf32>,
    }
    %scan3A_97 = arith.constant 128 : i32
    %mul3A_98 = arith.constant 640 : i32
    %mul3A_99 = arith.muli %arg1, %mul3A_98 : i32
    %add3A_100 = arith.constant 0 : i32
    %add3A_101 = arith.addi %mul3A_99, %add3A_100 : i32
    "tpu.region"() ({
      %run_scoped3A = tpu.sem_alloc : memref<!tpu.dma_semaphore, #tpu.memory_space<semaphore_mem>>
      %dma_start3A = arith.constant 0 : i32
      %dma_start3A_129 = tpu.memref_slice %arg6[%add3A_101, %dma_start3A] : memref<10240x64xf32, #tpu.memory_space<vmem_shared>> -> memref<128x64xf32, #tpu.memory_space<vmem_shared>>
      %dma_start3A_130 = arith.constant 0 : i32
      %dma_start3A_131 = tpu.memref_slice %arg6[%add3A_101, %dma_start3A_130] : memref<10240x64xf32, #tpu.memory_space<vmem_shared>> -> memref<128x64xf32, #tpu.memory_space<vmem_shared>>
      tpu.enqueue_dma source(%arg10 : memref<128x64xf32, #tpu.memory_space<vmem>>) target(%dma_start3A_131 : memref<128x64xf32, #tpu.memory_space<vmem_shared>>) target_semaphore(%run_scoped3A : memref<!tpu.dma_semaphore, #tpu.memory_space<semaphore_mem>>)
      %dma_wait3A = arith.constant 0 : i32
      %dma_wait3A_132 = tpu.memref_slice %arg6[%add3A_101, %dma_wait3A] : memref<10240x64xf32, #tpu.memory_space<vmem_shared>> -> memref<128x64xf32, #tpu.memory_space<vmem_shared>>
      %dma_wait3A_133 = arith.constant 0 : i32
      %dma_wait3A_134 = tpu.memref_slice %arg6[%add3A_101, %dma_wait3A_133] : memref<10240x64xf32, #tpu.memory_space<vmem_shared>> -> memref<128x64xf32, #tpu.memory_space<vmem_shared>>
      tpu.wait_dma2 semaphore(%run_scoped3A : memref<!tpu.dma_semaphore, #tpu.memory_space<semaphore_mem>>) src(%arg10 : memref<128x64xf32, #tpu.memory_space<vmem>>) dst(%dma_wait3A_134 : memref<128x64xf32, #tpu.memory_space<vmem_shared>>)
      tpu.yield
    }) : () -> ()
    %mul3A_102 = arith.constant 640 : i32
    %mul3A_103 = arith.muli %arg1, %mul3A_102 : i32
    %add3A_104 = arith.constant 128 : i32
    %add3A_105 = arith.addi %mul3A_103, %add3A_104 : i32
    "tpu.region"() ({
      %run_scoped3A = tpu.sem_alloc : memref<!tpu.dma_semaphore, #tpu.memory_space<semaphore_mem>>
      %dma_start3A = arith.constant 0 : i32
      %dma_start3A_129 = tpu.memref_slice %arg6[%add3A_105, %dma_start3A] : memref<10240x64xf32, #tpu.memory_space<vmem_shared>> -> memref<128x64xf32, #tpu.memory_space<vmem_shared>>
      %dma_start3A_130 = arith.constant 0 : i32
      %dma_start3A_131 = tpu.memref_slice %arg6[%add3A_105, %dma_start3A_130] : memref<10240x64xf32, #tpu.memory_space<vmem_shared>> -> memref<128x64xf32, #tpu.memory_space<vmem_shared>>
      tpu.enqueue_dma source(%arg10 : memref<128x64xf32, #tpu.memory_space<vmem>>) target(%dma_start3A_131 : memref<128x64xf32, #tpu.memory_space<vmem_shared>>) target_semaphore(%run_scoped3A : memref<!tpu.dma_semaphore, #tpu.memory_space<semaphore_mem>>)
      %dma_wait3A = arith.constant 0 : i32
      %dma_wait3A_132 = tpu.memref_slice %arg6[%add3A_105, %dma_wait3A] : memref<10240x64xf32, #tpu.memory_space<vmem_shared>> -> memref<128x64xf32, #tpu.memory_space<vmem_shared>>
      %dma_wait3A_133 = arith.constant 0 : i32
      %dma_wait3A_134 = tpu.memref_slice %arg6[%add3A_105, %dma_wait3A_133] : memref<10240x64xf32, #tpu.memory_space<vmem_shared>> -> memref<128x64xf32, #tpu.memory_space<vmem_shared>>
      tpu.wait_dma2 semaphore(%run_scoped3A : memref<!tpu.dma_semaphore, #tpu.memory_space<semaphore_mem>>) src(%arg10 : memref<128x64xf32, #tpu.memory_space<vmem>>) dst(%dma_wait3A_134 : memref<128x64xf32, #tpu.memory_space<vmem_shared>>)
      tpu.yield
    }) : () -> ()
    %mul3A_106 = arith.constant 640 : i32
    %mul3A_107 = arith.muli %arg1, %mul3A_106 : i32
    %add3A_108 = arith.constant 256 : i32
    %add3A_109 = arith.addi %mul3A_107, %add3A_108 : i32
    "tpu.region"() ({
      %run_scoped3A = tpu.sem_alloc : memref<!tpu.dma_semaphore, #tpu.memory_space<semaphore_mem>>
      %dma_start3A = arith.constant 0 : i32
      %dma_start3A_129 = tpu.memref_slice %arg6[%add3A_109, %dma_start3A] : memref<10240x64xf32, #tpu.memory_space<vmem_shared>> -> memref<128x64xf32, #tpu.memory_space<vmem_shared>>
      %dma_start3A_130 = arith.constant 0 : i32
      %dma_start3A_131 = tpu.memref_slice %arg6[%add3A_109, %dma_start3A_130] : memref<10240x64xf32, #tpu.memory_space<vmem_shared>> -> memref<128x64xf32, #tpu.memory_space<vmem_shared>>
      tpu.enqueue_dma source(%arg10 : memref<128x64xf32, #tpu.memory_space<vmem>>) target(%dma_start3A_131 : memref<128x64xf32, #tpu.memory_space<vmem_shared>>) target_semaphore(%run_scoped3A : memref<!tpu.dma_semaphore, #tpu.memory_space<semaphore_mem>>)
      %dma_wait3A = arith.constant 0 : i32
      %dma_wait3A_132 = tpu.memref_slice %arg6[%add3A_109, %dma_wait3A] : memref<10240x64xf32, #tpu.memory_space<vmem_shared>> -> memref<128x64xf32, #tpu.memory_space<vmem_shared>>
      %dma_wait3A_133 = arith.constant 0 : i32
      %dma_wait3A_134 = tpu.memref_slice %arg6[%add3A_109, %dma_wait3A_133] : memref<10240x64xf32, #tpu.memory_space<vmem_shared>> -> memref<128x64xf32, #tpu.memory_space<vmem_shared>>
      tpu.wait_dma2 semaphore(%run_scoped3A : memref<!tpu.dma_semaphore, #tpu.memory_space<semaphore_mem>>) src(%arg10 : memref<128x64xf32, #tpu.memory_space<vmem>>) dst(%dma_wait3A_134 : memref<128x64xf32, #tpu.memory_space<vmem_shared>>)
      tpu.yield
    }) : () -> ()
    %mul3A_110 = arith.constant 640 : i32
    %mul3A_111 = arith.muli %arg1, %mul3A_110 : i32
    %add3A_112 = arith.constant 384 : i32
    %add3A_113 = arith.addi %mul3A_111, %add3A_112 : i32
    "tpu.region"() ({
      %run_scoped3A = tpu.sem_alloc : memref<!tpu.dma_semaphore, #tpu.memory_space<semaphore_mem>>
      %dma_start3A = arith.constant 0 : i32
      %dma_start3A_129 = tpu.memref_slice %arg6[%add3A_113, %dma_start3A] : memref<10240x64xf32, #tpu.memory_space<vmem_shared>> -> memref<128x64xf32, #tpu.memory_space<vmem_shared>>
      %dma_start3A_130 = arith.constant 0 : i32
      %dma_start3A_131 = tpu.memref_slice %arg6[%add3A_113, %dma_start3A_130] : memref<10240x64xf32, #tpu.memory_space<vmem_shared>> -> memref<128x64xf32, #tpu.memory_space<vmem_shared>>
      tpu.enqueue_dma source(%arg10 : memref<128x64xf32, #tpu.memory_space<vmem>>) target(%dma_start3A_131 : memref<128x64xf32, #tpu.memory_space<vmem_shared>>) target_semaphore(%run_scoped3A : memref<!tpu.dma_semaphore, #tpu.memory_space<semaphore_mem>>)
      %dma_wait3A = arith.constant 0 : i32
      %dma_wait3A_132 = tpu.memref_slice %arg6[%add3A_113, %dma_wait3A] : memref<10240x64xf32, #tpu.memory_space<vmem_shared>> -> memref<128x64xf32, #tpu.memory_space<vmem_shared>>
      %dma_wait3A_133 = arith.constant 0 : i32
      %dma_wait3A_134 = tpu.memref_slice %arg6[%add3A_113, %dma_wait3A_133] : memref<10240x64xf32, #tpu.memory_space<vmem_shared>> -> memref<128x64xf32, #tpu.memory_space<vmem_shared>>
      tpu.wait_dma2 semaphore(%run_scoped3A : memref<!tpu.dma_semaphore, #tpu.memory_space<semaphore_mem>>) src(%arg10 : memref<128x64xf32, #tpu.memory_space<vmem>>) dst(%dma_wait3A_134 : memref<128x64xf32, #tpu.memory_space<vmem_shared>>)
      tpu.yield
    }) : () -> ()
    %mul3A_114 = arith.constant 640 : i32
    %mul3A_115 = arith.muli %arg1, %mul3A_114 : i32
    %add3A_116 = arith.constant 512 : i32
    %add3A_117 = arith.addi %mul3A_115, %add3A_116 : i32
    "tpu.region"() ({
      %run_scoped3A = tpu.sem_alloc : memref<!tpu.dma_semaphore, #tpu.memory_space<semaphore_mem>>
      %dma_start3A = arith.constant 0 : i32
      %dma_start3A_129 = tpu.memref_slice %arg6[%add3A_117, %dma_start3A] : memref<10240x64xf32, #tpu.memory_space<vmem_shared>> -> memref<128x64xf32, #tpu.memory_space<vmem_shared>>
      %dma_start3A_130 = arith.constant 0 : i32
      %dma_start3A_131 = tpu.memref_slice %arg6[%add3A_117, %dma_start3A_130] : memref<10240x64xf32, #tpu.memory_space<vmem_shared>> -> memref<128x64xf32, #tpu.memory_space<vmem_shared>>
      tpu.enqueue_dma source(%arg10 : memref<128x64xf32, #tpu.memory_space<vmem>>) target(%dma_start3A_131 : memref<128x64xf32, #tpu.memory_space<vmem_shared>>) target_semaphore(%run_scoped3A : memref<!tpu.dma_semaphore, #tpu.memory_space<semaphore_mem>>)
      %dma_wait3A = arith.constant 0 : i32
      %dma_wait3A_132 = tpu.memref_slice %arg6[%add3A_117, %dma_wait3A] : memref<10240x64xf32, #tpu.memory_space<vmem_shared>> -> memref<128x64xf32, #tpu.memory_space<vmem_shared>>
      %dma_wait3A_133 = arith.constant 0 : i32
      %dma_wait3A_134 = tpu.memref_slice %arg6[%add3A_117, %dma_wait3A_133] : memref<10240x64xf32, #tpu.memory_space<vmem_shared>> -> memref<128x64xf32, #tpu.memory_space<vmem_shared>>
      tpu.wait_dma2 semaphore(%run_scoped3A : memref<!tpu.dma_semaphore, #tpu.memory_space<semaphore_mem>>) src(%arg10 : memref<128x64xf32, #tpu.memory_space<vmem>>) dst(%dma_wait3A_134 : memref<128x64xf32, #tpu.memory_space<vmem_shared>>)
      tpu.yield
    }) : () -> ()
    %barrier3A = arith.constant 0 : index
    tpu.barrier barrier_id(%barrier3A)
    %scan3A_118 = arith.constant 0 : i32
    %scan3A_119 = arith.constant 0 : i32
    %scan3A_120 = arith.constant 40 : i32
    %scan3A_121 = arith.addi %scan3A_119, %scan3A_120 : i32
    %scan3A_122 = arith.constant 1 : i32
    scf.for %scan3A_129 = %scan3A_119 to %scan3A_121 step %scan3A_122  : i32 {
      %mul3A_130 = arith.constant 32 : i32
      %mul3A_131 = arith.muli %mul3A_130, %scan3A_129 : i32
      %add3A_132 = arith.addi %add3A, %mul3A_131 : i32
      %lt3A = arith.constant 1250 : i32
      %lt3A_133 = arith.cmpi slt, %add3A_132, %lt3A : i32
      %convert_element_type3A = arith.extui %lt3A_133 : i1 to i32
      %cond3A = arith.constant 0 : i32
      %cond3A_134 = arith.cmpi ne, %convert_element_type3A, %cond3A : i32
      scf.if %cond3A_134 {
        %mul3A_135 = arith.constant 128 : i32
        %mul3A_136 = arith.muli %add3A_132, %mul3A_135 : i32
        "tpu.region"() ({
          %run_scoped3A = tpu.sem_alloc : memref<!tpu.dma_semaphore, #tpu.memory_space<semaphore_mem>>
          %dma_start3A = tpu.memref_slice %arg2[%mul3A_136] : memref<160000xi32, #tpu.memory_space<hbm>> -> memref<128xi32, #tpu.memory_space<hbm>>
          %dma_start3A_143 = tpu.memref_slice %arg2[%mul3A_136] : memref<160000xi32, #tpu.memory_space<hbm>> -> memref<128xi32, #tpu.memory_space<hbm>>
          tpu.enqueue_dma source(%dma_start3A_143 : memref<128xi32, #tpu.memory_space<hbm>>) target(%arg7 : memref<128xi32, #tpu.memory_space<vmem>>) target_semaphore(%run_scoped3A : memref<!tpu.dma_semaphore, #tpu.memory_space<semaphore_mem>>)
          %dma_wait3A = tpu.memref_slice %arg2[%mul3A_136] : memref<160000xi32, #tpu.memory_space<hbm>> -> memref<128xi32, #tpu.memory_space<hbm>>
          %dma_wait3A_144 = tpu.memref_slice %arg2[%mul3A_136] : memref<160000xi32, #tpu.memory_space<hbm>> -> memref<128xi32, #tpu.memory_space<hbm>>
          tpu.wait_dma2 semaphore(%run_scoped3A : memref<!tpu.dma_semaphore, #tpu.memory_space<semaphore_mem>>) src(%dma_wait3A_144 : memref<128xi32, #tpu.memory_space<hbm>>) dst(%arg7 : memref<128xi32, #tpu.memory_space<vmem>>)
          tpu.yield
        }) : () -> ()
        "tpu.region"() ({
          %run_scoped3A = tpu.sem_alloc : memref<!tpu.dma_semaphore, #tpu.memory_space<semaphore_mem>>
          %dma_start3A = arith.constant 0 : i32
          %dma_start3A_143 = tpu.memref_slice %arg3[%mul3A_136, %dma_start3A] : memref<160000x64xf32, #tpu.memory_space<hbm>> -> memref<128x64xf32, #tpu.memory_space<hbm>>
          %dma_start3A_144 = arith.constant 0 : i32
          %dma_start3A_145 = tpu.memref_slice %arg3[%mul3A_136, %dma_start3A_144] : memref<160000x64xf32, #tpu.memory_space<hbm>> -> memref<128x64xf32, #tpu.memory_space<hbm>>
          tpu.enqueue_dma source(%dma_start3A_145 : memref<128x64xf32, #tpu.memory_space<hbm>>) target(%arg8 : memref<128x64xf32, #tpu.memory_space<vmem>>) target_semaphore(%run_scoped3A : memref<!tpu.dma_semaphore, #tpu.memory_space<semaphore_mem>>)
          %dma_wait3A = arith.constant 0 : i32
          %dma_wait3A_146 = tpu.memref_slice %arg3[%mul3A_136, %dma_wait3A] : memref<160000x64xf32, #tpu.memory_space<hbm>> -> memref<128x64xf32, #tpu.memory_space<hbm>>
          %dma_wait3A_147 = arith.constant 0 : i32
          %dma_wait3A_148 = tpu.memref_slice %arg3[%mul3A_136, %dma_wait3A_147] : memref<160000x64xf32, #tpu.memory_space<hbm>> -> memref<128x64xf32, #tpu.memory_space<hbm>>
          tpu.wait_dma2 semaphore(%run_scoped3A : memref<!tpu.dma_semaphore, #tpu.memory_space<semaphore_mem>>) src(%dma_wait3A_148 : memref<128x64xf32, #tpu.memory_space<hbm>>) dst(%arg8 : memref<128x64xf32, #tpu.memory_space<vmem>>)
          tpu.yield
        }) : () -> ()
        "tpu.region"() ({
          %run_scoped3A = tpu.sem_alloc : memref<!tpu.dma_semaphore, #tpu.memory_space<semaphore_mem>>
          %dma_start3A = arith.constant 0 : i32
          %dma_start3A_143 = tpu.memref_slice %arg4[%mul3A_136, %dma_start3A] : memref<160000x16xf32, #tpu.memory_space<hbm>> -> memref<128x16xf32, #tpu.memory_space<hbm>>
          %dma_start3A_144 = arith.constant 0 : i32
          %dma_start3A_145 = tpu.memref_slice %arg4[%mul3A_136, %dma_start3A_144] : memref<160000x16xf32, #tpu.memory_space<hbm>> -> memref<128x16xf32, #tpu.memory_space<hbm>>
          tpu.enqueue_dma source(%dma_start3A_145 : memref<128x16xf32, #tpu.memory_space<hbm>>) target(%arg9 : memref<128x16xf32, #tpu.memory_space<vmem>>) target_semaphore(%run_scoped3A : memref<!tpu.dma_semaphore, #tpu.memory_space<semaphore_mem>>)
          %dma_wait3A = arith.constant 0 : i32
          %dma_wait3A_146 = tpu.memref_slice %arg4[%mul3A_136, %dma_wait3A] : memref<160000x16xf32, #tpu.memory_space<hbm>> -> memref<128x16xf32, #tpu.memory_space<hbm>>
          %dma_wait3A_147 = arith.constant 0 : i32
          %dma_wait3A_148 = tpu.memref_slice %arg4[%mul3A_136, %dma_wait3A_147] : memref<160000x16xf32, #tpu.memory_space<hbm>> -> memref<128x16xf32, #tpu.memory_space<hbm>>
          tpu.wait_dma2 semaphore(%run_scoped3A : memref<!tpu.dma_semaphore, #tpu.memory_space<semaphore_mem>>) src(%dma_wait3A_148 : memref<128x16xf32, #tpu.memory_space<hbm>>) dst(%arg9 : memref<128x16xf32, #tpu.memory_space<vmem>>)
          tpu.yield
        }) : () -> ()
        %scan3A_137 = arith.constant 0 : i32
        %scan3A_138 = arith.constant 0 : i32
        %scan3A_139 = arith.constant 128 : i32
        %scan3A_140 = arith.addi %scan3A_138, %scan3A_139 : i32
        %scan3A_141 = arith.constant 1 : i32
        scf.for %scan3A_143 = %scan3A_138 to %scan3A_140 step %scan3A_141  : i32 {
          %get3A = arith.index_cast %scan3A_143 : i32 to index
          %get3A_144 = arith.constant 0 : index
          %get3A_145 = tpu.vector_load %arg9[%get3A, %get3A_144] {strides = array<i32>} : memref<128x16xf32, #tpu.memory_space<vmem>>, vector<16xf32>,
          %lt3A_146 = arith.constant 0 : i32
          %lt3A_147 = vector.broadcast %lt3A_146 : i32 to vector<16xi32>
          %lt3A_148 = arith.cmpi slt, %select_n3A, %lt3A_147 : vector<16xi32>
          %add3A_149 = arith.constant 16 : i32
          %add3A_150 = vector.broadcast %add3A_149 : i32 to vector<16xi32>
          %add3A_151 = arith.addi %select_n3A, %add3A_150 : vector<16xi32>
          %select_n3A_152 = arith.select %lt3A_148, %add3A_151, %select_n3A : vector<16xi1>, vector<16xi32>
          %broadcast_in_dim3A_153 = vector.shape_cast %select_n3A_152 : vector<16xi32> to vector<16x1xi32>
          %gather3A = vector.shape_cast %broadcast_in_dim3A_153 : vector<16x1xi32> to vector<16xi32>
          %gather3A_154 = tpu.dynamic_gather %get3A_145[%gather3A] in [0] : vector<16xf32>, vector<16xi32> -> vector<16xf32>
          %lt3A_155 = arith.constant 0 : i32
          %lt3A_156 = vector.broadcast %lt3A_155 : i32 to vector<16xi32>
          %lt3A_157 = arith.cmpi slt, %select_n3A_58, %lt3A_156 : vector<16xi32>
          %add3A_158 = arith.constant 16 : i32
          %add3A_159 = vector.broadcast %add3A_158 : i32 to vector<16xi32>
          %add3A_160 = arith.addi %select_n3A_58, %add3A_159 : vector<16xi32>
          %select_n3A_161 = arith.select %lt3A_157, %add3A_160, %select_n3A_58 : vector<16xi1>, vector<16xi32>
          %broadcast_in_dim3A_162 = vector.shape_cast %select_n3A_161 : vector<16xi32> to vector<16x1xi32>
          %gather3A_163 = vector.shape_cast %broadcast_in_dim3A_162 : vector<16x1xi32> to vector<16xi32>
          %gather3A_164 = tpu.dynamic_gather %get3A_145[%gather3A_163] in [0] : vector<16xf32>, vector<16xi32> -> vector<16xf32>
          %lt3A_165 = arith.constant 0 : i32
          %lt3A_166 = vector.broadcast %lt3A_165 : i32 to vector<16xi32>
          %lt3A_167 = arith.cmpi slt, %select_n3A_92, %lt3A_166 : vector<16xi32>
          %add3A_168 = arith.constant 16 : i32
          %add3A_169 = vector.broadcast %add3A_168 : i32 to vector<16xi32>
          %add3A_170 = arith.addi %select_n3A_92, %add3A_169 : vector<16xi32>
          %select_n3A_171 = arith.select %lt3A_167, %add3A_170, %select_n3A_92 : vector<16xi1>, vector<16xi32>
          %broadcast_in_dim3A_172 = vector.shape_cast %select_n3A_171 : vector<16xi32> to vector<16x1xi32>
          %gather3A_173 = vector.shape_cast %broadcast_in_dim3A_172 : vector<16x1xi32> to vector<16xi32>
          %gather3A_174 = tpu.dynamic_gather %get3A_145[%gather3A_173] in [0] : vector<16xf32>, vector<16xi32> -> vector<16xf32>
          %get3A_175 = arith.index_cast %scan3A_143 : i32 to index
          %get3A_176 = arith.constant 0 : index
          %get3A_177 = tpu.vector_load %arg8[%get3A_175, %get3A_176] {strides = array<i32>} : memref<128x64xf32, #tpu.memory_space<vmem>>, vector<16xf32>,
          %mul3A_178 = arith.mulf %get3A_177, %get3A_145 : vector<16xf32>
          %swap3A = arith.index_cast %scan3A_143 : i32 to index
          %swap3A_179 = arith.constant 0 : index
          %swap3A_180 = tpu.vector_load %arg10[%swap3A, %swap3A_179] {strides = array<i32>} : memref<128x64xf32, #tpu.memory_space<vmem>>, vector<16xf32>,
          tpu.vector_store %arg10[%swap3A, %swap3A_179], %mul3A_178 {strides = array<i32>} : memref<128x64xf32, #tpu.memory_space<vmem>>, vector<16xf32>,
          %get3A_181 = arith.index_cast %scan3A_143 : i32 to index
          %get3A_182 = arith.constant 16 : index
          %get3A_183 = tpu.vector_load %arg8[%get3A_181, %get3A_182] {strides = array<i32>} : memref<128x64xf32, #tpu.memory_space<vmem>>, vector<16xf32>,
          %mul3A_184 = arith.mulf %get3A_183, %gather3A_154 : vector<16xf32>
          %swap3A_185 = arith.index_cast %scan3A_143 : i32 to index
          %swap3A_186 = arith.constant 16 : index
          %swap3A_187 = tpu.vector_load %arg10[%swap3A_185, %swap3A_186] {strides = array<i32>} : memref<128x64xf32, #tpu.memory_space<vmem>>, vector<16xf32>,
          tpu.vector_store %arg10[%swap3A_185, %swap3A_186], %mul3A_184 {strides = array<i32>} : memref<128x64xf32, #tpu.memory_space<vmem>>, vector<16xf32>,
          %get3A_188 = arith.index_cast %scan3A_143 : i32 to index
          %get3A_189 = arith.constant 32 : index
          %get3A_190 = tpu.vector_load %arg8[%get3A_188, %get3A_189] {strides = array<i32>} : memref<128x64xf32, #tpu.memory_space<vmem>>, vector<16xf32>,
          %mul3A_191 = arith.mulf %get3A_190, %gather3A_164 : vector<16xf32>
          %swap3A_192 = arith.index_cast %scan3A_143 : i32 to index
          %swap3A_193 = arith.constant 32 : index
          %swap3A_194 = tpu.vector_load %arg10[%swap3A_192, %swap3A_193] {strides = array<i32>} : memref<128x64xf32, #tpu.memory_space<vmem>>, vector<16xf32>,
          tpu.vector_store %arg10[%swap3A_192, %swap3A_193], %mul3A_191 {strides = array<i32>} : memref<128x64xf32, #tpu.memory_space<vmem>>, vector<16xf32>,
          %get3A_195 = arith.index_cast %scan3A_143 : i32 to index
          %get3A_196 = arith.constant 48 : index
          %get3A_197 = tpu.vector_load %arg8[%get3A_195, %get3A_196] {strides = array<i32>} : memref<128x64xf32, #tpu.memory_space<vmem>>, vector<16xf32>,
          %mul3A_198 = arith.mulf %get3A_197, %gather3A_174 : vector<16xf32>
          %swap3A_199 = arith.index_cast %scan3A_143 : i32 to index
          %swap3A_200 = arith.constant 48 : index
          %swap3A_201 = tpu.vector_load %arg10[%swap3A_199, %swap3A_200] {strides = array<i32>} : memref<128x64xf32, #tpu.memory_space<vmem>>, vector<16xf32>,
          tpu.vector_store %arg10[%swap3A_199, %swap3A_200], %mul3A_198 {strides = array<i32>} : memref<128x64xf32, #tpu.memory_space<vmem>>, vector<16xf32>,
        }
        %scan3A_142 = arith.constant 128 : i32
        "tpu.region"() ({
          %run_scoped3A = tpu.sem_alloc : memref<!tpu.dma_semaphore, #tpu.memory_space<semaphore_mem>>
          %dma_start3A = arith.constant 0 : i32
          %dma_start3A_143 = arith.constant 0 : i32
          %dma_start3A_144 = tpu.memref_slice %arg6[%dma_start3A, %dma_start3A_143] : memref<10240x64xf32, #tpu.memory_space<vmem_shared>> -> memref<10240x64xf32, #tpu.memory_space<vmem_shared>>
          tpu.enqueue_indirect_dma source(%arg10 : memref<128x64xf32, #tpu.memory_space<vmem>>) target(%dma_start3A_144 : memref<10240x64xf32, #tpu.memory_space<vmem_shared>>) offsets(%arg7 : memref<128xi32, #tpu.memory_space<vmem>>) semaphore(%run_scoped3A : memref<!tpu.dma_semaphore, #tpu.memory_space<semaphore_mem>>) {add = true}
          %dma_wait3A = arith.constant 0 : i32
          %dma_wait3A_145 = arith.constant 0 : i32
          %dma_wait3A_146 = tpu.memref_slice %arg6[%dma_wait3A, %dma_wait3A_145] : memref<10240x64xf32, #tpu.memory_space<vmem_shared>> -> memref<10240x64xf32, #tpu.memory_space<vmem_shared>>
          tpu.wait_indirect_dma semaphore(%run_scoped3A : memref<!tpu.dma_semaphore, #tpu.memory_space<semaphore_mem>>) src(%arg10 : memref<128x64xf32, #tpu.memory_space<vmem>>) dst(%dma_wait3A_146 : memref<10240x64xf32, #tpu.memory_space<vmem_shared>>)
          tpu.yield
        }) : () -> ()
      } else {
      }
    }
    %scan3A_123 = arith.constant 40 : i32
    %barrier3A_124 = arith.constant 0 : index
    tpu.barrier barrier_id(%barrier3A_124)
    %mul3A_125 = arith.constant 640 : i32
    %mul3A_126 = arith.muli %arg1, %mul3A_125 : i32
    %mul3A_127 = arith.constant 640 : i32
    %mul3A_128 = arith.muli %arg1, %mul3A_127 : i32
    "tpu.region"() ({
      %run_scoped3A = tpu.sem_alloc : memref<!tpu.dma_semaphore, #tpu.memory_space<semaphore_mem>>
      %dma_start3A = arith.constant 0 : i32
      %dma_start3A_129 = tpu.memref_slice %arg5[%arg0, %mul3A_128, %dma_start3A] : memref<2x10240x64xf32, #tpu.memory_space<hbm>> -> memref<1x640x64xf32, #tpu.memory_space<hbm>>
      %dma_start3A_130 = tpu.memref_squeeze %dma_start3A_129 : memref<1x640x64xf32, #tpu.memory_space<hbm>> -> memref<640x64xf32, #tpu.memory_space<hbm>>
      %dma_start3A_131 = arith.constant 0 : i32
      %dma_start3A_132 = tpu.memref_slice %arg6[%mul3A_126, %dma_start3A_131] : memref<10240x64xf32, #tpu.memory_space<vmem_shared>> -> memref<640x64xf32, #tpu.memory_space<vmem_shared>>
      tpu.enqueue_dma source(%dma_start3A_132 : memref<640x64xf32, #tpu.memory_space<vmem_shared>>) target(%dma_start3A_130 : memref<640x64xf32, #tpu.memory_space<hbm>>) target_semaphore(%run_scoped3A : memref<!tpu.dma_semaphore, #tpu.memory_space<semaphore_mem>>)
      %dma_wait3A = arith.constant 0 : i32
      %dma_wait3A_133 = tpu.memref_slice %arg5[%arg0, %mul3A_128, %dma_wait3A] : memref<2x10240x64xf32, #tpu.memory_space<hbm>> -> memref<1x640x64xf32, #tpu.memory_space<hbm>>
      %dma_wait3A_134 = tpu.memref_squeeze %dma_wait3A_133 : memref<1x640x64xf32, #tpu.memory_space<hbm>> -> memref<640x64xf32, #tpu.memory_space<hbm>>
      %dma_wait3A_135 = arith.constant 0 : i32
      %dma_wait3A_136 = tpu.memref_slice %arg6[%mul3A_126, %dma_wait3A_135] : memref<10240x64xf32, #tpu.memory_space<vmem_shared>> -> memref<640x64xf32, #tpu.memory_space<vmem_shared>>
      tpu.wait_dma2 semaphore(%run_scoped3A : memref<!tpu.dma_semaphore, #tpu.memory_space<semaphore_mem>>) src(%dma_wait3A_136 : memref<640x64xf32, #tpu.memory_space<vmem_shared>>) dst(%dma_wait3A_134 : memref<640x64xf32, #tpu.memory_space<hbm>>)
      tpu.yield
    }) : () -> ()
    return
  }
}

#map = affine_map<(d0, d1) -> (0, 0)>
module attributes {stable_mosaic.version = 14 : i64} {
  func.func @_gather_body(%arg0: i32, %arg1: i32, %arg2: memref<2500x64xi32, #tpu.memory_space<hbm>>, %arg3: memref<10000x128xf32, #tpu.memory_space<hbm>>, %arg4: memref<160000x128xf32, #tpu.memory_space<hbm>>, %arg5: memref<64xi32, #tpu.memory_space<vmem>>, %arg6: memref<64x128xf32, #tpu.memory_space<vmem>>, %arg7: memref<!tpu.dma_semaphore, #tpu.memory_space<semaphore_mem>>) attributes {dimension_semantics = [#tpu.dimension_semantics<core_parallel>, #tpu.dimension_semantics<subcore_parallel>], iteration_bounds = array<i64: 2, 16>, scalar_prefetch = 0 : i64, scratch_operands = 3 : i64, tpu.core_type = #tpu.core_type<sc_vector_subcore>, window_params = [{transform_indices = #map}, {transform_indices = #map}, {transform_indices = #map}]} {
    %mul3A = arith.constant 2 : i32
    %mul3A_0 = arith.muli %arg1, %mul3A : i32
    %add3A = arith.addi %mul3A_0, %arg0 : i32
    %scan3A = arith.constant 0 : i32
    %scan3A_1 = arith.constant 0 : i32
    %scan3A_2 = arith.constant 79 : i32
    %scan3A_3 = arith.addi %scan3A_1, %scan3A_2 : i32
    %scan3A_4 = arith.constant 1 : i32
    scf.for %scan3A_6 = %scan3A_1 to %scan3A_3 step %scan3A_4  : i32 {
      %mul3A_7 = arith.constant 32 : i32
      %mul3A_8 = arith.muli %mul3A_7, %scan3A_6 : i32
      %add3A_9 = arith.addi %add3A, %mul3A_8 : i32
      %lt3A = arith.constant 2500 : i32
      %lt3A_10 = arith.cmpi slt, %add3A_9, %lt3A : i32
      %convert_element_type3A = arith.extui %lt3A_10 : i1 to i32
      %cond3A = arith.constant 0 : i32
      %cond3A_11 = arith.cmpi ne, %convert_element_type3A, %cond3A : i32
      scf.if %cond3A_11 {
        "tpu.region"() ({
          %run_scoped3A = tpu.sem_alloc : memref<!tpu.dma_semaphore, #tpu.memory_space<semaphore_mem>>
          %dma_start3A_18 = arith.constant 0 : i32
          %dma_start3A_19 = tpu.memref_slice %arg2[%add3A_9, %dma_start3A_18] : memref<2500x64xi32, #tpu.memory_space<hbm>> -> memref<1x64xi32, #tpu.memory_space<hbm>>
          %dma_start3A_20 = tpu.memref_squeeze %dma_start3A_19 : memref<1x64xi32, #tpu.memory_space<hbm>> -> memref<64xi32, #tpu.memory_space<hbm>>
          %dma_start3A_21 = arith.constant 0 : i32
          %dma_start3A_22 = tpu.memref_slice %arg2[%add3A_9, %dma_start3A_21] : memref<2500x64xi32, #tpu.memory_space<hbm>> -> memref<1x64xi32, #tpu.memory_space<hbm>>
          %dma_start3A_23 = tpu.memref_squeeze %dma_start3A_22 : memref<1x64xi32, #tpu.memory_space<hbm>> -> memref<64xi32, #tpu.memory_space<hbm>>
          tpu.enqueue_dma source(%dma_start3A_23 : memref<64xi32, #tpu.memory_space<hbm>>) target(%arg5 : memref<64xi32, #tpu.memory_space<vmem>>) target_semaphore(%run_scoped3A : memref<!tpu.dma_semaphore, #tpu.memory_space<semaphore_mem>>)
          %dma_wait3A_24 = arith.constant 0 : i32
          %dma_wait3A_25 = tpu.memref_slice %arg2[%add3A_9, %dma_wait3A_24] : memref<2500x64xi32, #tpu.memory_space<hbm>> -> memref<1x64xi32, #tpu.memory_space<hbm>>
          %dma_wait3A_26 = tpu.memref_squeeze %dma_wait3A_25 : memref<1x64xi32, #tpu.memory_space<hbm>> -> memref<64xi32, #tpu.memory_space<hbm>>
          %dma_wait3A_27 = arith.constant 0 : i32
          %dma_wait3A_28 = tpu.memref_slice %arg2[%add3A_9, %dma_wait3A_27] : memref<2500x64xi32, #tpu.memory_space<hbm>> -> memref<1x64xi32, #tpu.memory_space<hbm>>
          %dma_wait3A_29 = tpu.memref_squeeze %dma_wait3A_28 : memref<1x64xi32, #tpu.memory_space<hbm>> -> memref<64xi32, #tpu.memory_space<hbm>>
          tpu.wait_dma2 semaphore(%run_scoped3A : memref<!tpu.dma_semaphore, #tpu.memory_space<semaphore_mem>>) src(%dma_wait3A_29 : memref<64xi32, #tpu.memory_space<hbm>>) dst(%arg5 : memref<64xi32, #tpu.memory_space<vmem>>)
          tpu.yield
        }) : () -> ()
        %dma_start3A = arith.constant 0 : i32
        %dma_start3A_12 = arith.constant 0 : i32
        %dma_start3A_13 = tpu.memref_slice %arg3[%dma_start3A, %dma_start3A_12] : memref<10000x128xf32, #tpu.memory_space<hbm>> -> memref<10000x128xf32, #tpu.memory_space<hbm>>
        tpu.enqueue_indirect_dma source(%dma_start3A_13 : memref<10000x128xf32, #tpu.memory_space<hbm>>) target(%arg6 : memref<64x128xf32, #tpu.memory_space<vmem>>) offsets(%arg5 : memref<64xi32, #tpu.memory_space<vmem>>) semaphore(%arg7 : memref<!tpu.dma_semaphore, #tpu.memory_space<semaphore_mem>>)
        %dma_wait3A = arith.constant 0 : i32
        %dma_wait3A_14 = arith.constant 0 : i32
        %dma_wait3A_15 = tpu.memref_slice %arg3[%dma_wait3A, %dma_wait3A_14] : memref<10000x128xf32, #tpu.memory_space<hbm>> -> memref<10000x128xf32, #tpu.memory_space<hbm>>
        tpu.wait_indirect_dma semaphore(%arg7 : memref<!tpu.dma_semaphore, #tpu.memory_space<semaphore_mem>>) src(%dma_wait3A_15 : memref<10000x128xf32, #tpu.memory_space<hbm>>) dst(%arg6 : memref<64x128xf32, #tpu.memory_space<vmem>>)
        %mul3A_16 = arith.constant 64 : i32
        %mul3A_17 = arith.muli %add3A_9, %mul3A_16 : i32
        "tpu.region"() ({
          %run_scoped3A = tpu.sem_alloc : memref<!tpu.dma_semaphore, #tpu.memory_space<semaphore_mem>>
          %dma_start3A_18 = arith.constant 0 : i32
          %dma_start3A_19 = tpu.memref_slice %arg4[%mul3A_17, %dma_start3A_18] : memref<160000x128xf32, #tpu.memory_space<hbm>> -> memref<64x128xf32, #tpu.memory_space<hbm>>
          %dma_start3A_20 = arith.constant 0 : i32
          %dma_start3A_21 = tpu.memref_slice %arg4[%mul3A_17, %dma_start3A_20] : memref<160000x128xf32, #tpu.memory_space<hbm>> -> memref<64x128xf32, #tpu.memory_space<hbm>>
          tpu.enqueue_dma source(%arg6 : memref<64x128xf32, #tpu.memory_space<vmem>>) target(%dma_start3A_21 : memref<64x128xf32, #tpu.memory_space<hbm>>) target_semaphore(%run_scoped3A : memref<!tpu.dma_semaphore, #tpu.memory_space<semaphore_mem>>)
          %dma_wait3A_22 = arith.constant 0 : i32
          %dma_wait3A_23 = tpu.memref_slice %arg4[%mul3A_17, %dma_wait3A_22] : memref<160000x128xf32, #tpu.memory_space<hbm>> -> memref<64x128xf32, #tpu.memory_space<hbm>>
          %dma_wait3A_24 = arith.constant 0 : i32
          %dma_wait3A_25 = tpu.memref_slice %arg4[%mul3A_17, %dma_wait3A_24] : memref<160000x128xf32, #tpu.memory_space<hbm>> -> memref<64x128xf32, #tpu.memory_space<hbm>>
          tpu.wait_dma2 semaphore(%run_scoped3A : memref<!tpu.dma_semaphore, #tpu.memory_space<semaphore_mem>>) src(%arg6 : memref<64x128xf32, #tpu.memory_space<vmem>>) dst(%dma_wait3A_25 : memref<64x128xf32, #tpu.memory_space<hbm>>)
          tpu.yield
        }) : () -> ()
      } else {
      }
    }
    %scan3A_5 = arith.constant 79 : i32
    return
  }
}

module attributes {stable_mosaic.version = 14 : i64} {
  func.func @_w_kernel(%arg0: i32, %arg1: memref<1000x128xf32, #tpu.memory_space<vmem>>, %arg2: memref<1000x16xf32, #tpu.memory_space<vmem>>, %arg3: memref<64x64xf32, #tpu.memory_space<vmem>>, %arg4: memref<64x64xf32, #tpu.memory_space<vmem>>, %arg5: memref<64x512xf32, #tpu.memory_space<vmem>>, %arg6: memref<16x64xf32, #tpu.memory_space<vmem>>, %arg7: memref<64x64xf32, #tpu.memory_space<vmem>>, %arg8: memref<64x512xf32, #tpu.memory_space<vmem>>, %arg9: memref<512x128xf32, #tpu.memory_space<vmem>>, %arg10: memref<1000x16xf32, #tpu.memory_space<vmem>>, %arg11: memref<1000x128xf32, #tpu.memory_space<vmem>>) attributes {dimension_semantics = [#tpu.dimension_semantics<arbitrary>], iteration_bounds = array<i64: 160>, scalar_prefetch = 0 : i64, scratch_operands = 0 : i64, tpu.core_type = #tpu.core_type<tc>, window_params = [{transform_indices = @transform_0, window_bounds = array<i64: 1000, 128>}, {transform_indices = @transform_1, window_bounds = array<i64: 1000, 16>}, {pipeline_mode = #tpu.pipeline_mode<synchronous>, transform_indices = @transform_2, window_bounds = array<i64: 64, 64>}, {pipeline_mode = #tpu.pipeline_mode<synchronous>, transform_indices = @transform_3, window_bounds = array<i64: 64, 64>}, {pipeline_mode = #tpu.pipeline_mode<synchronous>, transform_indices = @transform_4, window_bounds = array<i64: 64, 512>}, {pipeline_mode = #tpu.pipeline_mode<synchronous>, transform_indices = @transform_5, window_bounds = array<i64: 16, 64>}, {pipeline_mode = #tpu.pipeline_mode<synchronous>, transform_indices = @transform_6, window_bounds = array<i64: 64, 64>}, {pipeline_mode = #tpu.pipeline_mode<synchronous>, transform_indices = @transform_7, window_bounds = array<i64: 64, 512>}, {pipeline_mode = #tpu.pipeline_mode<synchronous>, transform_indices = @transform_8, window_bounds = array<i64: 512, 128>}, {transform_indices = @transform_9, window_bounds = array<i64: 1000, 16>}, {transform_indices = @transform_10, window_bounds = array<i64: 1000, 128>}]} {
    %get3A = arith.constant 0 : index
    %get3A_0 = arith.constant 0 : index
    %get3A_1 = vector.load %arg1[%get3A, %get3A_0] : memref<1000x128xf32, #tpu.memory_space<vmem>>, vector<1000x64xf32>
    %get3A_2 = arith.constant 0 : index
    %get3A_3 = arith.constant 0 : index
    %get3A_4 = vector.load %arg2[%get3A_2, %get3A_3] : memref<1000x16xf32, #tpu.memory_space<vmem>>, vector<1000x16xf32>
    %get3A_5 = arith.constant 0 : index
    %get3A_6 = arith.constant 0 : index
    %get3A_7 = vector.load %arg3[%get3A_5, %get3A_6] : memref<64x64xf32, #tpu.memory_space<vmem>>, vector<64x64xf32>
    %dot_general3A = arith.constant dense<0.000000e+00> : vector<1000x64xf32>
    %dot_general3A_8 = tpu.matmul %get3A_1, %get3A_7, %dot_general3A {dimension_numbers = #tpu.dot_dimension_numbers<[1], [0], [0], [1], [0, 0, 1, 1], [], []>, transpose_lhs_hint = false} : vector<1000x64xf32>, vector<64x64xf32>, vector<1000x64xf32> -> vector<1000x64xf32>
    %logistic3A = arith.negf %dot_general3A_8 : vector<1000x64xf32>
    %logistic3A_9 = math.exp %logistic3A : vector<1000x64xf32>
    %logistic3A_10 = arith.constant 1.000000e+00 : f32
    %logistic3A_11 = vector.broadcast %logistic3A_10 : f32 to vector<1000x64xf32>
    %logistic3A_12 = arith.addf %logistic3A_11, %logistic3A_9 : vector<1000x64xf32>
    %logistic3A_13 = arith.divf %logistic3A_11, %logistic3A_12 : vector<1000x64xf32>
    %mul3A = arith.mulf %dot_general3A_8, %logistic3A_13 : vector<1000x64xf32>
    %get3A_14 = arith.constant 0 : index
    %get3A_15 = arith.constant 0 : index
    %get3A_16 = vector.load %arg4[%get3A_14, %get3A_15] : memref<64x64xf32, #tpu.memory_space<vmem>>, vector<64x64xf32>
    %dot_general3A_17 = arith.constant dense<0.000000e+00> : vector<1000x64xf32>
    %dot_general3A_18 = tpu.matmul %mul3A, %get3A_16, %dot_general3A_17 {dimension_numbers = #tpu.dot_dimension_numbers<[1], [0], [0], [1], [0, 0, 1, 1], [], []>, transpose_lhs_hint = false} : vector<1000x64xf32>, vector<64x64xf32>, vector<1000x64xf32> -> vector<1000x64xf32>
    %logistic3A_19 = arith.negf %dot_general3A_18 : vector<1000x64xf32>
    %logistic3A_20 = math.exp %logistic3A_19 : vector<1000x64xf32>
    %logistic3A_21 = arith.constant 1.000000e+00 : f32
    %logistic3A_22 = vector.broadcast %logistic3A_21 : f32 to vector<1000x64xf32>
    %logistic3A_23 = arith.addf %logistic3A_22, %logistic3A_20 : vector<1000x64xf32>
    %logistic3A_24 = arith.divf %logistic3A_22, %logistic3A_23 : vector<1000x64xf32>
    %mul3A_25 = arith.mulf %dot_general3A_18, %logistic3A_24 : vector<1000x64xf32>
    %get3A_26 = arith.constant 0 : index
    %get3A_27 = arith.constant 0 : index
    %get3A_28 = vector.load %arg5[%get3A_26, %get3A_27] : memref<64x512xf32, #tpu.memory_space<vmem>>, vector<64x512xf32>
    %dot_general3A_29 = arith.constant dense<0.000000e+00> : vector<1000x512xf32>
    %dot_general3A_30 = tpu.matmul %mul3A_25, %get3A_28, %dot_general3A_29 {dimension_numbers = #tpu.dot_dimension_numbers<[1], [0], [0], [1], [0, 0, 1, 1], [], []>, transpose_lhs_hint = false} : vector<1000x64xf32>, vector<64x512xf32>, vector<1000x512xf32> -> vector<1000x512xf32>
    %get3A_31 = arith.constant 0 : index
    %get3A_32 = arith.constant 0 : index
    %get3A_33 = vector.load %arg6[%get3A_31, %get3A_32] : memref<16x64xf32, #tpu.memory_space<vmem>>, vector<16x64xf32>
    %dot_general3A_34 = arith.constant dense<0.000000e+00> : vector<1000x64xf32>
    %dot_general3A_35 = tpu.matmul %get3A_4, %get3A_33, %dot_general3A_34 {dimension_numbers = #tpu.dot_dimension_numbers<[1], [0], [0], [1], [0, 0, 1, 1], [], []>, transpose_lhs_hint = false} : vector<1000x16xf32>, vector<16x64xf32>, vector<1000x64xf32> -> vector<1000x64xf32>
    %logistic3A_36 = arith.negf %dot_general3A_35 : vector<1000x64xf32>
    %logistic3A_37 = math.exp %logistic3A_36 : vector<1000x64xf32>
    %logistic3A_38 = arith.constant 1.000000e+00 : f32
    %logistic3A_39 = vector.broadcast %logistic3A_38 : f32 to vector<1000x64xf32>
    %logistic3A_40 = arith.addf %logistic3A_39, %logistic3A_37 : vector<1000x64xf32>
    %logistic3A_41 = arith.divf %logistic3A_39, %logistic3A_40 : vector<1000x64xf32>
    %mul3A_42 = arith.mulf %dot_general3A_35, %logistic3A_41 : vector<1000x64xf32>
    %get3A_43 = arith.constant 0 : index
    %get3A_44 = arith.constant 0 : index
    %get3A_45 = vector.load %arg7[%get3A_43, %get3A_44] : memref<64x64xf32, #tpu.memory_space<vmem>>, vector<64x64xf32>
    %dot_general3A_46 = arith.constant dense<0.000000e+00> : vector<1000x64xf32>
    %dot_general3A_47 = tpu.matmul %mul3A_42, %get3A_45, %dot_general3A_46 {dimension_numbers = #tpu.dot_dimension_numbers<[1], [0], [0], [1], [0, 0, 1, 1], [], []>, transpose_lhs_hint = false} : vector<1000x64xf32>, vector<64x64xf32>, vector<1000x64xf32> -> vector<1000x64xf32>
    %logistic3A_48 = arith.negf %dot_general3A_47 : vector<1000x64xf32>
    %logistic3A_49 = math.exp %logistic3A_48 : vector<1000x64xf32>
    %logistic3A_50 = arith.constant 1.000000e+00 : f32
    %logistic3A_51 = vector.broadcast %logistic3A_50 : f32 to vector<1000x64xf32>
    %logistic3A_52 = arith.addf %logistic3A_51, %logistic3A_49 : vector<1000x64xf32>
    %logistic3A_53 = arith.divf %logistic3A_51, %logistic3A_52 : vector<1000x64xf32>
    %mul3A_54 = arith.mulf %dot_general3A_47, %logistic3A_53 : vector<1000x64xf32>
    %get3A_55 = arith.constant 0 : index
    %get3A_56 = arith.constant 0 : index
    %get3A_57 = vector.load %arg8[%get3A_55, %get3A_56] : memref<64x512xf32, #tpu.memory_space<vmem>>, vector<64x512xf32>
    %dot_general3A_58 = arith.constant dense<0.000000e+00> : vector<1000x512xf32>
    %dot_general3A_59 = tpu.matmul %mul3A_54, %get3A_57, %dot_general3A_58 {dimension_numbers = #tpu.dot_dimension_numbers<[1], [0], [0], [1], [0, 0, 1, 1], [], []>, transpose_lhs_hint = false} : vector<1000x64xf32>, vector<64x512xf32>, vector<1000x512xf32> -> vector<1000x512xf32>
    %mul3A_60 = arith.mulf %dot_general3A_30, %dot_general3A_59 : vector<1000x512xf32>
    %get3A_61 = arith.constant 0 : index
    %get3A_62 = arith.constant 0 : index
    %get3A_63 = vector.load %arg9[%get3A_61, %get3A_62] : memref<512x128xf32, #tpu.memory_space<vmem>>, vector<512x128xf32>
    %dot_general3A_64 = arith.constant dense<0.000000e+00> : vector<1000x128xf32>
    %dot_general3A_65 = tpu.matmul %mul3A_60, %get3A_63, %dot_general3A_64 {dimension_numbers = #tpu.dot_dimension_numbers<[1], [0], [0], [1], [0, 0, 1, 1], [], []>, transpose_lhs_hint = false} : vector<1000x512xf32>, vector<512x128xf32>, vector<1000x128xf32> -> vector<1000x128xf32>
    %mul3A_66 = arith.constant 5.000000e+00 : f32
    %mul3A_67 = vector.broadcast %mul3A_66 : f32 to vector<1000x128xf32>
    %mul3A_68 = arith.mulf %dot_general3A_65, %mul3A_67 : vector<1000x128xf32>
    %swap3A = arith.constant 0 : index
    %swap3A_69 = arith.constant 0 : index
    %swap3A_70 = vector.load %arg11[%swap3A, %swap3A_69] : memref<1000x128xf32, #tpu.memory_space<vmem>>, vector<1000x128xf32>
    tpu.vector_store %arg11[%swap3A, %swap3A_69], %mul3A_68 {strides = array<i32>} : memref<1000x128xf32, #tpu.memory_space<vmem>>, vector<1000x128xf32>,
    %slice3A = vector.extract_strided_slice %mul3A_68 {offsets = [0, 0], sizes = [1000, 16], strides = [1, 1]} : vector<1000x128xf32> to vector<1000x16xf32>
    %swap3A_71 = arith.constant 0 : index
    %swap3A_72 = arith.constant 0 : index
    %swap3A_73 = vector.load %arg10[%swap3A_71, %swap3A_72] : memref<1000x16xf32, #tpu.memory_space<vmem>>, vector<1000x16xf32>
    tpu.vector_store %arg10[%swap3A_71, %swap3A_72], %slice3A {strides = array<i32>} : memref<1000x16xf32, #tpu.memory_space<vmem>>, vector<1000x16xf32>,
    return
  }
  func.func @transform_0(%arg0: i32) -> (i32, i32) {
    %c0_i32 = arith.constant 0 : i32
    %c0_i32_0 = arith.constant 0 : i32
    return %arg0, %c0_i32 : i32, i32
  }
  func.func @transform_1(%arg0: i32) -> (i32, i32) {
    %c0_i32 = arith.constant 0 : i32
    %c0_i32_0 = arith.constant 0 : i32
    return %arg0, %c0_i32 : i32, i32
  }
  func.func @transform_2(%arg0: i32) -> (i32, i32) {
    %c0_i32 = arith.constant 0 : i32
    %c0_i32_0 = arith.constant 0 : i32
    %c0_i32_1 = arith.constant 0 : i32
    return %c0_i32, %c0_i32_0 : i32, i32
  }
  func.func @transform_3(%arg0: i32) -> (i32, i32) {
    %c0_i32 = arith.constant 0 : i32
    %c0_i32_0 = arith.constant 0 : i32
    %c0_i32_1 = arith.constant 0 : i32
    return %c0_i32, %c0_i32_0 : i32, i32
  }
  func.func @transform_4(%arg0: i32) -> (i32, i32) {
    %c0_i32 = arith.constant 0 : i32
    %c0_i32_0 = arith.constant 0 : i32
    %c0_i32_1 = arith.constant 0 : i32
    return %c0_i32, %c0_i32_0 : i32, i32
  }
  func.func @transform_5(%arg0: i32) -> (i32, i32) {
    %c0_i32 = arith.constant 0 : i32
    %c0_i32_0 = arith.constant 0 : i32
    %c0_i32_1 = arith.constant 0 : i32
    return %c0_i32, %c0_i32_0 : i32, i32
  }
  func.func @transform_6(%arg0: i32) -> (i32, i32) {
    %c0_i32 = arith.constant 0 : i32
    %c0_i32_0 = arith.constant 0 : i32
    %c0_i32_1 = arith.constant 0 : i32
    return %c0_i32, %c0_i32_0 : i32, i32
  }
  func.func @transform_7(%arg0: i32) -> (i32, i32) {
    %c0_i32 = arith.constant 0 : i32
    %c0_i32_0 = arith.constant 0 : i32
    %c0_i32_1 = arith.constant 0 : i32
    return %c0_i32, %c0_i32_0 : i32, i32
  }
  func.func @transform_8(%arg0: i32) -> (i32, i32) {
    %c0_i32 = arith.constant 0 : i32
    %c0_i32_0 = arith.constant 0 : i32
    %c0_i32_1 = arith.constant 0 : i32
    return %c0_i32, %c0_i32_0 : i32, i32
  }
  func.func @transform_9(%arg0: i32) -> (i32, i32) {
    %c0_i32 = arith.constant 0 : i32
    %c0_i32_0 = arith.constant 0 : i32
    return %arg0, %c0_i32 : i32, i32
  }
  func.func @transform_10(%arg0: i32) -> (i32, i32) {
    %c0_i32 = arith.constant 0 : i32
    %c0_i32_0 = arith.constant 0 : i32
    return %arg0, %c0_i32 : i32, i32
  }
}

module attributes {stable_mosaic.version = 14 : i64} {
  func.func @_final_kernel(%arg0: i32, %arg1: memref<2x1024x16xf32, #tpu.memory_space<vmem>>, %arg2: memref<2x1024x64xf32, #tpu.memory_space<vmem>>, %arg3: memref<16x64xf32, #tpu.memory_space<vmem>>, %arg4: memref<1024x64xf32, #tpu.memory_space<vmem>>) attributes {dimension_semantics = [#tpu.dimension_semantics<arbitrary>], iteration_bounds = array<i64: 10>, scalar_prefetch = 0 : i64, scratch_operands = 0 : i64, tpu.core_type = #tpu.core_type<tc>, window_params = [{transform_indices = @transform_0, window_bounds = array<i64: 2, 1024, 16>}, {transform_indices = @transform_1, window_bounds = array<i64: 2, 1024, 64>}, {pipeline_mode = #tpu.pipeline_mode<synchronous>, transform_indices = @transform_2, window_bounds = array<i64: 16, 64>}, {transform_indices = @transform_3, window_bounds = array<i64: 1024, 64>}]} {
    %get3A = arith.constant 0 : index
    %get3A_0 = arith.constant 0 : index
    %get3A_1 = arith.constant 0 : index
    %get3A_2 = vector.load %arg1[%get3A, %get3A_0, %get3A_1] : memref<2x1024x16xf32, #tpu.memory_space<vmem>>, vector<1x1024x16xf32>
    %get3A_3 = vector.shape_cast %get3A_2 : vector<1x1024x16xf32> to vector<1024x16xf32>
    %get3A_4 = arith.constant 1 : index
    %get3A_5 = arith.constant 0 : index
    %get3A_6 = arith.constant 0 : index
    %get3A_7 = vector.load %arg1[%get3A_4, %get3A_5, %get3A_6] : memref<2x1024x16xf32, #tpu.memory_space<vmem>>, vector<1x1024x16xf32>
    %get3A_8 = vector.shape_cast %get3A_7 : vector<1x1024x16xf32> to vector<1024x16xf32>
    %add3A = arith.addf %get3A_3, %get3A_8 : vector<1024x16xf32>
    %get3A_9 = arith.constant 0 : index
    %get3A_10 = arith.constant 0 : index
    %get3A_11 = arith.constant 0 : index
    %get3A_12 = vector.load %arg2[%get3A_9, %get3A_10, %get3A_11] : memref<2x1024x64xf32, #tpu.memory_space<vmem>>, vector<1x1024x64xf32>
    %get3A_13 = vector.shape_cast %get3A_12 : vector<1x1024x64xf32> to vector<1024x64xf32>
    %get3A_14 = arith.constant 1 : index
    %get3A_15 = arith.constant 0 : index
    %get3A_16 = arith.constant 0 : index
    %get3A_17 = vector.load %arg2[%get3A_14, %get3A_15, %get3A_16] : memref<2x1024x64xf32, #tpu.memory_space<vmem>>, vector<1x1024x64xf32>
    %get3A_18 = vector.shape_cast %get3A_17 : vector<1x1024x64xf32> to vector<1024x64xf32>
    %add3A_19 = arith.addf %get3A_13, %get3A_18 : vector<1024x64xf32>
    %gt3A = arith.constant 0.000000e+00 : f32
    %gt3A_20 = vector.broadcast %gt3A : f32 to vector<1024x16xf32>
    %gt3A_21 = arith.cmpf ogt, %add3A, %gt3A_20 : vector<1024x16xf32>
    %div3A = arith.constant 1.000000e+00 : f32
    %div3A_22 = vector.broadcast %div3A : f32 to vector<1024x16xf32>
    %div3A_23 = arith.divf %div3A_22, %add3A : vector<1024x16xf32>
    %jit3A = arith.constant 0.000000e+00 : f32
    %broadcast_in_dim3A = vector.broadcast %jit3A : f32 to vector<1024x16xf32>
    %select_n3A = arith.select %gt3A_21, %div3A_23, %broadcast_in_dim3A : vector<1024x16xi1>, vector<1024x16xf32>
    %get3A_24 = arith.constant 0 : index
    %get3A_25 = arith.constant 0 : index
    %get3A_26 = vector.load %arg3[%get3A_24, %get3A_25] : memref<16x64xf32, #tpu.memory_space<vmem>>, vector<16x64xf32>
    %dot_general3A = arith.constant dense<0.000000e+00> : vector<1024x64xf32>
    %dot_general3A_27 = tpu.matmul %select_n3A, %get3A_26, %dot_general3A {dimension_numbers = #tpu.dot_dimension_numbers<[1], [0], [0], [1], [0, 0, 1, 1], [], []>, transpose_lhs_hint = false} : vector<1024x16xf32>, vector<16x64xf32>, vector<1024x64xf32> -> vector<1024x64xf32>
    %mul3A = arith.mulf %add3A_19, %dot_general3A_27 : vector<1024x64xf32>
    %swap3A = arith.constant 0 : index
    %swap3A_28 = arith.constant 0 : index
    %swap3A_29 = vector.load %arg4[%swap3A, %swap3A_28] : memref<1024x64xf32, #tpu.memory_space<vmem>>, vector<1024x64xf32>
    tpu.vector_store %arg4[%swap3A, %swap3A_28], %mul3A {strides = array<i32>} : memref<1024x64xf32, #tpu.memory_space<vmem>>, vector<1024x64xf32>,
    return
  }
  func.func @transform_0(%arg0: i32) -> (i32, i32, i32) {
    %c0_i32 = arith.constant 0 : i32
    %c0_i32_0 = arith.constant 0 : i32
    %c0_i32_1 = arith.constant 0 : i32
    return %c0_i32, %arg0, %c0_i32_0 : i32, i32, i32
  }
  func.func @transform_1(%arg0: i32) -> (i32, i32, i32) {
    %c0_i32 = arith.constant 0 : i32
    %c0_i32_0 = arith.constant 0 : i32
    %c0_i32_1 = arith.constant 0 : i32
    return %c0_i32, %arg0, %c0_i32_0 : i32, i32, i32
  }
  func.func @transform_2(%arg0: i32) -> (i32, i32) {
    %c0_i32 = arith.constant 0 : i32
    %c0_i32_0 = arith.constant 0 : i32
    %c0_i32_1 = arith.constant 0 : i32
    return %c0_i32, %c0_i32_0 : i32, i32
  }
  func.func @transform_3(%arg0: i32) -> (i32, i32) {
    %c0_i32 = arith.constant 0 : i32
    %c0_i32_0 = arith.constant 0 : i32
    return %arg0, %c0_i32 : i32, i32
  }
}

</mosaic_0001>

<sc_bundles>
// kernel: kernel.11.cloned.1.call-start
scs
__scs_entry_jumppad:
0x0: {  	(pc) =	sbr.rel $0x88, $3  }
0x1: {  	(tag) =	ssettag $0x0;
	lr =	simm.s32 $0x1  }
0x2: {  	[smem:$0x3F98] =	sst lr;
	_ =	strace $0xD0000000  }
0x3: {  	_ = 	snop  }
0x4: {  	_ = 	snop  }
0x5: {  	_ = 	snop  }
0x6: {  	_ = 	snop  }
0x7: {  	_ = 	snop  }
__scs_overlays_trampoline_lowered:
0x8: {  	[smem:$0x3FA7] =	sst s0  }
0x9: {  	[smem:$0x3FA8] =	sst s1  }
0xa: {  	[smem:$0x3FA9] =	sst s2  }
0xb: {  	[smem:$0x3FAA] =	sst s3  }
0xc: {  	[smem:$0x3FAB] =	sst s4  }
0xd: {  	[smem:$0x3FAC] =	sst s5  }
0xe: {  	[smem:$0x3FAD] =	sst s6  }
0xf: {  	[smem:$0x3FAE] =	sst s7  }
0x10: {  	[smem:$0x3FAF] =	sst s8  }
0x11: {  	[smem:$0x3FB0] =	sst s9;
	s0 =	simm.s32 @!p0 $0x0  }
0x12: {  	s1 =	sld [smem:$0x3F96];
	s0 =	simm.s32 @p0 $0x1  }
0x13: {  	[smem:$0x3FB1] =	sst s0;
	s0 =	simm.s32 @!p1 $0x0  }
0x14: {  	s2 =	sld [smem:$0x3F95];
	s0 =	simm.s32 @p1 $0x1  }
0x15: {  	[smem:$0x3FB2] =	sst s0;
	s0 =	simm.s32 @!p2 $0x0  }
0x16: {  	s3 =	sld [smem:$0x3FDB];
	s0 =	simm.s32 @p2 $0x1  }
0x17: {  	s4 =	simm.s32 $0x1BF5;
	[smem:$0x3FB4] =	sst s0  }
0x18: {  	s0 =	sld [smem:$0x3F97];
	_ =	swait.ge [sflag:s4], $0x0  }
0x19: {  	s7 =	sld [smem:$0x3F98]  }
0x1a: {  	s8 =	sadd.s32 $0xFFFFE003, lr  }
0x1b: {  	s9 =	sadd.s32 $0xFFFFFEF7, lr;
	s5 =	simm.s32 $0xFFFFFFFF;
	p2 =	slt.u32 s8, $0xFFFFF086  }
0x1c: {  	p1 =	slt.u32 s9, $0xF7A;
	s5 =	simm.s32 @!p2 $0x0  }
0x1d: {  	s5 =	simm.s32 @p1 $0x1;
	p0 =	seq.s32 s7, s2  }
0x1e: {  	s7 =	smul.u32 @!p0 $0xF7A, s2;
	p2 =	seq.s32 @!p0 s5, $0x0  }
0x1f: {  	s9 =	smul.u32 $0xF7A, s1;
	s8 =	simm.s32 @!p0 $0x1BF5;
	p2 =	por !p2, p0  }
0x20: {  	[sflag:s8] =	ssyncset.s32 @!p0 $0xFFFFF086;
	s6 =	sadd.s32 @!p0 s3, s7;
	s7 =	simm.s32 @!p0 $0x108  }
0x21: {  	s3 =	sadd.s32 s3, s9;
	s6 =	sadd.s32 @!p0 $0x88, s6;
	s7 =	simm.s32 @p2 $0x1082  }
0x22: {  	[simem:s7], [sflag:s8] =	dma.local @!p0 [hbm:s6], $0xF7A  }
0x23: {  	s9 =	sor.u32 $0xD0000000, s2;
	s6 =	simm.s32 $0x108;
	_ =	swait.ge @!p0 [sflag:s8], $0x0  }
0x24: {  	s3 =	sadd.s32 $0x88, s3;
	s6 =	simm.s32 @!p1 $0x1082;
	[sflag:s4] =	ssyncset.s32 $0xFFFFF086  }
0x25: {  	[simem:s6], [sflag:s4] =	dma.local [hbm:s3], $0xF7A  }
0x26: {  	[smem:$0x3F98] =	sst s1;
	(tag) =	ssettag s2;
	_ =	strace s9  }
0x27: {  	s1 =	sld [smem:$0x3FA8]  }
0x28: {  	s2 =	sld [smem:$0x3FA9]  }
0x29: {  	s4 =	sld [smem:$0x3FAB]  }
0x2a: {  	p0 =	seq.s32 s5, $0x0;
	s5 =	sld [smem:$0x3FAC]  }
0x2b: {  	s6 =	sld [smem:$0x3FAD]  }
0x2c: {  	s7 =	sld [smem:$0x3FAE]  }
0x2d: {  	s3 =	simm.s32 $0x108;
	s8 =	sld [smem:$0x3FAF]  }
0x2e: {  	s3 =	simm.s32 @!p0 $0x1082;
	s9 =	sld [smem:$0x3FB0]  }
0x2f: {  	lr =	sadd.s32 s0, s3;
	s0 =	sld [smem:$0x3FA7]  }
0x30: {  	s3 =	sld [smem:$0x3FAA]  }
0x31: {  	[smem:$0x3FB3] =	sst s10  }
0x32: {  	s10 =	sld [smem:$0x3FB1];
	_ =	sdelay $0x3  }
0x33: {  	p0 =	seq.s32 s10, $0x1;
	s10 =	sld [smem:$0x3FB3];
	_ =	sdelay $0x3  }
0x34: {  	[smem:$0x3FB3] =	sst s10  }
0x35: {  	s10 =	sld [smem:$0x3FB2];
	_ =	sdelay $0x3  }
0x36: {  	p1 =	seq.s32 s10, $0x1;
	s10 =	sld [smem:$0x3FB3];
	_ =	sdelay $0x3  }
0x37: {  	[smem:$0x3FB3] =	sst s10  }
0x38: {  	s10 =	sld [smem:$0x3FB4]  }
0x39: {  	_ = 	snop;
	(pc) =	sbr.ind lr, $3  }
0x3a: {  	_ = 	snop  }
0x3b: {  	_ = 	snop  }
0x3c: {  	p2 =	seq.s32 s10, $0x1;
	s10 =	sld [smem:$0x3FB3]  }
0x3d: {  	_ =	shalt  }
0x3e: {  	_ =	shalt  }
0x3f: {  	_ =	shalt  }
0x40: {  	_ =	shalt  }
0x41: {  	_ =	shalt  }
0x42: {  	_ =	shalt  }
0x43: {  	_ =	shalt  }
0x44: {  	_ =	shalt  }
0x45: {  	_ =	shalt  }
0x46: {  	_ =	shalt  }
0x47: {  	_ =	shalt  }
0x48: {  	_ =	shalt  }
0x49: {  	_ =	shalt  }
0x4a: {  	_ =	shalt  }
0x4b: {  	_ =	shalt  }
0x4c: {  	_ =	shalt  }
0x4d: {  	_ =	shalt  }
0x4e: {  	_ =	shalt  }
0x4f: {  	_ =	shalt  }
0x50: {  	_ =	shalt  }
0x51: {  	_ =	shalt  }
0x52: {  	_ =	shalt  }
0x53: {  	_ =	shalt  }
0x54: {  	_ =	shalt  }
0x55: {  	_ =	shalt  }
0x56: {  	_ =	shalt  }
0x57: {  	_ =	shalt  }
0x58: {  	_ =	shalt  }
0x59: {  	_ =	shalt  }
0x5a: {  	_ =	shalt  }
0x5b: {  	_ =	shalt  }
0x5c: {  	_ =	shalt  }
0x5d: {  	_ =	shalt  }
0x5e: {  	_ =	shalt  }
0x5f: {  	_ =	shalt  }
0x60: {  	_ =	shalt  }
0x61: {  	_ =	shalt  }
0x62: {  	_ =	shalt  }
0x63: {  	_ =	shalt  }
0x64: {  	_ =	shalt  }
0x65: {  	_ =	shalt  }
0x66: {  	_ =	shalt  }
0x67: {  	_ =	shalt  }
0x68: {  	_ =	shalt  }
0x69: {  	_ =	shalt  }
0x6a: {  	_ =	shalt  }
0x6b: {  	_ =	shalt  }
0x6c: {  	_ =	shalt  }
0x6d: {  	_ =	shalt  }
0x6e: {  	_ =	shalt  }
0x6f: {  	_ =	shalt  }
0x70: {  	_ =	shalt  }
0x71: {  	_ =	shalt  }
0x72: {  	_ =	shalt  }
0x73: {  	_ =	shalt  }
0x74: {  	_ =	shalt  }
0x75: {  	_ =	shalt  }
0x76: {  	_ =	shalt  }
0x77: {  	_ =	shalt  }
0x78: {  	_ =	shalt  }
0x79: {  	_ =	shalt  }
0x7a: {  	_ =	shalt  }
0x7b: {  	_ =	shalt  }
0x7c: {  	_ =	shalt  }
0x7d: {  	_ =	shalt  }
0x7e: {  	_ =	shalt  }
0x7f: {  	_ =	shalt  }
0x80: {  	_ =	shalt  }
0x81: {  	_ =	shalt  }
0x82: {  	_ =	shalt  }
0x83: {  	_ =	shalt  }
0x84: {  	_ =	shalt  }
0x85: {  	_ =	shalt  }
0x86: {  	_ =	shalt  }
0x87: {  	_ =	shalt  }
.Lfunc_end0:
.L_simem_size_0:
called_computation.1_lowered:
.L_overlay_start_0:
0x88: {  	s2 =	sld [smem:$0x3FD9]  }
0x89: {  	s3 =	sld [smem:$0x3FFE];
	_ =	sdelay $0x1  }
0x8a: {  	s1 =	srdreg.scid  }
0x8b: {  	s0 =	sand.u32 $0x1, s1  }
0x8c: {  	s16 =	sshll.u32 s0, $0xA;
	s2 =	sadd.s32 s3, s2  }
0x8d: {  	s2 =	sadd.s32 s2, s16  }
0x8e: {  	[smem:$0x3FBF] =	sst s2  }
0x8f: {  	_ = 	snop  }
0x90: {  	(tm) =	ssettm $0x1  }
0x91: {  	s17 =	sld [smem:$0x3FFB];
	_ =	sdelay $0x3  }
0x92: {  	_ =	strace s17  }
0x93: {  	s2 =	sld [smem:$0x3FFC];
	_ =	sdelay $0x3  }
0x94: {  	_ =	strace s2  }
0x95: {  	s2 =	sld [smem:$0x3FFD];
	_ =	sdelay $0x3  }
0x96: {  	_ =	strace s2  }
0x97: {  	_ =	strace $0x8FFFFFFF  }
0x98: {  	s18 =	sld [smem:$0x3FDB];
	_ =	sdelay $0x1  }
0x99: {  	s19 =	simm.s32 $_scs_section_size  }
0x9a: {  	s4 =	simm.s32 $_size__tile_overlayer_lowered;
	s5 =	simm.s32 $_tile_overlayer_lowered  }
0x9b: {  	s22 =	simm.s32 $0x1BFF;
	s21 =	sshll.u32 s5, $0x1;
	s2 =	sadd.s32 s19, s18  }
0x9c: {  	s6 =	simm.s32 $0x0;
	s20 =	sshll.u32 s4, $0x1;
	s4 =	sadd.s32 s21, s2  }
0x9d: {  	[timem:s6], [sflag:s22] =	dma.local [hbm:s4], s20  }
0x9e: {  	_ =	swait.ge [sflag:s22], s20  }
0x9f: {  	s3 =	ssub.s32 $0x0, s20;
	[sflag:s22] =	ssyncset.done $0x0  }
0xa0: {  	[sflag:s22] =	ssyncadd.s32 s3;
	_ =	sdelay $0x1  }
0xa1: {  	s23 =	simm.s32 $0x1B8B  }
0xa2: {  	_ =	swait.ge [sflag:s23], $0x1  }
0xa3: {  	[sflag:s23] =	ssyncset.done $0x0  }
0xa4: {  	s25 =	simm.s32 $0x1B8E;
	s24 =	sld [smem:$0x3FFE];
	[sflag:s23] =	ssyncadd.s32 $0xFFFFFFFF  }
0xa5: {  	s26 =	simm.s32 $execute0_lowered;
	[smem:$0x3FD2] =	sst s25  }
0xa6: {  	s4 =	sshll.u32 s26, $0x1;
	_ =	strace $0x80000049;
	[dreg:$0x1] =	wrdreg $0xFFFFFFFF  }
0xa7: {  	s28 =	simm.s32 $_size_execute0_lowered;
	s2 =	sadd.s32 s2, s4;
	[dreg:$0x0] =	wrdreg $0x0  }
0xa8: {  	s4 =	sshll.u32 s28, $0x1;
	[dreg:$0x2] =	wrdreg s2  }
0xa9: {  	[dreg:$0x3] =	wrdreg s4  }
0xaa: {  	[dreg:$0x4] =	wrdreg $0xC0  }
0xab: {  	_ =	task [dreg:s6], $0x5FFFF  }
0xac: {  	[dreg:$0x1] =	wrdreg $0xFFFFFFFF  }
0xad: {  	[dreg:$0x0] =	wrdreg $0x60  }
0xae: {  	[dreg:$0x2] =	wrdreg s24  }
0xaf: {  	[dreg:$0x3] =	wrdreg $0x9  }
0xb0: {  	_ =	task.clear_ibuf [dreg:s6], $0x4FFFF;
	_ =	strace $0x90000049  }
0xb1: {  	s29 =	simm.s32 $0x9;
	_ =	strace $0x8000004B  }
0xb2: {  	_ =	swait.ge [sflag:s29], $0x1  }
0xb3: {  	[sflag:s29] =	ssyncadd.s32 $0xFFFFFFFF  }
0xb4: {  	_ =	strace $0x9000004B  }
0xb5: {  	_ =	sfence  }
0xb6: {  	s30 =	sld [smem:$0x0];
	_ =	sdelay $0x2  }
0xb7: {  	s31 =	sshll.u32 s1, $0xD;
	s1 =	sshrl.u32 s1, $0x2  }
0xb8: {  	s3 =	sand.u32 $0x4000, s31;
	s1 =	sadd.s32 s1, s30  }
0xb9: {  	s0 =	sor.u32 s3, s0;
	s1 =	sshll.u32 s1, $0x11  }
0xba: {  	s0 =	sor.u32 s1, s0  }
0xbb: {  	s0 =	sadd.s32 $0x8F2B, s0  }
0xbc: {  	[sflag:s0] =	ssyncadd.remote.s32 $0x1  }
0xbd: {  	_ =	sfence.sel $0xFFFF  }
0xbe: {  	[dreg:$0x0] =	wrdreg $0xFFFFFFFF;
	(pc) =	sbr.abs _section_cstart, $3  }
0xbf: {  	[dreg:$0x1] =	wrdreg $0xFFFFFFFF  }
0xc0: {  	_ =	task.clear_ibuf [dreg:s6], $0x2FFFF;
	_ =	strace $0x9FFFFFFF  }
0xc1: {  	(tm) =	ssettm $0x7FFFFFFF  }
tec
execute0_lowered:
.L_overlay_start_1:
0x0: {  	(tag) =	ssettag $0x1  }
0x1: {  	s0 =	srdreg.scid;
	s2 =	stileid.u32  }
0x2: {  	s1 =	rddreg [dreg:$0x0];
	s3 =	simm.s32 $0x0;
	s7 =	simm.s32 $0x2  }
0x3: {  	s8 =	simm.s32 $0x1;
	s0 =	sand.u32 $0x1, s0;
	s2 =	sshll.u32 s2, $0x1  }
0x4: {  	s9 =	simm.s32 $0x100;
	s10 =	simm.s32 $0x4B00;
	s2 =	sor.u32 s0, s2  }
0x5: {  	[smem:$0x7FF] =	sst s3;
	s0 =	ssub.s32 $0x2, s0;
	s4 =	smul.u32 $0x1400, s2  }
.Ltmp0:
0x6: {  	s30 =	sadd.s32 $0x2E00, s1;
	s5 =	sshrl.u32 s0, $0x1;
	(pc) =	sbr.rel .LBB2_1-.Ltmp0, $4  }
0x7: {  	_ =	strace $0x8000004A;
	[dreg:$0x2] =	wrdreg s30;
	s0 =	ssub.s32 s0, s5  }
0x8: {  	s2 =	smul.u32 $0xFFFFFEC0, s2;
	s6 =	sadd.s32 s4, s1;
	s0 =	smax.u32 s0, $0x1  }
0x9: {  	v1 =	vimm.f32 $-Inf;
	s17 =	simm.s32 $0x0;
	s31 =	sadd.s32 $0x7E00, s6;
	[dreg:$0x4] =	wrdreg s0  }
0xa: {  	v2 =	vimm.s32 $0x0;
	v3 =	vlaneseq.u32;
	s4 =	sadd.s32 $0x511000, s1;
	v0 =	vmov s2;
	s1 =	simm.s32 $0x0;
	[dreg:$0x3] =	wrdreg s31  }
.LBB2_13:
0xb: {  	s0 =	simm.s32 $0x0;
	s1 =	rddreg [dreg:$0x3];
	s2 =	simm.s32 $0xCB00  }
0xc: {  	[hbm4b:s1+s0] =	stream.linear.scatter [tilespmem:s2], [sflag:$0x2], $0xA000, $0x38;
	[tilespmem:$0x16B80] =	vst v63  }
0xd: {  	_ =	swait.ge [sflag:s7], $0xA000  }
0xe: {  	s30 =	rddreg [dreg:$0x5]  }
0xf: {  	s31 =	rddreg [dreg:$0x4];
	s1 =	sadd.s32 $0x1, s30  }
0x10: {  	p0 =	sne.s32 s1, s31  }
.Ltmp1:
0x11: {  	_ = 	snop;
	(pc) =	sbr.rel @!p0 .LBB2_14-.Ltmp1, $3  }
0x12: {  	_ =	sdelay $0x1  }
0x13: {  	[sflag:s7] =	ssyncset.done $0x0  }
0x14: {  	[sflag:s7] =	ssyncadd.s32 $0xFFFF6000  }
.LBB2_1:
0x15: {  	[dreg:$0x5] =	wrdreg s1;
	s0 =	simm.s32 $0x200;
	s1 =	simm.s32 $0x0  }
.LBB2_2:
0x16: {  	p0 =	sne.s32 s0, $0x27E00;
	[tilespmem:s1+$0xCB00] =	vst v1;
	s1 =	smov.u32 s0;
	s0 =	sadd.s32 $0x200, s0  }
.Ltmp2:
0x17: {  	(pc) =	sbr.rel @p0 .LBB2_2-.Ltmp2, $2  }
0x18: {  	_ =	sdelay $0x2  }
0x19: {  	s1 =	sshra.s32 s1, $0x2  }
0x1a: {  	[tilespmem:s1+$0xCB00] =	vst v1;
	s13 =	simm.s32 $0x0;
	s0 =	simm.s32 $0x40;
	s1 =	simm.s32 $0x0  }
.LBB2_4:
0x1b: {  	p0 =	sne.s32 s0, $0x63C0;
	[tilespmem:s1+$0x1900] =	vst v2;
	s2 =	smov.u32 s0;
	s0 =	sadd.s32 $0x40, s0  }
.Ltmp3:
0x1c: {  	[tilespmem:s1+$0x3200] =	vst v2;
	(pc) =	sbr.rel @p0 .LBB2_4-.Ltmp3, $2  }
0x1d: {  	_ =	sdelay $0x2  }
0x1e: {  	s1 =	sshra.s32 s2, $0x2  }
.Ltmp4:
0x1f: {  	(pc) =	sbr.rel .LBB2_6-.Ltmp4, $3  }
0x20: {  	_ =	sdelay $0x1  }
0x21: {  	[tilespmem:s1+$0x1900] =	vst v2  }
0x22: {  	[tilespmem:s1+$0x3200] =	vst v2;
	s14 =	simm.s32 $0x0  }
.LBB2_12:
0x23: {  	s14 =	sadd.s32 $0x1, s14  }
0x24: {  	p0 =	sne.s32 s14, $0x19  }
.Ltmp5:
0x25: {  	_ = 	snop;
	(pc) =	sbr.rel @!p0 .LBB2_13-.Ltmp5, $2  }
0x26: {  	_ =	sdelay $0x2  }
0x27: {  	s13 =	sadd.s32 $0x1900, s13  }
.LBB2_6:
0x28: {  	s0 =	smul.u32 $0x1900, s14;
	_ =	sdelay $0x1  }
0x29: {  	s1 =	rddreg [dreg:$0x2];
	s0 =	sshrl.u32 s0, $0x3  }
0x2a: {  	s1 =	sadd.s32 s1, s0;
	s0 =	simm.s32 $0x0  }
0x2b: {  	[tilespmem:s0], [sflag:$0x2] =	stream.linear.gather [hbm4b:s1+s0], $0x1900, $0x38;
	[tilespmem:$0x16B80] =	vst v63  }
0x2c: {  	_ =	swait.ge [sflag:s7], $0x1900  }
0x2d: {  	[sflag:s7] =	ssyncset.done $0x0  }
0x2e: {  	s31 =	simm.s32 $0x0;
	[sflag:s7] =	ssyncadd.s32 $0xFFFFE700  }
0x2f: {  	v4 =	vld [tilespmem:s31+$0x0];
	_ =	sdelay $0x4  }
0x30: {  	v4 =	vadd.s32 v0, v4  }
0x31: {  	vm0 =	vlt.u32 v4, $0x140  }
0x32: {  	v6 =	vmpcnt.ones.xlane vm0;
	_ =	sdelay $0x1  }
0x33: {  	(v2sf) =	vpush v6, $0x0;
	_ =	sdelay $0x2  }
0x34: {  	v5 =	vor.u32 s13, v3  }
0x35: {  	[tilespmem:s0+$0x1900] =	vst.msk vm0, v5  }
0x36: {  	[tilespmem:s0+$0x3200] =	vst.msk vm0, v4  }
0x37: {  	s11 =	simm.s32 $0x10;
	s2 =	simm.s32 $0x80;
	s1 =	smov.u32 s13;
	[tilespmem:$0x16B00] =	vst v6  }
.LBB2_7:
0x38: {  	p0 =	sne.s32 s2, $0x63C0;
	v4 =	vld [tilespmem:s11+$0x0];
	_ =	sdelay $0x4  }
0x39: {  	v4 =	vadd.s32 v0, v4  }
0x3a: {  	vm0 =	vlt.u32 v4, $0x140  }
0x3b: {  	v5 =	vmpcnt.ones.xlane vm0  }
0x3c: {  	s1 =	sadd.s32 $0x10, s1;
	s11 =	spop (v2sf)  }
0x3d: {  	v6 =	vor.u32 s1, v3;
	(v2sf) =	vpush v5, $0x0;
	s0 =	sadd.s32 s0, s11  }
0x3e: {  	[tilespmem:s0+$0x1900] =	vst.msk vm0, v6  }
.Ltmp6:
0x3f: {  	[tilespmem:s0+$0x3200] =	vst.msk vm0, v4;
	(pc) =	sbr.rel @p0 .LBB2_7-.Ltmp6, $2  }
0x40: {  	[tilespmem:$0x16B00] =	vst v5;
	_ =	sdelay $0x2  }
0x41: {  	s11 =	sshra.s32 s2, $0x2;
	s2 =	sadd.s32 $0x40, s2  }
0x42: {  	v4 =	vld [tilespmem:s11+$0x0];
	_ =	sdelay $0x4  }
0x43: {  	v4 =	vadd.s32 v0, v4  }
0x44: {  	vm0 =	vlt.u32 v4, $0x140  }
0x45: {  	v5 =	vmpcnt.ones.xlane vm0;
	_ =	sdelay $0x1  }
0x46: {  	(v2sf) =	vpush v5, $0x0;
	_ =	sdelay $0xd  }
0x47: {  	s2 =	spop (v2sf)  }
0x48: {  	s0 =	sadd.s32 s0, s2;
	s28 =	spop (v2sf)  }
0x49: {  	s15 =	sadd.s32 s0, s28  }
0x4a: {  	s2 =	sadd.s32 $0xFF, s15  }
0x4b: {  	s29 =	sand.u32 $0xFF, s2  }
0x4c: {  	s30 =	sshra.s32 s2, $0x1F;
	p1 =	slt.s32 s2, $0x1;
	p0 =	sne.s32 s29, $0x0  }
0x4d: {  	s11 =	sshrl.u32 s30, $0x18;
	p0 =	por !p1, !p0  }
0x4e: {  	s2 =	sadd.s32 s11, s2;
	s11 =	simm.s32 $0x1;
	p0 =	por !p0, !p0  }
0x4f: {  	s31 =	sshra.s32 s2, $0x8;
	s11 =	simm.s32 @!p0 $0x0  }
0x50: {  	s16 =	ssub.s32 s31, s11  }
0x51: {  	p0 =	slt.s32 s16, $0x1  }
.Ltmp7:
0x52: {  	s1 =	sadd.s32 $0x10, s1;
	(pc) =	sbr.rel @p0 .LBB2_12-.Ltmp7, $4  }
0x53: {  	v6 =	vor.u32 s1, v3  }
0x54: {  	[tilespmem:s0+$0x1900] =	vst.msk vm0, v6  }
0x55: {  	[tilespmem:s0+$0x3200] =	vst.msk vm0, v4  }
0x56: {  	s18 =	simm.s32 $0x0;
	s19 =	simm.s32 $0x0;
	[tilespmem:$0x16B00] =	vst v5  }
.LBB2_9:
0x57: {  	s0 =	sshll.u32 s19, $0x8  }
0x58: {  	s0 =	sadd.s32 $0x1900, s0  }
0x59: {  	[tilespmem:s10], [sflag:$0x1] =	stream.indirect.gather [hbm4b:s4+s9], $0x80, s0, s9, $0xb8;
	[tilespmem:$0x16B80] =	vst v63  }
0x5a: {  	s21 =	sadd.s32 $0x0, s18;
	_ =	swait.ge [sflag:s8], $0x8000  }
0x5b: {  	s1 =	sand.u32 $0x70, s17;
	s2 =	sand.u32 $0xFFFFFF80, s21;
	[sflag:s8] =	ssyncset.done $0x0  }
0x5c: {  	s0 =	sor.u32 s1, s2;
	[sflag:s8] =	ssyncadd.s32 $0xFFFF8000  }
0x5d: {  	v4 =	vld [tilespmem:s0+$0x3200];
	_ =	sdelay $0x3  }
0x5e: {  	p1 =	sge.s32 s21, s15  }
0x5f: {  	(v2sf) =	vpush @!p1 v4, $0x0;
	_ =	sdelay $0x5  }
0x60: {  	s3 =	sadd.s32 $0x1, s21  }
0x61: {  	p2 =	sge.s32 s3, s15  }
0x62: {  	(v2sf) =	vpush @!p2 v4, $0x1;
	_ =	sdelay $0x5  }
0x63: {  	s5 =	sadd.s32 $0x2, s21  }
0x64: {  	p3 =	sge.s32 s5, s15;
	s0 =	spop @!p1 (v2sf)  }
0x65: {  	s20 =	simm.s32 $0x4F00;
	(v2sf) =	vpush @!p3 v4, $0x2;
	s0 =	sshll.u32 @!p1 s0, $0x9  }
0x66: {  	v5 =	vld @!p1 [tilespmem:s20+$0xFFFFFC00];
	s0 =	sshra.s32 @!p1 s0, $0x2  }
0x67: {  	v6 =	vld @!p1 [tilespmem:s0+$0xCB00];
	_ =	sdelay $0x3  }
0x68: {  	s6 =	sadd.s32 $0x3, s21  }
0x69: {  	p0 =	sge.s32 s6, s15;
	s1 =	spop @!p2 (v2sf);
	v5 =	vmax.f32 @!p1 v6, v5  }
0x6a: {  	(v2sf) =	vpush @!p0 v4, $0x3;
	s1 =	sshll.u32 @!p2 s1, $0x9;
	[tilespmem:s0+$0xCB00] =	vst @!p1 v5  }
0x6b: {  	s0 =	sshra.s32 @!p2 s1, $0x2;
	v5 =	vld @!p2 [tilespmem:s20+$0xFFFFFC80]  }
0x6c: {  	v6 =	vld @!p2 [tilespmem:s0+$0xCB00];
	_ =	sdelay $0x3  }
0x6d: {  	s11 =	sadd.s32 $0x4, s21  }
0x6e: {  	p1 =	sge.s32 s11, s15;
	s1 =	spop @!p3 (v2sf);
	v5 =	vmax.f32 @!p2 v6, v5  }
0x6f: {  	(v2sf) =	vpush @!p1 v4, $0x4;
	s1 =	sshll.u32 @!p3 s1, $0x9;
	[tilespmem:s0+$0xCB00] =	vst @!p2 v5  }
0x70: {  	s0 =	sshra.s32 @!p3 s1, $0x2;
	v5 =	vld @!p3 [tilespmem:s20+$0xFFFFFD00]  }
0x71: {  	v6 =	vld @!p3 [tilespmem:s0+$0xCB00];
	_ =	sdelay $0x3  }
0x72: {  	s12 =	sadd.s32 $0x5, s21  }
0x73: {  	p2 =	sge.s32 s12, s15;
	s1 =	spop @!p0 (v2sf);
	v5 =	vmax.f32 @!p3 v6, v5  }
0x74: {  	(v2sf) =	vpush @!p2 v4, $0x5;
	s1 =	sshll.u32 @!p0 s1, $0x9;
	[tilespmem:s0+$0xCB00] =	vst @!p3 v5  }
0x75: {  	s0 =	sshra.s32 @!p0 s1, $0x2;
	v5 =	vld @!p0 [tilespmem:s20+$0xFFFFFD80]  }
0x76: {  	v6 =	vld @!p0 [tilespmem:s0+$0xCB00];
	_ =	sdelay $0x3  }
0x77: {  	s22 =	sadd.s32 $0x6, s21  }
0x78: {  	p3 =	sge.s32 s22, s15;
	s1 =	spop @!p1 (v2sf);
	v5 =	vmax.f32 @!p0 v6, v5  }
0x79: {  	(v2sf) =	vpush @!p3 v4, $0x6;
	s1 =	sshll.u32 @!p1 s1, $0x9;
	[tilespmem:s0+$0xCB00] =	vst @!p0 v5  }
0x7a: {  	s0 =	sshra.s32 @!p1 s1, $0x2;
	v5 =	vld @!p1 [tilespmem:s20+$0xFFFFFE00]  }
0x7b: {  	v6 =	vld @!p1 [tilespmem:s0+$0xCB00];
	_ =	sdelay $0x3  }
0x7c: {  	s23 =	sadd.s32 $0x7, s21  }
0x7d: {  	p0 =	sge.s32 s23, s15;
	s1 =	spop @!p2 (v2sf);
	v5 =	vmax.f32 @!p1 v6, v5  }
0x7e: {  	(v2sf) =	vpush @!p0 v4, $0x7;
	s1 =	sshll.u32 @!p2 s1, $0x9;
	[tilespmem:s0+$0xCB00] =	vst @!p1 v5  }
0x7f: {  	s0 =	sshra.s32 @!p2 s1, $0x2;
	v5 =	vld @!p2 [tilespmem:s20+$0xFFFFFE80]  }
0x80: {  	v6 =	vld @!p2 [tilespmem:s0+$0xCB00];
	_ =	sdelay $0x3  }
0x81: {  	s24 =	sadd.s32 $0x8, s21  }
0x82: {  	p1 =	sge.s32 s24, s15;
	s1 =	spop @!p3 (v2sf);
	v5 =	vmax.f32 @!p2 v6, v5  }
0x83: {  	(v2sf) =	vpush @!p1 v4, $0x8;
	s1 =	sshll.u32 @!p3 s1, $0x9;
	[tilespmem:s0+$0xCB00] =	vst @!p2 v5  }
0x84: {  	s0 =	sshra.s32 @!p3 s1, $0x2;
	v5 =	vld @!p3 [tilespmem:s20+$0xFFFFFF00]  }
0x85: {  	v6 =	vld @!p3 [tilespmem:s0+$0xCB00];
	_ =	sdelay $0x3  }
0x86: {  	s25 =	sadd.s32 $0x9, s21  }
0x87: {  	p2 =	sge.s32 s25, s15;
	s1 =	spop @!p0 (v2sf);
	v5 =	vmax.f32 @!p3 v6, v5  }
0x88: {  	(v2sf) =	vpush @!p2 v4, $0x9;
	s1 =	sshll.u32 @!p0 s1, $0x9;
	[tilespmem:s0+$0xCB00] =	vst @!p3 v5  }
0x89: {  	s0 =	sshra.s32 @!p0 s1, $0x2;
	v5 =	vld @!p0 [tilespmem:s20+$0xFFFFFF80]  }
0x8a: {  	v6 =	vld @!p0 [tilespmem:s0+$0xCB00];
	_ =	sdelay $0x3  }
0x8b: {  	s26 =	sadd.s32 $0xA, s21  }
0x8c: {  	p3 =	sge.s32 s26, s15;
	s1 =	spop @!p1 (v2sf);
	v5 =	vmax.f32 @!p0 v6, v5  }
0x8d: {  	(v2sf) =	vpush @!p3 v4, $0xA;
	s1 =	sshll.u32 @!p1 s1, $0x9;
	[tilespmem:s0+$0xCB00] =	vst @!p0 v5  }
0x8e: {  	s0 =	sshra.s32 @!p1 s1, $0x2;
	v5 =	vld @!p1 [tilespmem:s20+$0x0]  }
0x8f: {  	v6 =	vld @!p1 [tilespmem:s0+$0xCB00];
	_ =	sdelay $0x3  }
0x90: {  	s28 =	sadd.s32 $0xB, s21  }
0x91: {  	p0 =	sge.s32 s28, s15;
	s1 =	spop @!p2 (v2sf);
	v5 =	vmax.f32 @!p1 v6, v5  }
0x92: {  	(v2sf) =	vpush @!p0 v4, $0xB;
	s1 =	sshll.u32 @!p2 s1, $0x9;
	[tilespmem:s0+$0xCB00] =	vst @!p1 v5  }
0x93: {  	s0 =	sshra.s32 @!p2 s1, $0x2;
	v5 =	vld @!p2 [tilespmem:s20+$0x80]  }
0x94: {  	v6 =	vld @!p2 [tilespmem:s0+$0xCB00];
	_ =	sdelay $0x3  }
0x95: {  	s29 =	sadd.s32 $0xC, s21  }
0x96: {  	p1 =	sge.s32 s29, s15;
	s1 =	spop @!p3 (v2sf);
	v5 =	vmax.f32 @!p2 v6, v5  }
0x97: {  	(v2sf) =	vpush @!p1 v4, $0xC;
	s1 =	sshll.u32 @!p3 s1, $0x9;
	[tilespmem:s0+$0xCB00] =	vst @!p2 v5  }
0x98: {  	s0 =	sshra.s32 @!p3 s1, $0x2;
	v5 =	vld @!p3 [tilespmem:s20+$0x100]  }
0x99: {  	v6 =	vld @!p3 [tilespmem:s0+$0xCB00];
	_ =	sdelay $0x3  }
0x9a: {  	s30 =	sadd.s32 $0xD, s21  }
0x9b: {  	p2 =	sge.s32 s30, s15;
	s1 =	spop @!p0 (v2sf);
	v5 =	vmax.f32 @!p3 v6, v5  }
0x9c: {  	(v2sf) =	vpush @!p2 v4, $0xD;
	s1 =	sshll.u32 @!p0 s1, $0x9;
	[tilespmem:s0+$0xCB00] =	vst @!p3 v5  }
0x9d: {  	s0 =	sshra.s32 @!p0 s1, $0x2;
	v5 =	vld @!p0 [tilespmem:s20+$0x180]  }
0x9e: {  	v6 =	vld @!p0 [tilespmem:s0+$0xCB00];
	_ =	sdelay $0x2  }
0x9f: {  	s31 =	sadd.s32 $0xE, s21  }
0xa0: {  	s2 =	sadd.s32 $0xF, s21;
	p4 =	sge.s32 s31, s15  }
0xa1: {  	(v2sf) =	vpush @!p4 v4, $0xE;
	p3 =	sge.s32 s2, s15;
	v5 =	vmax.f32 @!p0 v6, v5;
	s1 =	spop @!p1 (v2sf)  }
0xa2: {  	(v2sf) =	vpush @!p3 v4, $0xF;
	[tilespmem:s0+$0xCB00] =	vst @!p0 v5;
	s0 =	sshll.u32 @!p1 s1, $0x9  }
0xa3: {  	s0 =	sshra.s32 @!p1 s0, $0x2;
	v4 =	vld @!p1 [tilespmem:s20+$0x200]  }
0xa4: {  	v5 =	vld @!p1 [tilespmem:s0+$0xCB00];
	_ =	sdelay $0x4  }
0xa5: {  	s1 =	spop @!p2 (v2sf);
	v4 =	vmax.f32 @!p1 v5, v4  }
0xa6: {  	[tilespmem:s0+$0xCB00] =	vst @!p1 v4;
	s0 =	sshll.u32 @!p2 s1, $0x9  }
0xa7: {  	s0 =	sshra.s32 @!p2 s0, $0x2;
	v4 =	vld @!p2 [tilespmem:s20+$0x280]  }
0xa8: {  	v5 =	vld @!p2 [tilespmem:s0+$0xCB00];
	_ =	sdelay $0x3  }
0xa9: {  	s1 =	spop @!p4 (v2sf)  }
0xaa: {  	s21 =	simm.s32 $0x10;
	s1 =	sshll.u32 @!p4 s1, $0x9;
	s2 =	spop @!p3 (v2sf);
	v4 =	vmax.f32 @!p2 v5, v4  }
0xab: {  	s22 =	simm.s32 $0x4F00;
	s23 =	sshll.u32 @!p3 s2, $0x9;
	[tilespmem:s0+$0xCB00] =	vst @!p2 v4;
	s0 =	sshra.s32 @!p4 s1, $0x2  }
.LBB2_10:
0xac: {  	v4 =	vld @!p4 [tilespmem:s20+$0x300]  }
0xad: {  	v5 =	vld @!p4 [tilespmem:s0+$0xCB00];
	_ =	sdelay $0x2  }
0xae: {  	s1 =	smov.u32 s21;
	s21 =	sadd.s32 $0x10, s21  }
0xaf: {  	p0 =	sne.s32 s21, $0x100  }
0xb0: {  	s2 =	simm.s32 @!p0 $0x0;
	v4 =	vmax.f32 @!p4 v5, v4  }
0xb1: {  	s2 =	simm.s32 @p0 $0x1;
	[tilespmem:s0+$0xCB00] =	vst @!p4 v4  }
0xb2: {  	[smem:$0x7FD] =	sst s2;
	s2 =	sshra.s32 @!p3 s23, $0x2;
	v4 =	vld @!p3 [tilespmem:s20+$0x380]  }
0xb3: {  	v5 =	vld @!p3 [tilespmem:s2+$0xCB00];
	_ =	sdelay $0x3  }
0xb4: {  	s0 =	sadd.s32 s1, s18  }
0xb5: {  	s1 =	sand.u32 $0x70, s1;
	s11 =	sand.u32 $0xFFFFFF80, s0;
	v4 =	vmax.f32 @!p3 v5, v4  }
0xb6: {  	s1 =	sor.u32 s1, s11;
	[tilespmem:s2+$0xCB00] =	vst @!p3 v4  }
0xb7: {  	v4 =	vld [tilespmem:s1+$0x3200];
	_ =	sdelay $0x2  }
0xb8: {  	s23 =	sadd.s32 $0x1, s0  }
0xb9: {  	s24 =	sadd.s32 $0x3, s0;
	s3 =	sadd.s32 $0x4, s0;
	p3 =	sge.s32 s0, s15  }
0xba: {  	s11 =	sadd.s32 $0x2, s0;
	p4 =	sge.s32 s23, s15;
	p1 =	sge.s32 s3, s15;
	(v2sf) =	vpush @!p3 v4, $0x0  }
0xbb: {  	s12 =	sadd.s32 $0x5, s0;
	p5 =	sge.s32 s11, s15;
	s1 =	simm.s32 @!p1 $0x0;
	(v2sf) =	vpush @!p4 v4, $0x1  }
0xbc: {  	p6 =	sge.s32 s24, s15;
	p0 =	sge.s32 s12, s15;
	s1 =	simm.s32 @p1 $0x1;
	(v2sf) =	vpush @!p5 v4, $0x2  }
0xbd: {  	s25 =	sadd.s32 $0x6, s0;
	[smem:$0x7F1] =	sst s1;
	s1 =	simm.s32 @!p0 $0x0;
	(v2sf) =	vpush @!p6 v4, $0x3  }
0xbe: {  	s1 =	simm.s32 @p0 $0x1;
	(v2sf) =	vpush @!p1 v4, $0x4;
	p1 =	sge.s32 s25, s15  }
0xbf: {  	s26 =	sadd.s32 $0x7, s0;
	[smem:$0x7F4] =	sst s1;
	s1 =	simm.s32 @!p1 $0x0  }
0xc0: {  	(v2sf) =	vpush @!p0 v4, $0x5;
	p0 =	sge.s32 s26, s15;
	s1 =	simm.s32 @p1 $0x1  }
0xc1: {  	s28 =	sadd.s32 $0x8, s0;
	[smem:$0x7F5] =	sst s1;
	s1 =	simm.s32 @!p0 $0x0  }
0xc2: {  	(v2sf) =	vpush @!p1 v4, $0x6;
	p1 =	sge.s32 s28, s15;
	s1 =	simm.s32 @p0 $0x1  }
0xc3: {  	s29 =	sadd.s32 $0x9, s0;
	[smem:$0x7F6] =	sst s1;
	s1 =	simm.s32 @!p1 $0x0  }
0xc4: {  	s30 =	sadd.s32 $0xA, s0;
	(v2sf) =	vpush @!p0 v4, $0x7;
	p0 =	sge.s32 s29, s15;
	s1 =	simm.s32 @p1 $0x1  }
0xc5: {  	s31 =	sadd.s32 $0xB, s0;
	[smem:$0x7F7] =	sst s1;
	s1 =	simm.s32 @!p0 $0x0  }
0xc6: {  	s5 =	sadd.s32 $0xC, s0;
	(v2sf) =	vpush @!p1 v4, $0x8;
	p1 =	sge.s32 s30, s15;
	s1 =	simm.s32 @p0 $0x1  }
0xc7: {  	s6 =	sadd.s32 $0xF, s0;
	[smem:$0x7F8] =	sst s1;
	s1 =	simm.s32 @!p1 $0x0  }
0xc8: {  	s29 =	sadd.s32 $0xD, s0;
	(v2sf) =	vpush @!p0 v4, $0x9;
	p0 =	sge.s32 s31, s15;
	s1 =	simm.s32 @p1 $0x1  }
0xc9: {  	s0 =	sadd.s32 $0xE, s0;
	(v2sf) =	vpush @!p1 v4, $0xA;
	[smem:$0x7F9] =	sst s1;
	s1 =	simm.s32 @!p0 $0x0  }
0xca: {  	p2 =	sge.s32 s5, s15;
	(v2sf) =	vpush @!p0 v4, $0xB;
	s1 =	simm.s32 @p0 $0x1;
	p0 =	sge.s32 s0, s15  }
0xcb: {  	[smem:$0x7FA] =	sst s1;
	s1 =	simm.s32 @!p2 $0x0;
	s0 =	simm.s32 @!p0 $0x0  }
0xcc: {  	(v2sf) =	vpush @!p2 v4, $0xC;
	s1 =	simm.s32 @p2 $0x1;
	s0 =	simm.s32 @p0 $0x1;
	p2 =	sge.s32 s6, s15  }
0xcd: {  	[smem:$0x7F2] =	sst s0;
	s0 =	simm.s32 @!p2 $0x0  }
0xce: {  	p1 =	sge.s32 s29, s15;
	s0 =	simm.s32 @p2 $0x1  }
0xcf: {  	(v2sf) =	vpush @!p1 v4, $0xD;
	[smem:$0x7F3] =	sst s0;
	s0 =	spop @!p3 (v2sf)  }
0xd0: {  	s22 =	sadd.s32 $0x800, s22;
	(v2sf) =	vpush @!p0 v4, $0xE;
	s0 =	sshll.u32 @!p3 s0, $0x9  }
0xd1: {  	(v2sf) =	vpush @!p2 v4, $0xF;
	v4 =	vld @!p3 [tilespmem:s22+$0xFFFFFC00];
	s5 =	sshra.s32 @!p3 s0, $0x2  }
0xd2: {  	v5 =	vld @!p3 [tilespmem:s5+$0xCB00];
	_ =	sdelay $0x4  }
0xd3: {  	[smem:$0x7FB] =	sst s1;
	s1 =	spop @!p4 (v2sf);
	v4 =	vmax.f32 @!p3 v5, v4  }
0xd4: {  	s6 =	sshll.u32 @!p4 s1, $0x9;
	[tilespmem:s5+$0xCB00] =	vst @!p3 v4  }
0xd5: {  	s5 =	sshra.s32 @!p4 s6, $0x2;
	v4 =	vld @!p4 [tilespmem:s22+$0xFFFFFC80]  }
0xd6: {  	v5 =	vld @!p4 [tilespmem:s5+$0xCB00];
	_ =	sdelay $0x4  }
0xd7: {  	s0 =	spop @!p5 (v2sf);
	v4 =	vmax.f32 @!p4 v5, v4  }
0xd8: {  	s12 =	sshll.u32 @!p5 s0, $0x9;
	[tilespmem:s5+$0xCB00] =	vst @!p4 v4  }
0xd9: {  	s5 =	sshra.s32 @!p5 s12, $0x2;
	v4 =	vld @!p5 [tilespmem:s22+$0xFFFFFD00]  }
0xda: {  	v5 =	vld @!p5 [tilespmem:s5+$0xCB00];
	_ =	sdelay $0x1  }
0xdb: {  	s30 =	sld [smem:$0x7F1]  }
0xdc: {  	s31 =	sld [smem:$0x7F4]  }
0xdd: {  	s23 =	sld [smem:$0x7F6]  }
0xde: {  	p2 =	seq.s32 s30, $0x1;
	s1 =	sld [smem:$0x7F5];
	s0 =	spop @!p6 (v2sf);
	v4 =	vmax.f32 @!p5 v5, v4  }
0xdf: {  	p0 =	seq.s32 s31, $0x1;
	s3 =	sshll.u32 @!p6 s0, $0x9;
	s0 =	spop @!p2 (v2sf);
	[tilespmem:s5+$0xCB00] =	vst @!p5 v4  }
0xe0: {  	s11 =	sshll.u32 @!p2 s0, $0x9;
	s0 =	spop @!p0 (v2sf);
	s3 =	sshra.s32 @!p6 s3, $0x2;
	v4 =	vld @!p6 [tilespmem:s22+$0xFFFFFD80]  }
0xe1: {  	s2 =	sshll.u32 @!p0 s0, $0x9;
	p0 =	seq.s32 s1, $0x1;
	v5 =	vld @!p6 [tilespmem:s3+$0xCB00]  }
0xe2: {  	s24 =	sld [smem:$0x7F7];
	s0 =	spop @!p0 (v2sf)  }
0xe3: {  	s0 =	sshll.u32 @!p0 s0, $0x9;
	p0 =	seq.s32 s23, $0x1  }
0xe4: {  	s25 =	sld [smem:$0x7F8];
	s1 =	spop @!p0 (v2sf)  }
0xe5: {  	s1 =	sshll.u32 @!p0 s1, $0x9;
	p0 =	seq.s32 s24, $0x1  }
0xe6: {  	s26 =	sld [smem:$0x7F9];
	s23 =	spop @!p0 (v2sf);
	v4 =	vmax.f32 @!p6 v5, v4  }
0xe7: {  	s31 =	sshll.u32 @!p0 s23, $0x9;
	p0 =	seq.s32 s25, $0x1;
	[tilespmem:s3+$0xCB00] =	vst @!p6 v4  }
0xe8: {  	s28 =	sld [smem:$0x7FA];
	s6 =	spop @!p0 (v2sf);
	s3 =	sshra.s32 @!p2 s11, $0x2;
	v4 =	vld @!p2 [tilespmem:s22+$0xFFFFFE00]  }
0xe9: {  	s30 =	sshll.u32 @!p0 s6, $0x9;
	p0 =	seq.s32 s26, $0x1;
	v5 =	vld @!p2 [tilespmem:s3+$0xCB00]  }
0xea: {  	s23 =	sld [smem:$0x7FB];
	s6 =	spop @!p0 (v2sf)  }
0xeb: {  	s29 =	sshll.u32 @!p0 s6, $0x9;
	p0 =	seq.s32 s28, $0x1  }
0xec: {  	s6 =	spop @!p0 (v2sf);
	s11 =	sld [smem:$0x7F4]  }
0xed: {  	s28 =	sshll.u32 @!p0 s6, $0x9;
	p0 =	seq.s32 s23, $0x1  }
0xee: {  	s6 =	spop @!p0 (v2sf);
	v4 =	vmax.f32 @!p2 v5, v4  }
0xef: {  	s26 =	sshll.u32 @!p0 s6, $0x9;
	p0 =	seq.s32 s11, $0x1;
	[tilespmem:s3+$0xCB00] =	vst @!p2 v4  }
0xf0: {  	s2 =	sshra.s32 @!p0 s2, $0x2;
	v4 =	vld @!p0 [tilespmem:s22+$0xFFFFFE80]  }
0xf1: {  	v5 =	vld @!p0 [tilespmem:s2+$0xCB00];
	_ =	sdelay $0x2  }
0xf2: {  	s12 =	sld [smem:$0x7F5];
	_ =	sdelay $0x1  }
0xf3: {  	v4 =	vmax.f32 @!p0 v5, v4  }
0xf4: {  	[tilespmem:s2+$0xCB00] =	vst @!p0 v4;
	p0 =	seq.s32 s12, $0x1  }
0xf5: {  	s0 =	sshra.s32 @!p0 s0, $0x2;
	v4 =	vld @!p0 [tilespmem:s22+$0xFFFFFF00]  }
0xf6: {  	v5 =	vld @!p0 [tilespmem:s0+$0xCB00];
	_ =	sdelay $0x2  }
0xf7: {  	s3 =	sld [smem:$0x7F6];
	_ =	sdelay $0x1  }
0xf8: {  	v4 =	vmax.f32 @!p0 v5, v4  }
0xf9: {  	[tilespmem:s0+$0xCB00] =	vst @!p0 v4;
	p0 =	seq.s32 s3, $0x1  }
0xfa: {  	s0 =	sshra.s32 @!p0 s1, $0x2;
	v4 =	vld @!p0 [tilespmem:s22+$0xFFFFFF80]  }
0xfb: {  	v5 =	vld @!p0 [tilespmem:s0+$0xCB00];
	_ =	sdelay $0x2  }
0xfc: {  	s5 =	sld [smem:$0x7F7];
	_ =	sdelay $0x1  }
0xfd: {  	s24 =	sld [smem:$0x7F2];
	s6 =	simm.s32 @!p1 $0x0;
	v4 =	vmax.f32 @!p0 v5, v4  }
0xfe: {  	s23 =	sld [smem:$0x7F3];
	s6 =	simm.s32 @p1 $0x1;
	[tilespmem:s0+$0xCB00] =	vst @!p0 v4;
	p0 =	seq.s32 s5, $0x1  }
0xff: {  	[smem:$0x7FC] =	sst s6;
	s6 =	spop @!p1 (v2sf);
	s0 =	sshra.s32 @!p0 s31, $0x2;
	v4 =	vld @!p0 [tilespmem:s22+$0x0]  }
0x100: {  	s25 =	sshll.u32 @!p1 s6, $0x9;
	p1 =	seq.s32 s24, $0x1;
	v5 =	vld @!p0 [tilespmem:s0+$0xCB00]  }
0x101: {  	p3 =	seq.s32 s23, $0x1;
	s6 =	spop @!p1 (v2sf)  }
0x102: {  	s24 =	sshll.u32 @!p1 s6, $0x9;
	s6 =	spop @!p3 (v2sf)  }
0x103: {  	s23 =	sshll.u32 @!p3 s6, $0x9;
	s6 =	sld [smem:$0x7F8];
	_ =	sdelay $0x1  }
0x104: {  	v4 =	vmax.f32 @!p0 v5, v4  }
0x105: {  	[tilespmem:s0+$0xCB00] =	vst @!p0 v4;
	p0 =	seq.s32 s6, $0x1  }
0x106: {  	s0 =	sshra.s32 @!p0 s30, $0x2;
	v4 =	vld @!p0 [tilespmem:s22+$0x80]  }
0x107: {  	v5 =	vld @!p0 [tilespmem:s0+$0xCB00];
	_ =	sdelay $0x2  }
0x108: {  	s11 =	sld [smem:$0x7F9];
	_ =	sdelay $0x1  }
0x109: {  	v4 =	vmax.f32 @!p0 v5, v4  }
0x10a: {  	[tilespmem:s0+$0xCB00] =	vst @!p0 v4;
	p0 =	seq.s32 s11, $0x1  }
0x10b: {  	s0 =	sshra.s32 @!p0 s29, $0x2;
	v4 =	vld @!p0 [tilespmem:s22+$0x100]  }
0x10c: {  	v5 =	vld @!p0 [tilespmem:s0+$0xCB00];
	_ =	sdelay $0x2  }
0x10d: {  	s12 =	sld [smem:$0x7FA];
	_ =	sdelay $0x1  }
0x10e: {  	v4 =	vmax.f32 @!p0 v5, v4  }
0x10f: {  	[tilespmem:s0+$0xCB00] =	vst @!p0 v4;
	p0 =	seq.s32 s12, $0x1  }
0x110: {  	s0 =	sshra.s32 @!p0 s28, $0x2;
	v4 =	vld @!p0 [tilespmem:s22+$0x180]  }
0x111: {  	v5 =	vld @!p0 [tilespmem:s0+$0xCB00];
	_ =	sdelay $0x2  }
0x112: {  	s29 =	sld [smem:$0x7FB];
	_ =	sdelay $0x1  }
0x113: {  	v4 =	vmax.f32 @!p0 v5, v4  }
0x114: {  	[tilespmem:s0+$0xCB00] =	vst @!p0 v4;
	p0 =	seq.s32 s29, $0x1  }
0x115: {  	s0 =	sshra.s32 @!p0 s26, $0x2;
	v4 =	vld @!p0 [tilespmem:s22+$0x200]  }
0x116: {  	v5 =	vld @!p0 [tilespmem:s0+$0xCB00];
	_ =	sdelay $0x2  }
0x117: {  	s30 =	sld [smem:$0x7FC];
	_ =	sdelay $0x1  }
0x118: {  	v4 =	vmax.f32 @!p0 v5, v4  }
0x119: {  	[tilespmem:s0+$0xCB00] =	vst @!p0 v4;
	p0 =	seq.s32 s30, $0x1  }
0x11a: {  	s0 =	sshra.s32 @!p0 s25, $0x2;
	v4 =	vld @!p0 [tilespmem:s22+$0x280]  }
0x11b: {  	v5 =	vld @!p0 [tilespmem:s0+$0xCB00];
	_ =	sdelay $0x2  }
0x11c: {  	s31 =	sld [smem:$0x7FD];
	_ =	sdelay $0x1  }
0x11d: {  	v4 =	vmax.f32 @!p0 v5, v4  }
0x11e: {  	[tilespmem:s0+$0xCB00] =	vst @!p0 v4;
	p0 =	seq.s32 s31, $0x1  }
.Ltmp8:
0x11f: {  	_ = 	snop;
	(pc) =	sbr.rel @p0 .LBB2_10-.Ltmp8, $2  }
0x120: {  	_ =	sdelay $0x2  }
0x121: {  	s20 =	smov.u32 s22;
	p4 =	por p1, p1;
	s0 =	sshra.s32 @!p1 s24, $0x2  }
0x122: {  	v4 =	vld @!p4 [tilespmem:s20+$0x300]  }
0x123: {  	v5 =	vld @!p4 [tilespmem:s0+$0xCB00];
	_ =	sdelay $0x4  }
0x124: {  	v4 =	vmax.f32 @!p4 v5, v4  }
0x125: {  	[tilespmem:s0+$0xCB00] =	vst @!p4 v4  }
0x126: {  	s0 =	sshra.s32 @!p3 s23, $0x2;
	v4 =	vld @!p3 [tilespmem:s20+$0x380]  }
0x127: {  	s19 =	sadd.s32 $0x1, s19;
	v5 =	vld @!p3 [tilespmem:s0+$0xCB00]  }
0x128: {  	p0 =	sne.s32 s19, s16  }
.Ltmp9:
0x129: {  	_ = 	snop;
	(pc) =	sbr.rel @p0 .LBB2_9-.Ltmp9, $4  }
.Ltmp10:
0x12a: {  	_ = 	snop;
	(pc) =	sbr.rel @!p0 .LBB2_12-.Ltmp10, $4  }
0x12b: {  	_ = 	snop  }
0x12c: {  	v4 =	vmax.f32 @!p3 v5, v4  }
0x12d: {  	s18 =	sadd.s32 $0x100, s18;
	[tilespmem:s0+$0xCB00] =	vst @!p3 v4  }
0x12e: {  	_ = 	snop  }
.LBB2_14:
0x12f: {  	_ =	sfence.sel $0x180000  }
0x130: {  	[bflag:$0x0] =	sbarrier.arrive $0xFFFF  }
0x131: {  	_ =	strace $0x9000004A  }
0x132: {  	s0 =	stileid.u32;
	[bflag:$0x2] =	sbarrier.arrive $0xFFFF  }
0x133: {  	p0 =	sne.s32 s0, $0x0;
	s0 =	rddreg [dreg:$0x1]  }
0x134: {  	s0 =	sadd.s32 @!p0 $0x100000, s0  }
0x135: {  	[sflag:s0] =	ssyncadd.tile.s32 @!p0 $0x1;
	_ =	shalt  }
.Lfunc_end2:
_tile_overlayer_lowered:
.L_overlay_start_2:
0x136: {  	(tag) =	ssettag $0x2  }
0x137: {  	s0 =	rddreg [dreg:$0x0];
	s2 =	stileid.u32  }
0x138: {  	s1 =	rddreg [dreg:$0x1];
	p0 =	sne.s32 s2, $0x0  }
0x139: {  	s3 =	rddreg [dreg:$0x2];
	[bflag:$0x3] =	sbarrier.arrive $0xFFFF;
	s2 =	simm.s32 @!p0 $0x1C02  }
0x13a: {  	[timem:s3], [sflag:s2] =	dma.local @!p0 [hbm:s0], s1  }
0x13b: {  	s0 =	simm.s32 @!p0 $0x2  }
0x13c: {  	_ =	swait.ge @!p0 [sflag:s0], s1  }
0x13d: {  	s1 =	ssub.s32 @!p0 $0x0, s1;
	[sflag:s0] =	ssyncset.done @!p0 $0x0  }
0x13e: {  	[sflag:s0] =	ssyncadd.s32 @!p0 s1  }
0x13f: {  	[bflag:$0x3] =	sbarrier.arrive $0xFFFF  }
0x140: {  	_ =	shalt  }

// kernel: kernel.14.cloned.1.call-start
scs
__scs_entry_jumppad:
0x0: {  	(pc) =	sbr.rel $0x88, $3  }
0x1: {  	(tag) =	ssettag $0x0;
	lr =	simm.s32 $0x1  }
0x2: {  	[smem:$0x3F98] =	sst lr;
	_ =	strace $0xD0000000  }
0x3: {  	_ = 	snop  }
0x4: {  	_ = 	snop  }
0x5: {  	_ = 	snop  }
0x6: {  	_ = 	snop  }
0x7: {  	_ = 	snop  }
__scs_overlays_trampoline_lowered:
0x8: {  	[smem:$0x3FA7] =	sst s0  }
0x9: {  	[smem:$0x3FA8] =	sst s1  }
0xa: {  	[smem:$0x3FA9] =	sst s2  }
0xb: {  	[smem:$0x3FAA] =	sst s3  }
0xc: {  	[smem:$0x3FAB] =	sst s4  }
0xd: {  	[smem:$0x3FAC] =	sst s5  }
0xe: {  	[smem:$0x3FAD] =	sst s6  }
0xf: {  	[smem:$0x3FAE] =	sst s7  }
0x10: {  	[smem:$0x3FAF] =	sst s8  }
0x11: {  	[smem:$0x3FB0] =	sst s9;
	s0 =	simm.s32 @!p0 $0x0  }
0x12: {  	s1 =	sld [smem:$0x3F96];
	s0 =	simm.s32 @p0 $0x1  }
0x13: {  	[smem:$0x3FB1] =	sst s0;
	s0 =	simm.s32 @!p1 $0x0  }
0x14: {  	s2 =	sld [smem:$0x3F95];
	s0 =	simm.s32 @p1 $0x1  }
0x15: {  	[smem:$0x3FB2] =	sst s0;
	s0 =	simm.s32 @!p2 $0x0  }
0x16: {  	s3 =	sld [smem:$0x3FDB];
	s0 =	simm.s32 @p2 $0x1  }
0x17: {  	s4 =	simm.s32 $0x1BF5;
	[smem:$0x3FB4] =	sst s0  }
0x18: {  	s0 =	sld [smem:$0x3F97];
	_ =	swait.ge [sflag:s4], $0x0  }
0x19: {  	s7 =	sld [smem:$0x3F98]  }
0x1a: {  	s8 =	sadd.s32 $0xFFFFE003, lr  }
0x1b: {  	s9 =	sadd.s32 $0xFFFFFEF7, lr;
	s5 =	simm.s32 $0xFFFFFFFF;
	p2 =	slt.u32 s8, $0xFFFFF086  }
0x1c: {  	p1 =	slt.u32 s9, $0xF7A;
	s5 =	simm.s32 @!p2 $0x0  }
0x1d: {  	s5 =	simm.s32 @p1 $0x1;
	p0 =	seq.s32 s7, s2  }
0x1e: {  	s7 =	smul.u32 @!p0 $0xF7A, s2;
	p2 =	seq.s32 @!p0 s5, $0x0  }
0x1f: {  	s9 =	smul.u32 $0xF7A, s1;
	s8 =	simm.s32 @!p0 $0x1BF5;
	p2 =	por !p2, p0  }
0x20: {  	[sflag:s8] =	ssyncset.s32 @!p0 $0xFFFFF086;
	s6 =	sadd.s32 @!p0 s3, s7;
	s7 =	simm.s32 @!p0 $0x108  }
0x21: {  	s3 =	sadd.s32 s3, s9;
	s6 =	sadd.s32 @!p0 $0x88, s6;
	s7 =	simm.s32 @p2 $0x1082  }
0x22: {  	[simem:s7], [sflag:s8] =	dma.local @!p0 [hbm:s6], $0xF7A  }
0x23: {  	s9 =	sor.u32 $0xD0000000, s2;
	s6 =	simm.s32 $0x108;
	_ =	swait.ge @!p0 [sflag:s8], $0x0  }
0x24: {  	s3 =	sadd.s32 $0x88, s3;
	s6 =	simm.s32 @!p1 $0x1082;
	[sflag:s4] =	ssyncset.s32 $0xFFFFF086  }
0x25: {  	[simem:s6], [sflag:s4] =	dma.local [hbm:s3], $0xF7A  }
0x26: {  	[smem:$0x3F98] =	sst s1;
	(tag) =	ssettag s2;
	_ =	strace s9  }
0x27: {  	s1 =	sld [smem:$0x3FA8]  }
0x28: {  	s2 =	sld [smem:$0x3FA9]  }
0x29: {  	s4 =	sld [smem:$0x3FAB]  }
0x2a: {  	p0 =	seq.s32 s5, $0x0;
	s5 =	sld [smem:$0x3FAC]  }
0x2b: {  	s6 =	sld [smem:$0x3FAD]  }
0x2c: {  	s7 =	sld [smem:$0x3FAE]  }
0x2d: {  	s3 =	simm.s32 $0x108;
	s8 =	sld [smem:$0x3FAF]  }
0x2e: {  	s3 =	simm.s32 @!p0 $0x1082;
	s9 =	sld [smem:$0x3FB0]  }
0x2f: {  	lr =	sadd.s32 s0, s3;
	s0 =	sld [smem:$0x3FA7]  }
0x30: {  	s3 =	sld [smem:$0x3FAA]  }
0x31: {  	[smem:$0x3FB3] =	sst s10  }
0x32: {  	s10 =	sld [smem:$0x3FB1];
	_ =	sdelay $0x3  }
0x33: {  	p0 =	seq.s32 s10, $0x1;
	s10 =	sld [smem:$0x3FB3];
	_ =	sdelay $0x3  }
0x34: {  	[smem:$0x3FB3] =	sst s10  }
0x35: {  	s10 =	sld [smem:$0x3FB2];
	_ =	sdelay $0x3  }
0x36: {  	p1 =	seq.s32 s10, $0x1;
	s10 =	sld [smem:$0x3FB3];
	_ =	sdelay $0x3  }
0x37: {  	[smem:$0x3FB3] =	sst s10  }
0x38: {  	s10 =	sld [smem:$0x3FB4]  }
0x39: {  	_ = 	snop;
	(pc) =	sbr.ind lr, $3  }
0x3a: {  	_ = 	snop  }
0x3b: {  	_ = 	snop  }
0x3c: {  	p2 =	seq.s32 s10, $0x1;
	s10 =	sld [smem:$0x3FB3]  }
0x3d: {  	_ =	shalt  }
0x3e: {  	_ =	shalt  }
0x3f: {  	_ =	shalt  }
0x40: {  	_ =	shalt  }
0x41: {  	_ =	shalt  }
0x42: {  	_ =	shalt  }
0x43: {  	_ =	shalt  }
0x44: {  	_ =	shalt  }
0x45: {  	_ =	shalt  }
0x46: {  	_ =	shalt  }
0x47: {  	_ =	shalt  }
0x48: {  	_ =	shalt  }
0x49: {  	_ =	shalt  }
0x4a: {  	_ =	shalt  }
0x4b: {  	_ =	shalt  }
0x4c: {  	_ =	shalt  }
0x4d: {  	_ =	shalt  }
0x4e: {  	_ =	shalt  }
0x4f: {  	_ =	shalt  }
0x50: {  	_ =	shalt  }
0x51: {  	_ =	shalt  }
0x52: {  	_ =	shalt  }
0x53: {  	_ =	shalt  }
0x54: {  	_ =	shalt  }
0x55: {  	_ =	shalt  }
0x56: {  	_ =	shalt  }
0x57: {  	_ =	shalt  }
0x58: {  	_ =	shalt  }
0x59: {  	_ =	shalt  }
0x5a: {  	_ =	shalt  }
0x5b: {  	_ =	shalt  }
0x5c: {  	_ =	shalt  }
0x5d: {  	_ =	shalt  }
0x5e: {  	_ =	shalt  }
0x5f: {  	_ =	shalt  }
0x60: {  	_ =	shalt  }
0x61: {  	_ =	shalt  }
0x62: {  	_ =	shalt  }
0x63: {  	_ =	shalt  }
0x64: {  	_ =	shalt  }
0x65: {  	_ =	shalt  }
0x66: {  	_ =	shalt  }
0x67: {  	_ =	shalt  }
0x68: {  	_ =	shalt  }
0x69: {  	_ =	shalt  }
0x6a: {  	_ =	shalt  }
0x6b: {  	_ =	shalt  }
0x6c: {  	_ =	shalt  }
0x6d: {  	_ =	shalt  }
0x6e: {  	_ =	shalt  }
0x6f: {  	_ =	shalt  }
0x70: {  	_ =	shalt  }
0x71: {  	_ =	shalt  }
0x72: {  	_ =	shalt  }
0x73: {  	_ =	shalt  }
0x74: {  	_ =	shalt  }
0x75: {  	_ =	shalt  }
0x76: {  	_ =	shalt  }
0x77: {  	_ =	shalt  }
0x78: {  	_ =	shalt  }
0x79: {  	_ =	shalt  }
0x7a: {  	_ =	shalt  }
0x7b: {  	_ =	shalt  }
0x7c: {  	_ =	shalt  }
0x7d: {  	_ =	shalt  }
0x7e: {  	_ =	shalt  }
0x7f: {  	_ =	shalt  }
0x80: {  	_ =	shalt  }
0x81: {  	_ =	shalt  }
0x82: {  	_ =	shalt  }
0x83: {  	_ =	shalt  }
0x84: {  	_ =	shalt  }
0x85: {  	_ =	shalt  }
0x86: {  	_ =	shalt  }
0x87: {  	_ =	shalt  }
.Lfunc_end0:
.L_simem_size_0:
called_computation.2_lowered:
.L_overlay_start_0:
0x88: {  	s2 =	sld [smem:$0x3FD9]  }
0x89: {  	s3 =	sld [smem:$0x3FFE];
	_ =	sdelay $0x1  }
0x8a: {  	s1 =	srdreg.scid  }
0x8b: {  	s0 =	sand.u32 $0x1, s1  }
0x8c: {  	s16 =	sshll.u32 s0, $0xA;
	s2 =	sadd.s32 s3, s2  }
0x8d: {  	s2 =	sadd.s32 s2, s16  }
0x8e: {  	[smem:$0x3FBF] =	sst s2  }
0x8f: {  	_ = 	snop  }
0x90: {  	(tm) =	ssettm $0x1  }
0x91: {  	s17 =	sld [smem:$0x3FFB];
	_ =	sdelay $0x3  }
0x92: {  	_ =	strace s17  }
0x93: {  	s2 =	sld [smem:$0x3FFC];
	_ =	sdelay $0x3  }
0x94: {  	_ =	strace s2  }
0x95: {  	s2 =	sld [smem:$0x3FFD];
	_ =	sdelay $0x3  }
0x96: {  	_ =	strace s2  }
0x97: {  	_ =	strace $0x8FFFFFFF  }
0x98: {  	s18 =	sld [smem:$0x3FDB];
	_ =	sdelay $0x1  }
0x99: {  	s19 =	simm.s32 $_scs_section_size  }
0x9a: {  	s4 =	simm.s32 $_size__tile_overlayer_lowered;
	s5 =	simm.s32 $_tile_overlayer_lowered  }
0x9b: {  	s22 =	simm.s32 $0x1BFF;
	s21 =	sshll.u32 s5, $0x1;
	s2 =	sadd.s32 s19, s18  }
0x9c: {  	s6 =	simm.s32 $0x0;
	s20 =	sshll.u32 s4, $0x1;
	s4 =	sadd.s32 s21, s2  }
0x9d: {  	[timem:s6], [sflag:s22] =	dma.local [hbm:s4], s20  }
0x9e: {  	_ =	swait.ge [sflag:s22], s20  }
0x9f: {  	s3 =	ssub.s32 $0x0, s20;
	[sflag:s22] =	ssyncset.done $0x0  }
0xa0: {  	[sflag:s22] =	ssyncadd.s32 s3;
	_ =	sdelay $0x1  }
0xa1: {  	s23 =	simm.s32 $0x1B8B  }
0xa2: {  	_ =	swait.ge [sflag:s23], $0x1  }
0xa3: {  	[sflag:s23] =	ssyncset.done $0x0  }
0xa4: {  	s25 =	simm.s32 $0x1B8E;
	s24 =	sld [smem:$0x3FFE];
	[sflag:s23] =	ssyncadd.s32 $0xFFFFFFFF  }
0xa5: {  	s26 =	simm.s32 $execute0_lowered;
	[smem:$0x3FD2] =	sst s25  }
0xa6: {  	s4 =	sshll.u32 s26, $0x1;
	_ =	strace $0x8000004C;
	[dreg:$0x1] =	wrdreg $0xFFFFFFFF  }
0xa7: {  	s28 =	simm.s32 $_size_execute0_lowered;
	s2 =	sadd.s32 s2, s4;
	[dreg:$0x0] =	wrdreg $0x0  }
0xa8: {  	s4 =	sshll.u32 s28, $0x1;
	[dreg:$0x2] =	wrdreg s2  }
0xa9: {  	[dreg:$0x3] =	wrdreg s4  }
0xaa: {  	[dreg:$0x4] =	wrdreg $0xC0  }
0xab: {  	_ =	task [dreg:s6], $0x5FFFF  }
0xac: {  	[dreg:$0x1] =	wrdreg $0xFFFFFFFF  }
0xad: {  	[dreg:$0x0] =	wrdreg $0x60  }
0xae: {  	[dreg:$0x2] =	wrdreg s24  }
0xaf: {  	[dreg:$0x3] =	wrdreg $0x0  }
0xb0: {  	[dreg:$0x4] =	wrdreg $0x28000  }
0xb1: {  	[dreg:$0x5] =	wrdreg $0x9  }
0xb2: {  	_ =	task.clear_ibuf [dreg:s6], $0x6FFFF;
	_ =	strace $0x9000004C  }
0xb3: {  	s29 =	simm.s32 $0x9;
	_ =	strace $0x8000004E  }
0xb4: {  	_ =	swait.ge [sflag:s29], $0x1  }
0xb5: {  	[sflag:s29] =	ssyncadd.s32 $0xFFFFFFFF  }
0xb6: {  	_ =	strace $0x9000004E  }
0xb7: {  	_ =	sfence  }
0xb8: {  	s30 =	sld [smem:$0x0];
	_ =	sdelay $0x2  }
0xb9: {  	s31 =	sshll.u32 s1, $0xD;
	s1 =	sshrl.u32 s1, $0x2  }
0xba: {  	s3 =	sand.u32 $0x4000, s31;
	s1 =	sadd.s32 s1, s30  }
0xbb: {  	s0 =	sor.u32 s3, s0;
	s1 =	sshll.u32 s1, $0x11  }
0xbc: {  	s0 =	sor.u32 s1, s0  }
0xbd: {  	s0 =	sadd.s32 $0x8F2B, s0  }
0xbe: {  	[sflag:s0] =	ssyncadd.remote.s32 $0x1  }
0xbf: {  	_ =	sfence.sel $0xFFFF  }
0xc0: {  	[dreg:$0x0] =	wrdreg $0xFFFFFFFF;
	(pc) =	sbr.abs _section_cstart, $3  }
0xc1: {  	[dreg:$0x1] =	wrdreg $0xFFFFFFFF  }
0xc2: {  	_ =	task.clear_ibuf [dreg:s6], $0x2FFFF;
	_ =	strace $0x9FFFFFFF  }
0xc3: {  	(tm) =	ssettm $0x7FFFFFFF  }
tec
execute0_lowered:
.L_overlay_start_1:
0x0: {  	(tag) =	ssettag $0x1  }
0x1: {  	s0 =	rddreg [dreg:$0x0]  }
0x2: {  	s2 =	rddreg [dreg:$0x1]  }
0x3: {  	s3 =	rddreg [dreg:$0x2]  }
0x4: {  	s4 =	simm.s32 $0x0;
	s14 =	stileid.u32;
	s1 =	srdreg.scid  }
0x5: {  	s20 =	simm.s32 $0x2;
	s21 =	simm.s32 $0xD080;
	s22 =	simm.s32 $0x5000  }
0x6: {  	s23 =	simm.s32 $0x3;
	s28 =	simm.s32 $0x1;
	s29 =	simm.s32 $0x0  }
0x7: {  	[smem:$0x7FF] =	sst s4;
	s10 =	smul.u32 $0x14000, s14;
	s5 =	sand.u32 $0x1, s1  }
0x8: {  	s6 =	sadd.s32 $0x2E00, s0;
	s7 =	sadd.s32 $0x782000, s0;
	s13 =	smul.u32 $0x50000, s14  }
0x9: {  	s26 =	sshll.u32 s14, $0x6;
	_ =	strace $0x8000004D;
	s9 =	ssub.s32 $0x2, s5  }
0xa: {  	s1 =	smul.u32 $0x140000, s5;
	s8 =	sshrl.u32 s10, $0x3;
	s12 =	sshrl.u32 s9, $0x1  }
0xb: {  	s19 =	sadd.s32 s10, s2;
	s25 =	sshrl.u32 s13, $0x2;
	s11 =	sadd.s32 s8, s0  }
0xc: {  	s1 =	sadd.s32 s10, s1;
	s8 =	sadd.s32 $0x511000, s0;
	s24 =	ssub.s32 s9, s12  }
0xd: {  	s9 =	sshll.u32 s14, $0x1;
	s13 =	sadd.s32 s25, s3;
	s12 =	sadd.s32 s10, s3  }
0xe: {  	s19 =	sshrl.u32 s19, $0x3;
	s25 =	simm.s32 $0x80;
	s1 =	sshrl.u32 s1, $0x3  }
.Ltmp0:
0xf: {  	s11 =	sadd.s32 $0x7E00, s11;
	s30 =	sadd.s32 $0x4000, s13;
	(pc) =	sbr.rel .LBB2_1-.Ltmp0, $4  }
0x10: {  	s31 =	sadd.s32 $0x8000, s13;
	s15 =	sadd.s32 $0xC000, s13;
	s16 =	sadd.s32 $0x10000, s13  }
0x11: {  	s18 =	smax.u32 s24, $0x1;
	s24 =	simm.s32 $0x5080;
	[dreg:$0x4] =	wrdreg s11  }
0x12: {  	s1 =	sadd.s32 s1, s0;
	s11 =	sor.u32 $0x1C02, s26;
	[dreg:$0x5] =	wrdreg s30  }
0x13: {  	v0 =	vimm.f32 $0.0e+00;
	[dreg:$0x6] =	wrdreg s31;
	s26 =	simm.s32 $0x9080;
	s17 =	sadd.s32 $0x2FE00, s1  }
.LBB2_9:
0x14: {  	s29 =	sadd.s32 $0x1, s29  }
0x15: {  	p0 =	sne.s32 s29, s18  }
.Ltmp1:
0x16: {  	[bflag:$0x0] =	sbarrier.arrive $0xFFFF;
	s0 =	sshrl.u32 s12, $0x3;
	(pc) =	sbr.rel @!p0 .LBB2_10-.Ltmp1, $4  }
0x17: {  	[hbm:s17], [sflag:s11] =	dma.local [spmem:s0], $0x2800  }
0x18: {  	_ =	swait.ge [sflag:s20], $0x2800  }
0x19: {  	[sflag:s20] =	ssyncset.done $0x0  }
0x1a: {  	[sflag:s20] =	ssyncadd.s32 $0xFFFFD800  }
.LBB2_1:
0x1b: {  	s0 =	simm.s32 $0x200;
	s1 =	simm.s32 $0x0  }
.LBB2_2:
0x1c: {  	p0 =	sne.s32 s0, $0xFE00;
	[tilespmem:s1+$0xD080] =	vst v0;
	s1 =	smov.u32 s0;
	s0 =	sadd.s32 $0x200, s0  }
.Ltmp2:
0x1d: {  	(pc) =	sbr.rel @p0 .LBB2_2-.Ltmp2, $2  }
0x1e: {  	_ =	sdelay $0x2  }
0x1f: {  	s1 =	sshra.s32 s1, $0x2  }
0x20: {  	[tilespmem:s1+$0xD080] =	vst v0;
	s0 =	rddreg [dreg:$0x4]  }
0x21: {  	[spmem:s19], [sflag:s11] =	dma.local [hbm:s0], $0x2800  }
0x22: {  	_ =	swait.ge [sflag:s20], $0x2800  }
0x23: {  	[sflag:s20] =	ssyncset.done $0x0  }
0x24: {  	[sflag:s20] =	ssyncadd.s32 $0xFFFFD800  }
0x25: {  	[spmem:s12] =	stream.linear.scatter [tilespmem:s21], [sflag:$0x2], $0x4000, $0x38;
	[tilespmem:$0x11080] =	vst v63  }
0x26: {  	_ =	swait.ge [sflag:s20], $0x4000  }
0x27: {  	[sflag:s20] =	ssyncset.done $0x0  }
0x28: {  	s14 =	rddreg [dreg:$0x5];
	[sflag:s20] =	ssyncadd.s32 $0xFFFFC000  }
0x29: {  	[spmem:s14] =	stream.linear.scatter [tilespmem:s21], [sflag:$0x2], $0x4000, $0x38;
	[tilespmem:$0x11080] =	vst v63  }
0x2a: {  	_ =	swait.ge [sflag:s20], $0x4000  }
0x2b: {  	[sflag:s20] =	ssyncset.done $0x0  }
0x2c: {  	s31 =	rddreg [dreg:$0x6];
	[sflag:s20] =	ssyncadd.s32 $0xFFFFC000  }
0x2d: {  	[spmem:s31] =	stream.linear.scatter [tilespmem:s21], [sflag:$0x2], $0x4000, $0x38;
	[tilespmem:$0x11080] =	vst v63  }
0x2e: {  	_ =	swait.ge [sflag:s20], $0x4000  }
0x2f: {  	[sflag:s20] =	ssyncset.done $0x0  }
0x30: {  	[sflag:s20] =	ssyncadd.s32 $0xFFFFC000  }
0x31: {  	[spmem:s15] =	stream.linear.scatter [tilespmem:s21], [sflag:$0x2], $0x4000, $0x38;
	[tilespmem:$0x11080] =	vst v63  }
0x32: {  	_ =	swait.ge [sflag:s20], $0x4000  }
0x33: {  	[sflag:s20] =	ssyncset.done $0x0  }
0x34: {  	[sflag:s20] =	ssyncadd.s32 $0xFFFFC000  }
0x35: {  	[spmem:s16] =	stream.linear.scatter [tilespmem:s21], [sflag:$0x2], $0x4000, $0x38;
	[tilespmem:$0x11080] =	vst v63  }
.Ltmp3:
0x36: {  	_ =	swait.ge [sflag:s20], $0x4000;
	(pc) =	sbr.rel .LBB2_4-.Ltmp3, $4  }
0x37: {  	[sflag:s20] =	ssyncset.done $0x0  }
0x38: {  	[sflag:s20] =	ssyncadd.s32 $0xFFFFC000  }
0x39: {  	[bflag:$0x0] =	sbarrier.arrive $0xFFFF  }
0x3a: {  	s30 =	simm.s32 $0x0  }
.LBB2_8:
0x3b: {  	s30 =	sadd.s32 $0x1, s30  }
0x3c: {  	p0 =	sne.s32 s30, $0x28  }
.Ltmp4:
0x3d: {  	_ = 	snop;
	(pc) =	sbr.rel @!p0 .LBB2_9-.Ltmp4, $1  }
0x3e: {  	_ =	sdelay $0x3  }
.LBB2_4:
0x3f: {  	s0 =	sshll.u32 s30, $0x5  }
0x40: {  	s0 =	sor.u32 s9, s0  }
0x41: {  	p0 =	sgt.u32 s0, $0x4E1  }
.Ltmp5:
0x42: {  	_ = 	snop;
	(pc) =	sbr.rel @p0 .LBB2_8-.Ltmp5, $1  }
0x43: {  	_ =	sdelay $0x3  }
0x44: {  	s0 =	sor.u32 s5, s0  }
0x45: {  	s1 =	sshll.u32 s0, $0x4  }
0x46: {  	s10 =	simm.s32 $0x0;
	s1 =	sadd.s32 s6, s1  }
0x47: {  	[tilespmem:s22], [sflag:$0x3] =	stream.linear.gather [hbm4b:s1+s10], $0x80, $0x38;
	[tilespmem:$0x11080] =	vst v63  }
0x48: {  	_ =	swait.ge [sflag:s23], $0x80  }
0x49: {  	s31 =	sshll.u32 s0, $0xB;
	[sflag:s23] =	ssyncset.done $0x0  }
0x4a: {  	s0 =	sadd.s32 s7, s31;
	[sflag:s23] =	ssyncadd.s32 $0xFFFFFF80  }
0x4b: {  	[tilespmem:s24], [sflag:$0x3] =	stream.linear.gather [hbm4b:s0+s10], $0x4000, $0x38;
	[tilespmem:$0x11080] =	vst v63  }
0x4c: {  	_ =	swait.ge [sflag:s23], $0x4000  }
0x4d: {  	[sflag:s23] =	ssyncset.done $0x0  }
0x4e: {  	[sflag:s23] =	ssyncadd.s32 $0xFFFFC000  }
0x4f: {  	[tilespmem:s26], [sflag:$0x1] =	stream.indirect.gather [spmem:s2], $0x10, s22, s25, $0xb8;
	[tilespmem:$0x11080] =	vst v63  }
0x50: {  	_ =	swait.ge [sflag:s28], $0x800  }
0x51: {  	[sflag:s28] =	ssyncset.done $0x0  }
0x52: {  	s0 =	simm.s32 $0x0;
	[sflag:s28] =	ssyncadd.s32 $0xFFFFF800  }
0x53: {  	v1 =	vld [tilespmem:s0+$0x5080]  }
0x54: {  	v2 =	vld [tilespmem:s0+$0x9080]  }
0x55: {  	s1 =	simm.s32 $0x80  }
0x56: {  	v3 =	vld [tilespmem:s1+$0x5080]  }
0x57: {  	v4 =	vld [tilespmem:s1+$0x9080];
	_ =	sdelay $0x1  }
0x58: {  	v1 =	vsub.f32 v1, v2;
	_ =	sdelay $0x1  }
0x59: {  	v1 =	vmul.f32 $1.442695020e+00, v1  }
0x5a: {  	v2 =	vsub.f32 v3, v4  }
0x5b: {  	(erf) = vpow2.f32 v1  }
0x5c: {  	s10 =	simm.s32 $0x100;
	v3 =	vmul.f32 $1.442695020e+00, v2  }
0x5d: {  	v2 =	vld [tilespmem:s10+$0x9080]  }
0x5e: {  	v1 =	vld [tilespmem:s10+$0x5080];
	(erf) = vpow2.f32 v3;
	_ =	sdelay $0x2  }
0x5f: {  	s13 =	simm.s32 $0x600  }
.LBB2_6:
0x60: {  	s14 =	sshra.s32 s13, $0x2;
	p0 =	sne.s32 s13, $0xFE00  }
.Ltmp6:
0x61: {  	s13 =	sadd.s32 $0x200, s13;
	v3 =	vsub.f32 v1, v2;
	v1 =	vld [tilespmem:s14+$0x5080];
	(pc) =	sbr.rel @p0 .LBB2_6-.Ltmp6, $4  }
0x62: {  	v2 =	vld [tilespmem:s14+$0x9080];
	v4 =	vpop (erf)  }
0x63: {  	v3 =	vmul.f32 $1.442695020e+00, v3;
	[tilespmem:s0+$0xD080] =	vst v4;
	s0 =	smov.u32 s1;
	s1 =	smov.u32 s10;
	s10 =	smov.u32 s14  }
0x64: {  	_ = 	snop  }
0x65: {  	(erf) = vpow2.f32 v3  }
0x66: {  	_ = 	snop  }
0x67: {  	v1 =	vsub.f32 v1, v2;
	_ =	sdelay $0x1  }
0x68: {  	v1 =	vmul.f32 $1.442695020e+00, v1;
	_ =	sdelay $0x1  }
0x69: {  	(erf) = vpow2.f32 v1;
	_ =	sdelay $0x6  }
0x6a: {  	v1 =	vpop (erf)  }
0x6b: {  	[tilespmem:s0+$0xD080] =	vst v1;
	v1 =	vpop (erf)  }
0x6c: {  	[tilespmem:s1+$0xD080] =	vst v1;
	v1 =	vpop (erf)  }
0x6d: {  	s31 =	sadd.s32 s8, s31;
	[tilespmem:s10+$0xD080] =	vst v1  }
0x6e: {  	[hbm4b:s31+s4] =	stream.linear.scatter [tilespmem:s21], [sflag:$0x3], $0x4000, $0x38;
	[tilespmem:$0x11080] =	vst v63  }
0x6f: {  	_ =	swait.ge [sflag:s23], $0x4000  }
0x70: {  	[sflag:s23] =	ssyncset.done $0x0  }
.Ltmp7:
0x71: {  	[sflag:s23] =	ssyncadd.s32 $0xFFFFC000;
	(pc) =	sbr.rel .LBB2_8-.Ltmp7, $4  }
0x72: {  	[spmem:s3] =	stream.indirect.scatter.add.f32 [tilespmem:s21], [sflag:$0x2], $0x10, s22, s25, $0xb8;
	[tilespmem:$0x11080] =	vst v63  }
0x73: {  	_ =	swait.ge [sflag:s20], $0x800  }
0x74: {  	[sflag:s20] =	ssyncset.done $0x0  }
0x75: {  	[sflag:s20] =	ssyncadd.s32 $0xFFFFF800  }
.LBB2_10:
0x76: {  	_ =	sfence.sel $0x180000  }
0x77: {  	[bflag:$0x0] =	sbarrier.arrive $0xFFFF  }
0x78: {  	_ =	strace $0x9000004D  }
0x79: {  	s0 =	stileid.u32;
	[bflag:$0x2] =	sbarrier.arrive $0xFFFF  }
0x7a: {  	p0 =	sne.s32 s0, $0x0;
	s0 =	rddreg [dreg:$0x3]  }
0x7b: {  	s0 =	sadd.s32 @!p0 $0x100000, s0  }
0x7c: {  	[sflag:s0] =	ssyncadd.tile.s32 @!p0 $0x1;
	_ =	shalt  }
.Lfunc_end2:
_tile_overlayer_lowered:
.L_overlay_start_2:
0x7d: {  	(tag) =	ssettag $0x2  }
0x7e: {  	s0 =	rddreg [dreg:$0x0];
	s2 =	stileid.u32  }
0x7f: {  	s1 =	rddreg [dreg:$0x1];
	p0 =	sne.s32 s2, $0x0  }
0x80: {  	s3 =	rddreg [dreg:$0x2];
	[bflag:$0x3] =	sbarrier.arrive $0xFFFF;
	s2 =	simm.s32 @!p0 $0x1C02  }
0x81: {  	[timem:s3], [sflag:s2] =	dma.local @!p0 [hbm:s0], s1  }
0x82: {  	s0 =	simm.s32 @!p0 $0x2  }
0x83: {  	_ =	swait.ge @!p0 [sflag:s0], s1  }
0x84: {  	s1 =	ssub.s32 @!p0 $0x0, s1;
	[sflag:s0] =	ssyncset.done @!p0 $0x0  }
0x85: {  	[sflag:s0] =	ssyncadd.s32 @!p0 s1  }
0x86: {  	[bflag:$0x3] =	sbarrier.arrive $0xFFFF  }
0x87: {  	_ =	shalt  }

// kernel: kernel.17.cloned.1.call-start
scs
__scs_entry_jumppad:
0x0: {  	(pc) =	sbr.rel $0x88, $3  }
0x1: {  	(tag) =	ssettag $0x0;
	lr =	simm.s32 $0x1  }
0x2: {  	[smem:$0x3F98] =	sst lr;
	_ =	strace $0xD0000000  }
0x3: {  	_ = 	snop  }
0x4: {  	_ = 	snop  }
0x5: {  	_ = 	snop  }
0x6: {  	_ = 	snop  }
0x7: {  	_ = 	snop  }
__scs_overlays_trampoline_lowered:
0x8: {  	[smem:$0x3FA7] =	sst s0  }
0x9: {  	[smem:$0x3FA8] =	sst s1  }
0xa: {  	[smem:$0x3FA9] =	sst s2  }
0xb: {  	[smem:$0x3FAA] =	sst s3  }
0xc: {  	[smem:$0x3FAB] =	sst s4  }
0xd: {  	[smem:$0x3FAC] =	sst s5  }
0xe: {  	[smem:$0x3FAD] =	sst s6  }
0xf: {  	[smem:$0x3FAE] =	sst s7  }
0x10: {  	[smem:$0x3FAF] =	sst s8  }
0x11: {  	[smem:$0x3FB0] =	sst s9;
	s0 =	simm.s32 @!p0 $0x0  }
0x12: {  	s1 =	sld [smem:$0x3F96];
	s0 =	simm.s32 @p0 $0x1  }
0x13: {  	[smem:$0x3FB1] =	sst s0;
	s0 =	simm.s32 @!p1 $0x0  }
0x14: {  	s2 =	sld [smem:$0x3F95];
	s0 =	simm.s32 @p1 $0x1  }
0x15: {  	[smem:$0x3FB2] =	sst s0;
	s0 =	simm.s32 @!p2 $0x0  }
0x16: {  	s3 =	sld [smem:$0x3FDB];
	s0 =	simm.s32 @p2 $0x1  }
0x17: {  	s4 =	simm.s32 $0x1BF5;
	[smem:$0x3FB4] =	sst s0  }
0x18: {  	s0 =	sld [smem:$0x3F97];
	_ =	swait.ge [sflag:s4], $0x0  }
0x19: {  	s7 =	sld [smem:$0x3F98]  }
0x1a: {  	s8 =	sadd.s32 $0xFFFFE003, lr  }
0x1b: {  	s9 =	sadd.s32 $0xFFFFFEF7, lr;
	s5 =	simm.s32 $0xFFFFFFFF;
	p2 =	slt.u32 s8, $0xFFFFF086  }
0x1c: {  	p1 =	slt.u32 s9, $0xF7A;
	s5 =	simm.s32 @!p2 $0x0  }
0x1d: {  	s5 =	simm.s32 @p1 $0x1;
	p0 =	seq.s32 s7, s2  }
0x1e: {  	s7 =	smul.u32 @!p0 $0xF7A, s2;
	p2 =	seq.s32 @!p0 s5, $0x0  }
0x1f: {  	s9 =	smul.u32 $0xF7A, s1;
	s8 =	simm.s32 @!p0 $0x1BF5;
	p2 =	por !p2, p0  }
0x20: {  	[sflag:s8] =	ssyncset.s32 @!p0 $0xFFFFF086;
	s6 =	sadd.s32 @!p0 s3, s7;
	s7 =	simm.s32 @!p0 $0x108  }
0x21: {  	s3 =	sadd.s32 s3, s9;
	s6 =	sadd.s32 @!p0 $0x88, s6;
	s7 =	simm.s32 @p2 $0x1082  }
0x22: {  	[simem:s7], [sflag:s8] =	dma.local @!p0 [hbm:s6], $0xF7A  }
0x23: {  	s9 =	sor.u32 $0xD0000000, s2;
	s6 =	simm.s32 $0x108;
	_ =	swait.ge @!p0 [sflag:s8], $0x0  }
0x24: {  	s3 =	sadd.s32 $0x88, s3;
	s6 =	simm.s32 @!p1 $0x1082;
	[sflag:s4] =	ssyncset.s32 $0xFFFFF086  }
0x25: {  	[simem:s6], [sflag:s4] =	dma.local [hbm:s3], $0xF7A  }
0x26: {  	[smem:$0x3F98] =	sst s1;
	(tag) =	ssettag s2;
	_ =	strace s9  }
0x27: {  	s1 =	sld [smem:$0x3FA8]  }
0x28: {  	s2 =	sld [smem:$0x3FA9]  }
0x29: {  	s4 =	sld [smem:$0x3FAB]  }
0x2a: {  	p0 =	seq.s32 s5, $0x0;
	s5 =	sld [smem:$0x3FAC]  }
0x2b: {  	s6 =	sld [smem:$0x3FAD]  }
0x2c: {  	s7 =	sld [smem:$0x3FAE]  }
0x2d: {  	s3 =	simm.s32 $0x108;
	s8 =	sld [smem:$0x3FAF]  }
0x2e: {  	s3 =	simm.s32 @!p0 $0x1082;
	s9 =	sld [smem:$0x3FB0]  }
0x2f: {  	lr =	sadd.s32 s0, s3;
	s0 =	sld [smem:$0x3FA7]  }
0x30: {  	s3 =	sld [smem:$0x3FAA]  }
0x31: {  	[smem:$0x3FB3] =	sst s10  }
0x32: {  	s10 =	sld [smem:$0x3FB1];
	_ =	sdelay $0x3  }
0x33: {  	p0 =	seq.s32 s10, $0x1;
	s10 =	sld [smem:$0x3FB3];
	_ =	sdelay $0x3  }
0x34: {  	[smem:$0x3FB3] =	sst s10  }
0x35: {  	s10 =	sld [smem:$0x3FB2];
	_ =	sdelay $0x3  }
0x36: {  	p1 =	seq.s32 s10, $0x1;
	s10 =	sld [smem:$0x3FB3];
	_ =	sdelay $0x3  }
0x37: {  	[smem:$0x3FB3] =	sst s10  }
0x38: {  	s10 =	sld [smem:$0x3FB4]  }
0x39: {  	_ = 	snop;
	(pc) =	sbr.ind lr, $3  }
0x3a: {  	_ = 	snop  }
0x3b: {  	_ = 	snop  }
0x3c: {  	p2 =	seq.s32 s10, $0x1;
	s10 =	sld [smem:$0x3FB3]  }
0x3d: {  	_ =	shalt  }
0x3e: {  	_ =	shalt  }
0x3f: {  	_ =	shalt  }
0x40: {  	_ =	shalt  }
0x41: {  	_ =	shalt  }
0x42: {  	_ =	shalt  }
0x43: {  	_ =	shalt  }
0x44: {  	_ =	shalt  }
0x45: {  	_ =	shalt  }
0x46: {  	_ =	shalt  }
0x47: {  	_ =	shalt  }
0x48: {  	_ =	shalt  }
0x49: {  	_ =	shalt  }
0x4a: {  	_ =	shalt  }
0x4b: {  	_ =	shalt  }
0x4c: {  	_ =	shalt  }
0x4d: {  	_ =	shalt  }
0x4e: {  	_ =	shalt  }
0x4f: {  	_ =	shalt  }
0x50: {  	_ =	shalt  }
0x51: {  	_ =	shalt  }
0x52: {  	_ =	shalt  }
0x53: {  	_ =	shalt  }
0x54: {  	_ =	shalt  }
0x55: {  	_ =	shalt  }
0x56: {  	_ =	shalt  }
0x57: {  	_ =	shalt  }
0x58: {  	_ =	shalt  }
0x59: {  	_ =	shalt  }
0x5a: {  	_ =	shalt  }
0x5b: {  	_ =	shalt  }
0x5c: {  	_ =	shalt  }
0x5d: {  	_ =	shalt  }
0x5e: {  	_ =	shalt  }
0x5f: {  	_ =	shalt  }
0x60: {  	_ =	shalt  }
0x61: {  	_ =	shalt  }
0x62: {  	_ =	shalt  }
0x63: {  	_ =	shalt  }
0x64: {  	_ =	shalt  }
0x65: {  	_ =	shalt  }
0x66: {  	_ =	shalt  }
0x67: {  	_ =	shalt  }
0x68: {  	_ =	shalt  }
0x69: {  	_ =	shalt  }
0x6a: {  	_ =	shalt  }
0x6b: {  	_ =	shalt  }
0x6c: {  	_ =	shalt  }
0x6d: {  	_ =	shalt  }
0x6e: {  	_ =	shalt  }
0x6f: {  	_ =	shalt  }
0x70: {  	_ =	shalt  }
0x71: {  	_ =	shalt  }
0x72: {  	_ =	shalt  }
0x73: {  	_ =	shalt  }
0x74: {  	_ =	shalt  }
0x75: {  	_ =	shalt  }
0x76: {  	_ =	shalt  }
0x77: {  	_ =	shalt  }
0x78: {  	_ =	shalt  }
0x79: {  	_ =	shalt  }
0x7a: {  	_ =	shalt  }
0x7b: {  	_ =	shalt  }
0x7c: {  	_ =	shalt  }
0x7d: {  	_ =	shalt  }
0x7e: {  	_ =	shalt  }
0x7f: {  	_ =	shalt  }
0x80: {  	_ =	shalt  }
0x81: {  	_ =	shalt  }
0x82: {  	_ =	shalt  }
0x83: {  	_ =	shalt  }
0x84: {  	_ =	shalt  }
0x85: {  	_ =	shalt  }
0x86: {  	_ =	shalt  }
0x87: {  	_ =	shalt  }
.Lfunc_end0:
.L_simem_size_0:
called_computation.3_lowered:
.L_overlay_start_0:
0x88: {  	s2 =	sld [smem:$0x3FD9]  }
0x89: {  	s3 =	sld [smem:$0x3FFE];
	_ =	sdelay $0x1  }
0x8a: {  	s1 =	srdreg.scid  }
0x8b: {  	s0 =	sand.u32 $0x1, s1  }
0x8c: {  	s16 =	sshll.u32 s0, $0xA;
	s2 =	sadd.s32 s3, s2  }
0x8d: {  	s2 =	sadd.s32 s2, s16  }
0x8e: {  	[smem:$0x3FBF] =	sst s2  }
0x8f: {  	_ = 	snop  }
0x90: {  	(tm) =	ssettm $0x1  }
0x91: {  	s17 =	sld [smem:$0x3FFB];
	_ =	sdelay $0x3  }
0x92: {  	_ =	strace s17  }
0x93: {  	s2 =	sld [smem:$0x3FFC];
	_ =	sdelay $0x3  }
0x94: {  	_ =	strace s2  }
0x95: {  	s2 =	sld [smem:$0x3FFD];
	_ =	sdelay $0x3  }
0x96: {  	_ =	strace s2  }
0x97: {  	_ =	strace $0x8FFFFFFF  }
0x98: {  	s18 =	sld [smem:$0x3FDB];
	_ =	sdelay $0x1  }
0x99: {  	s19 =	simm.s32 $_scs_section_size  }
0x9a: {  	s4 =	simm.s32 $_size__tile_overlayer_lowered;
	s5 =	simm.s32 $_tile_overlayer_lowered  }
0x9b: {  	s22 =	simm.s32 $0x1BFF;
	s21 =	sshll.u32 s5, $0x1;
	s2 =	sadd.s32 s19, s18  }
0x9c: {  	s6 =	simm.s32 $0x0;
	s20 =	sshll.u32 s4, $0x1;
	s4 =	sadd.s32 s21, s2  }
0x9d: {  	[timem:s6], [sflag:s22] =	dma.local [hbm:s4], s20  }
0x9e: {  	_ =	swait.ge [sflag:s22], s20  }
0x9f: {  	s3 =	ssub.s32 $0x0, s20;
	[sflag:s22] =	ssyncset.done $0x0  }
0xa0: {  	[sflag:s22] =	ssyncadd.s32 s3;
	_ =	sdelay $0x1  }
0xa1: {  	s23 =	simm.s32 $0x1B8B  }
0xa2: {  	_ =	swait.ge [sflag:s23], $0x1  }
0xa3: {  	[sflag:s23] =	ssyncset.done $0x0  }
0xa4: {  	s25 =	simm.s32 $0x1B8E;
	s24 =	sld [smem:$0x3FFE];
	[sflag:s23] =	ssyncadd.s32 $0xFFFFFFFF  }
0xa5: {  	s26 =	simm.s32 $execute0_lowered;
	[smem:$0x3FD2] =	sst s25  }
0xa6: {  	s4 =	sshll.u32 s26, $0x1;
	_ =	strace $0x8000004F;
	[dreg:$0x1] =	wrdreg $0xFFFFFFFF  }
0xa7: {  	s28 =	simm.s32 $_size_execute0_lowered;
	s2 =	sadd.s32 s2, s4;
	[dreg:$0x0] =	wrdreg $0x0  }
0xa8: {  	s4 =	sshll.u32 s28, $0x1;
	[dreg:$0x2] =	wrdreg s2  }
0xa9: {  	[dreg:$0x3] =	wrdreg s4  }
0xaa: {  	[dreg:$0x4] =	wrdreg $0xC0  }
0xab: {  	_ =	task [dreg:s6], $0x5FFFF  }
0xac: {  	[dreg:$0x1] =	wrdreg $0xFFFFFFFF  }
0xad: {  	[dreg:$0x0] =	wrdreg $0x60  }
0xae: {  	[dreg:$0x2] =	wrdreg s24  }
0xaf: {  	[dreg:$0x3] =	wrdreg $0x0  }
0xb0: {  	[dreg:$0x4] =	wrdreg $0x9  }
0xb1: {  	_ =	task.clear_ibuf [dreg:s6], $0x5FFFF;
	_ =	strace $0x9000004F  }
0xb2: {  	s29 =	simm.s32 $0x9;
	_ =	strace $0x80000051  }
0xb3: {  	_ =	swait.ge [sflag:s29], $0x1  }
0xb4: {  	[sflag:s29] =	ssyncadd.s32 $0xFFFFFFFF  }
0xb5: {  	_ =	strace $0x90000051  }
0xb6: {  	_ =	sfence  }
0xb7: {  	s30 =	sld [smem:$0x0];
	_ =	sdelay $0x2  }
0xb8: {  	s31 =	sshll.u32 s1, $0xD;
	s1 =	sshrl.u32 s1, $0x2  }
0xb9: {  	s3 =	sand.u32 $0x4000, s31;
	s1 =	sadd.s32 s1, s30  }
0xba: {  	s0 =	sor.u32 s3, s0;
	s1 =	sshll.u32 s1, $0x11  }
0xbb: {  	s0 =	sor.u32 s1, s0  }
0xbc: {  	s0 =	sadd.s32 $0x8F2B, s0  }
0xbd: {  	[sflag:s0] =	ssyncadd.remote.s32 $0x1  }
0xbe: {  	_ =	sfence.sel $0xFFFF  }
0xbf: {  	[dreg:$0x0] =	wrdreg $0xFFFFFFFF;
	(pc) =	sbr.abs _section_cstart, $3  }
0xc0: {  	[dreg:$0x1] =	wrdreg $0xFFFFFFFF  }
0xc1: {  	_ =	task.clear_ibuf [dreg:s6], $0x2FFFF;
	_ =	strace $0x9FFFFFFF  }
0xc2: {  	(tm) =	ssettm $0x7FFFFFFF  }
0xc3: {  	_ =	shalt  }
tec
execute0_lowered:
.L_overlay_start_1:
0x0: {  	(tag) =	ssettag $0x1  }
0x1: {  	s8 =	rddreg [dreg:$0x0]  }
0x2: {  	s1 =	rddreg [dreg:$0x1]  }
0x3: {  	s2 =	srdreg.scid;
	s0 =	rddreg [dreg:$0x2]  }
0x4: {  	s4 =	simm.s32 $0x0;
	s16 =	simm.s32 $0x12080;
	s17 =	simm.s32 $0x1  }
0x5: {  	v0 =	vimm.s32 $0xFEA540;
	s18 =	simm.s32 $0xA000;
	s19 =	simm.s32 $0x2;
	s20 =	simm.s32 $0xA080  }
0x6: {  	v1 =	vimm.s32 $0x77766655;
	vm0 =	vcmask $0x2F00;
	s21 =	simm.s32 $0xE080;
	s3 =	sand.u32 $0x1, s2;
	s2 =	stileid.u32  }
0x7: {  	v2 =	vimm.s32 $0xDCCCBBBA;
	vm13 =	vcmask $0x3B30;
	s22 =	simm.s32 $0x80;
	v0 =	vunpack.c.l.s2.s4 v0;
	[smem:$0x7FF] =	sst s4;
	s7 =	smul.u32 $0x140000, s3  }
0x8: {  	vm1 =	vcmask $0x1F00;
	v3 =	vimm.s32 $0x9080808;
	s5 =	sadd.s32 $0x2E00, s8;
	s6 =	sadd.s32 $0x2A0000, s8;
	v1 =	vunpack.c.l.s4.s8 v1;
	s9 =	smul.u32 $0x14000, s2  }
0x9: {  	v4 =	vimm.s32 $0xE0E0D0D;
	v2 =	vunpack.c.l.s4.s8 v2;
	_ =	strace $0x80000050;
	s11 =	ssub.s32 $0x2, s3;
	s23 =	sshll.u32 s2, $0x6;
	v0 =	vunpack.c.l.s4.s8 v0  }
0xa: {  	vm2 =	vcmask $0x2F20;
	vm14 =	vcmask $0x3730;
	s10 =	smul.u32 $0x50000, s2;
	s30 =	sshrl.u32 s11, $0x1;
	v1 =	vunpack.c.0.s8.s32 v1;
	s23 =	sor.u32 $0x1C01, s23  }
.Ltmp0:
0xb: {  	v3 =	vunpack.c.0.s8.s32 v3;
	v2 =	vunpack.c.0.s8.s32 v2;
	s9 =	sadd.s32 s9, s7;
	s7 =	sadd.s32 $0x511000, s8;
	v0 =	vunpack.c.0.s8.s32 v0;
	(pc) =	sbr.rel .LBB2_1-.Ltmp0, $4  }
0xc: {  	vm15 =	vcmask $0x3330;
	v4 =	vunpack.c.0.s8.s32 v4;
	s31 =	sshrl.u32 s10, $0x2;
	s15 =	ssub.s32 s11, s30;
	s9 =	sshrl.u32 s9, $0x3;
	v1 =	vnsel vm1, $0xA, v1  }
0xd: {  	s15 =	smax.u32 s15, $0x1;
	s14 =	sadd.s32 s9, s8;
	s9 =	sadd.s32 s31, s1;
	v3 =	vsel vm2, v3, v1;
	v1 =	vnsel vm1, $0xF, v2;
	v0 =	vand.u32 $0x3, v0  }
0xe: {  	s8 =	sshll.u32 s2, $0x1;
	s10 =	sadd.s32 $0x4000, s9;
	s11 =	sadd.s32 $0x8000, s9;
	v4 =	vsel vm2, v4, v1;
	v1 =	vimm.f32 $0.0e+00;
	v0 =	vnsel vm0, $0x5, v0  }
0xf: {  	s12 =	sadd.s32 $0xC000, s9;
	s13 =	sadd.s32 $0x10000, s9;
	s14 =	sadd.s32 $0x7FE00, s14;
	v2 =	vsel vm14, $0x9, v3;
	v3 =	vsel vm15, $0xE, v4;
	v0 =	vsel vm13, $0x4, v0  }
.LBB2_9:
0x10: {  	s4 =	sadd.s32 $0x1, s4  }
0x11: {  	p0 =	sne.s32 s4, s15  }
.Ltmp1:
0x12: {  	[bflag:$0x0] =	sbarrier.arrive $0xFFFF;
	s24 =	sshrl.u32 s9, $0x3;
	(pc) =	sbr.rel @!p0 .LBB2_10-.Ltmp1, $4  }
0x13: {  	[hbm:s14], [sflag:s23] =	dma.local [spmem:s24], $0x2800  }
0x14: {  	_ =	swait.ge [sflag:s17], $0x2800  }
0x15: {  	[sflag:s17] =	ssyncset.done $0x0  }
0x16: {  	[sflag:s17] =	ssyncadd.s32 $0xFFFFD800  }
.LBB2_1:
0x17: {  	s25 =	simm.s32 $0x200;
	s24 =	simm.s32 $0x0  }
.LBB2_2:
0x18: {  	p0 =	sne.s32 s25, $0xFE00;
	[tilespmem:s24+$0x120B0] =	vst v1;
	s26 =	smov.u32 s25;
	s25 =	sadd.s32 $0x200, s25  }
.Ltmp2:
0x19: {  	[tilespmem:s24+$0x120A0] =	vst v1;
	(pc) =	sbr.rel @p0 .LBB2_2-.Ltmp2, $3  }
0x1a: {  	[tilespmem:s24+$0x12080] =	vst v1  }
0x1b: {  	[tilespmem:s24+$0x12090] =	vst v1;
	_ =	sdelay $0x1  }
0x1c: {  	s24 =	sshra.s32 s26, $0x2  }
0x1d: {  	[tilespmem:s24+$0x120B0] =	vst v1  }
0x1e: {  	[tilespmem:s24+$0x120A0] =	vst v1  }
0x1f: {  	[tilespmem:s24+$0x12080] =	vst v1  }
0x20: {  	[tilespmem:s24+$0x12090] =	vst v1  }
0x21: {  	[spmem:s9] =	stream.linear.scatter [tilespmem:s16], [sflag:$0x1], $0x4000, $0x38;
	[tilespmem:$0x16080] =	vst v63  }
0x22: {  	_ =	swait.ge [sflag:s17], $0x4000  }
0x23: {  	[sflag:s17] =	ssyncset.done $0x0  }
0x24: {  	[sflag:s17] =	ssyncadd.s32 $0xFFFFC000  }
0x25: {  	[spmem:s10] =	stream.linear.scatter [tilespmem:s16], [sflag:$0x1], $0x4000, $0x38;
	[tilespmem:$0x16080] =	vst v63  }
0x26: {  	_ =	swait.ge [sflag:s17], $0x4000  }
0x27: {  	[sflag:s17] =	ssyncset.done $0x0  }
0x28: {  	[sflag:s17] =	ssyncadd.s32 $0xFFFFC000  }
0x29: {  	[spmem:s11] =	stream.linear.scatter [tilespmem:s16], [sflag:$0x1], $0x4000, $0x38;
	[tilespmem:$0x16080] =	vst v63  }
0x2a: {  	_ =	swait.ge [sflag:s17], $0x4000  }
0x2b: {  	[sflag:s17] =	ssyncset.done $0x0  }
0x2c: {  	[sflag:s17] =	ssyncadd.s32 $0xFFFFC000  }
0x2d: {  	[spmem:s12] =	stream.linear.scatter [tilespmem:s16], [sflag:$0x1], $0x4000, $0x38;
	[tilespmem:$0x16080] =	vst v63  }
0x2e: {  	_ =	swait.ge [sflag:s17], $0x4000  }
0x2f: {  	[sflag:s17] =	ssyncset.done $0x0  }
0x30: {  	[sflag:s17] =	ssyncadd.s32 $0xFFFFC000  }
0x31: {  	[spmem:s13] =	stream.linear.scatter [tilespmem:s16], [sflag:$0x1], $0x4000, $0x38;
	[tilespmem:$0x16080] =	vst v63  }
.Ltmp3:
0x32: {  	_ =	swait.ge [sflag:s17], $0x4000;
	(pc) =	sbr.rel .LBB2_4-.Ltmp3, $4  }
0x33: {  	[sflag:s17] =	ssyncset.done $0x0  }
0x34: {  	[sflag:s17] =	ssyncadd.s32 $0xFFFFC000  }
0x35: {  	[bflag:$0x0] =	sbarrier.arrive $0xFFFF  }
0x36: {  	s24 =	simm.s32 $0x0  }
.LBB2_8:
0x37: {  	s24 =	sadd.s32 $0x1, s24  }
0x38: {  	p0 =	sne.s32 s24, $0x28  }
.Ltmp4:
0x39: {  	_ = 	snop;
	(pc) =	sbr.rel @!p0 .LBB2_9-.Ltmp4, $1  }
0x3a: {  	_ =	sdelay $0x3  }
.LBB2_4:
0x3b: {  	s25 =	sshll.u32 s24, $0x5  }
0x3c: {  	s25 =	sor.u32 s8, s25  }
0x3d: {  	p0 =	sgt.u32 s25, $0x4E1  }
.Ltmp5:
0x3e: {  	_ = 	snop;
	(pc) =	sbr.rel @p0 .LBB2_8-.Ltmp5, $1  }
0x3f: {  	_ =	sdelay $0x3  }
0x40: {  	s25 =	sor.u32 s3, s25  }
0x41: {  	s26 =	sshll.u32 s25, $0x4  }
0x42: {  	s28 =	simm.s32 $0x0;
	s26 =	sadd.s32 s5, s26  }
0x43: {  	[tilespmem:s18], [sflag:$0x2] =	stream.linear.gather [hbm4b:s26+s28], $0x80, $0x38;
	[tilespmem:$0x16080] =	vst v63  }
0x44: {  	_ =	swait.ge [sflag:s19], $0x80  }
0x45: {  	s25 =	sshll.u32 s25, $0xB;
	[sflag:s19] =	ssyncset.done $0x0  }
0x46: {  	s31 =	sadd.s32 s6, s25;
	[sflag:s19] =	ssyncadd.s32 $0xFFFFFF80  }
0x47: {  	[tilespmem:s20], [sflag:$0x2] =	stream.linear.gather [hbm4b:s31+s28], $0x4000, $0x38;
	[tilespmem:$0x16080] =	vst v63  }
0x48: {  	_ =	swait.ge [sflag:s19], $0x4000  }
0x49: {  	[sflag:s19] =	ssyncset.done $0x0  }
0x4a: {  	s25 =	sadd.s32 s7, s25;
	[sflag:s19] =	ssyncadd.s32 $0xFFFFC000  }
0x4b: {  	[tilespmem:s21], [sflag:$0x2] =	stream.linear.gather [hbm4b:s25+s28], $0x4000, $0x38;
	[tilespmem:$0x16080] =	vst v63  }
0x4c: {  	_ =	swait.ge [sflag:s19], $0x4000  }
0x4d: {  	[sflag:s19] =	ssyncset.done $0x0  }
0x4e: {  	s26 =	simm.s32 $0x0;
	[sflag:s19] =	ssyncadd.s32 $0xFFFFC000  }
0x4f: {  	v8 =	vld [tilespmem:s26+$0xE080]  }
0x50: {  	v5 =	vld [tilespmem:s26+$0xA080]  }
0x51: {  	v6 =	vld [tilespmem:s26+$0xA0B0]  }
0x52: {  	v9 =	vld [tilespmem:s26+$0xA090]  }
0x53: {  	v10 =	vld [tilespmem:s26+$0xA0A0]  }
0x54: {  	s25 =	simm.s32 $0x80;
	v11 =	vperm.xlane v8, v3  }
0x55: {  	v4 =	vld [tilespmem:s25+$0xE080];
	v12 =	vmul.f32 v5, v8;
	v13 =	vperm.xlane v8, v0  }
0x56: {  	v7 =	vld [tilespmem:s25+$0xA080];
	v63 =	vperm.xlane v8, v2;
	v11 =	vmul.f32 v6, v11  }
0x57: {  	v5 =	vld [tilespmem:s25+$0xA0B0];
	[tilespmem:s26+$0x12080] =	vst v12;
	v13 =	vmul.f32 v9, v13  }
0x58: {  	v9 =	vmul.f32 v10, v63;
	v6 =	vld [tilespmem:s25+$0xA090];
	[tilespmem:s26+$0x120B0] =	vst v11  }
0x59: {  	s28 =	simm.s32 $0x400;
	v8 =	vld [tilespmem:s25+$0xA0A0];
	[tilespmem:s26+$0x12090] =	vst v13  }
.LBB2_6:
0x5a: {  	s29 =	sshra.s32 s28, $0x2;
	p0 =	sne.s32 s28, $0xFE00;
	s28 =	sadd.s32 $0x200, s28;
	v10 =	vperm.xlane v4, v0;
	v11 =	vperm.xlane v4, v3;
	[tilespmem:s26+$0x120A0] =	vst v9  }
.Ltmp6:
0x5b: {  	v9 =	vperm.xlane v4, v2;
	s26 =	smov.u32 s25;
	v12 =	vmul.f32 v7, v4;
	v4 =	vld [tilespmem:s29+$0xE080];
	s25 =	smov.u32 s29;
	(pc) =	sbr.rel @p0 .LBB2_6-.Ltmp6, $4  }
0x5c: {  	v7 =	vld [tilespmem:s25+$0xA080];
	v11 =	vmul.f32 v5, v11  }
0x5d: {  	v5 =	vld [tilespmem:s25+$0xA0B0];
	[tilespmem:s26+$0x12080] =	vst v12;
	v10 =	vmul.f32 v6, v10  }
0x5e: {  	v6 =	vld [tilespmem:s25+$0xA090];
	v9 =	vmul.f32 v8, v9;
	[tilespmem:s26+$0x120B0] =	vst v11  }
0x5f: {  	v8 =	vld [tilespmem:s25+$0xA0A0];
	[tilespmem:s26+$0x12090] =	vst v10  }
0x60: {  	v10 =	vperm.xlane v4, v3  }
0x61: {  	v11 =	vperm.xlane v4, v0;
	v7 =	vmul.f32 v7, v4  }
0x62: {  	[tilespmem:s26+$0x120A0] =	vst v9;
	v4 =	vperm.xlane v4, v2;
	v5 =	vmul.f32 v5, v10  }
0x63: {  	[tilespmem:s25+$0x12080] =	vst v7;
	v6 =	vmul.f32 v6, v11  }
0x64: {  	v4 =	vmul.f32 v8, v4;
	[tilespmem:s25+$0x120B0] =	vst v5  }
0x65: {  	[tilespmem:s25+$0x12090] =	vst v6  }
.Ltmp7:
0x66: {  	[tilespmem:s25+$0x120A0] =	vst v4;
	(pc) =	sbr.rel .LBB2_8-.Ltmp7, $4  }
0x67: {  	[spmem:s1] =	stream.indirect.scatter.add.f32 [tilespmem:s16], [sflag:$0x1], $0x40, s18, s22, $0xb8;
	[tilespmem:$0x16080] =	vst v63  }
0x68: {  	_ =	swait.ge [sflag:s17], $0x2000  }
0x69: {  	[sflag:s17] =	ssyncset.done $0x0  }
0x6a: {  	[sflag:s17] =	ssyncadd.s32 $0xFFFFE000  }
.LBB2_10:
0x6b: {  	_ =	sfence.sel $0x180000  }
0x6c: {  	[bflag:$0x0] =	sbarrier.arrive $0xFFFF  }
0x6d: {  	p0 =	sne.s32 s2, $0x0;
	_ =	strace $0x90000050  }
0x6e: {  	s0 =	sadd.s32 @!p0 $0x100000, s0;
	[bflag:$0x2] =	sbarrier.arrive $0xFFFF  }
0x6f: {  	[sflag:s0] =	ssyncadd.tile.s32 @!p0 $0x1;
	_ =	shalt  }
.Lfunc_end2:
_tile_overlayer_lowered:
.L_overlay_start_2:
0x70: {  	(tag) =	ssettag $0x2  }
0x71: {  	s0 =	rddreg [dreg:$0x0];
	s2 =	stileid.u32  }
0x72: {  	s1 =	rddreg [dreg:$0x1];
	p0 =	sne.s32 s2, $0x0  }
0x73: {  	s3 =	rddreg [dreg:$0x2];
	[bflag:$0x3] =	sbarrier.arrive $0xFFFF;
	s2 =	simm.s32 @!p0 $0x1C01  }
0x74: {  	[timem:s3], [sflag:s2] =	dma.local @!p0 [hbm:s0], s1  }
0x75: {  	s0 =	simm.s32 @!p0 $0x1  }
0x76: {  	_ =	swait.ge @!p0 [sflag:s0], s1  }
0x77: {  	s1 =	ssub.s32 @!p0 $0x0, s1;
	[sflag:s0] =	ssyncset.done @!p0 $0x0  }
0x78: {  	[sflag:s0] =	ssyncadd.s32 @!p0 s1  }
0x79: {  	[bflag:$0x3] =	sbarrier.arrive $0xFFFF  }
0x7a: {  	_ =	shalt  }

// kernel: kernel.8.cloned.1.call-start
scs
__scs_entry_jumppad:
0x0: {  	(pc) =	sbr.rel $0x88, $3  }
0x1: {  	(tag) =	ssettag $0x0;
	lr =	simm.s32 $0x1  }
0x2: {  	[smem:$0x3F98] =	sst lr;
	_ =	strace $0xD0000000  }
0x3: {  	_ = 	snop  }
0x4: {  	_ = 	snop  }
0x5: {  	_ = 	snop  }
0x6: {  	_ = 	snop  }
0x7: {  	_ = 	snop  }
__scs_overlays_trampoline_lowered:
0x8: {  	[smem:$0x3FA7] =	sst s0  }
0x9: {  	[smem:$0x3FA8] =	sst s1  }
0xa: {  	[smem:$0x3FA9] =	sst s2  }
0xb: {  	[smem:$0x3FAA] =	sst s3  }
0xc: {  	[smem:$0x3FAB] =	sst s4  }
0xd: {  	[smem:$0x3FAC] =	sst s5  }
0xe: {  	[smem:$0x3FAD] =	sst s6  }
0xf: {  	[smem:$0x3FAE] =	sst s7  }
0x10: {  	[smem:$0x3FAF] =	sst s8  }
0x11: {  	[smem:$0x3FB0] =	sst s9;
	s0 =	simm.s32 @!p0 $0x0  }
0x12: {  	s1 =	sld [smem:$0x3F96];
	s0 =	simm.s32 @p0 $0x1  }
0x13: {  	[smem:$0x3FB1] =	sst s0;
	s0 =	simm.s32 @!p1 $0x0  }
0x14: {  	s2 =	sld [smem:$0x3F95];
	s0 =	simm.s32 @p1 $0x1  }
0x15: {  	[smem:$0x3FB2] =	sst s0;
	s0 =	simm.s32 @!p2 $0x0  }
0x16: {  	s3 =	sld [smem:$0x3FDB];
	s0 =	simm.s32 @p2 $0x1  }
0x17: {  	s4 =	simm.s32 $0x1BF5;
	[smem:$0x3FB4] =	sst s0  }
0x18: {  	s0 =	sld [smem:$0x3F97];
	_ =	swait.ge [sflag:s4], $0x0  }
0x19: {  	s7 =	sld [smem:$0x3F98]  }
0x1a: {  	s8 =	sadd.s32 $0xFFFFE003, lr  }
0x1b: {  	s9 =	sadd.s32 $0xFFFFFEF7, lr;
	s5 =	simm.s32 $0xFFFFFFFF;
	p2 =	slt.u32 s8, $0xFFFFF086  }
0x1c: {  	p1 =	slt.u32 s9, $0xF7A;
	s5 =	simm.s32 @!p2 $0x0  }
0x1d: {  	s5 =	simm.s32 @p1 $0x1;
	p0 =	seq.s32 s7, s2  }
0x1e: {  	s7 =	smul.u32 @!p0 $0xF7A, s2;
	p2 =	seq.s32 @!p0 s5, $0x0  }
0x1f: {  	s9 =	smul.u32 $0xF7A, s1;
	s8 =	simm.s32 @!p0 $0x1BF5;
	p2 =	por !p2, p0  }
0x20: {  	[sflag:s8] =	ssyncset.s32 @!p0 $0xFFFFF086;
	s6 =	sadd.s32 @!p0 s3, s7;
	s7 =	simm.s32 @!p0 $0x108  }
0x21: {  	s3 =	sadd.s32 s3, s9;
	s6 =	sadd.s32 @!p0 $0x88, s6;
	s7 =	simm.s32 @p2 $0x1082  }
0x22: {  	[simem:s7], [sflag:s8] =	dma.local @!p0 [hbm:s6], $0xF7A  }
0x23: {  	s9 =	sor.u32 $0xD0000000, s2;
	s6 =	simm.s32 $0x108;
	_ =	swait.ge @!p0 [sflag:s8], $0x0  }
0x24: {  	s3 =	sadd.s32 $0x88, s3;
	s6 =	simm.s32 @!p1 $0x1082;
	[sflag:s4] =	ssyncset.s32 $0xFFFFF086  }
0x25: {  	[simem:s6], [sflag:s4] =	dma.local [hbm:s3], $0xF7A  }
0x26: {  	[smem:$0x3F98] =	sst s1;
	(tag) =	ssettag s2;
	_ =	strace s9  }
0x27: {  	s1 =	sld [smem:$0x3FA8]  }
0x28: {  	s2 =	sld [smem:$0x3FA9]  }
0x29: {  	s4 =	sld [smem:$0x3FAB]  }
0x2a: {  	p0 =	seq.s32 s5, $0x0;
	s5 =	sld [smem:$0x3FAC]  }
0x2b: {  	s6 =	sld [smem:$0x3FAD]  }
0x2c: {  	s7 =	sld [smem:$0x3FAE]  }
0x2d: {  	s3 =	simm.s32 $0x108;
	s8 =	sld [smem:$0x3FAF]  }
0x2e: {  	s3 =	simm.s32 @!p0 $0x1082;
	s9 =	sld [smem:$0x3FB0]  }
0x2f: {  	lr =	sadd.s32 s0, s3;
	s0 =	sld [smem:$0x3FA7]  }
0x30: {  	s3 =	sld [smem:$0x3FAA]  }
0x31: {  	[smem:$0x3FB3] =	sst s10  }
0x32: {  	s10 =	sld [smem:$0x3FB1];
	_ =	sdelay $0x3  }
0x33: {  	p0 =	seq.s32 s10, $0x1;
	s10 =	sld [smem:$0x3FB3];
	_ =	sdelay $0x3  }
0x34: {  	[smem:$0x3FB3] =	sst s10  }
0x35: {  	s10 =	sld [smem:$0x3FB2];
	_ =	sdelay $0x3  }
0x36: {  	p1 =	seq.s32 s10, $0x1;
	s10 =	sld [smem:$0x3FB3];
	_ =	sdelay $0x3  }
0x37: {  	[smem:$0x3FB3] =	sst s10  }
0x38: {  	s10 =	sld [smem:$0x3FB4]  }
0x39: {  	_ = 	snop;
	(pc) =	sbr.ind lr, $3  }
0x3a: {  	_ = 	snop  }
0x3b: {  	_ = 	snop  }
0x3c: {  	p2 =	seq.s32 s10, $0x1;
	s10 =	sld [smem:$0x3FB3]  }
0x3d: {  	_ =	shalt  }
0x3e: {  	_ =	shalt  }
0x3f: {  	_ =	shalt  }
0x40: {  	_ =	shalt  }
0x41: {  	_ =	shalt  }
0x42: {  	_ =	shalt  }
0x43: {  	_ =	shalt  }
0x44: {  	_ =	shalt  }
0x45: {  	_ =	shalt  }
0x46: {  	_ =	shalt  }
0x47: {  	_ =	shalt  }
0x48: {  	_ =	shalt  }
0x49: {  	_ =	shalt  }
0x4a: {  	_ =	shalt  }
0x4b: {  	_ =	shalt  }
0x4c: {  	_ =	shalt  }
0x4d: {  	_ =	shalt  }
0x4e: {  	_ =	shalt  }
0x4f: {  	_ =	shalt  }
0x50: {  	_ =	shalt  }
0x51: {  	_ =	shalt  }
0x52: {  	_ =	shalt  }
0x53: {  	_ =	shalt  }
0x54: {  	_ =	shalt  }
0x55: {  	_ =	shalt  }
0x56: {  	_ =	shalt  }
0x57: {  	_ =	shalt  }
0x58: {  	_ =	shalt  }
0x59: {  	_ =	shalt  }
0x5a: {  	_ =	shalt  }
0x5b: {  	_ =	shalt  }
0x5c: {  	_ =	shalt  }
0x5d: {  	_ =	shalt  }
0x5e: {  	_ =	shalt  }
0x5f: {  	_ =	shalt  }
0x60: {  	_ =	shalt  }
0x61: {  	_ =	shalt  }
0x62: {  	_ =	shalt  }
0x63: {  	_ =	shalt  }
0x64: {  	_ =	shalt  }
0x65: {  	_ =	shalt  }
0x66: {  	_ =	shalt  }
0x67: {  	_ =	shalt  }
0x68: {  	_ =	shalt  }
0x69: {  	_ =	shalt  }
0x6a: {  	_ =	shalt  }
0x6b: {  	_ =	shalt  }
0x6c: {  	_ =	shalt  }
0x6d: {  	_ =	shalt  }
0x6e: {  	_ =	shalt  }
0x6f: {  	_ =	shalt  }
0x70: {  	_ =	shalt  }
0x71: {  	_ =	shalt  }
0x72: {  	_ =	shalt  }
0x73: {  	_ =	shalt  }
0x74: {  	_ =	shalt  }
0x75: {  	_ =	shalt  }
0x76: {  	_ =	shalt  }
0x77: {  	_ =	shalt  }
0x78: {  	_ =	shalt  }
0x79: {  	_ =	shalt  }
0x7a: {  	_ =	shalt  }
0x7b: {  	_ =	shalt  }
0x7c: {  	_ =	shalt  }
0x7d: {  	_ =	shalt  }
0x7e: {  	_ =	shalt  }
0x7f: {  	_ =	shalt  }
0x80: {  	_ =	shalt  }
0x81: {  	_ =	shalt  }
0x82: {  	_ =	shalt  }
0x83: {  	_ =	shalt  }
0x84: {  	_ =	shalt  }
0x85: {  	_ =	shalt  }
0x86: {  	_ =	shalt  }
0x87: {  	_ =	shalt  }
.Lfunc_end0:
.L_simem_size_0:
called_computation_lowered:
.L_overlay_start_0:
0x88: {  	s2 =	sld [smem:$0x3FD9]  }
0x89: {  	s3 =	sld [smem:$0x3FFE];
	_ =	sdelay $0x1  }
0x8a: {  	s1 =	srdreg.scid  }
0x8b: {  	s0 =	sand.u32 $0x1, s1  }
0x8c: {  	s17 =	sshll.u32 s0, $0xA;
	s2 =	sadd.s32 s3, s2  }
0x8d: {  	s2 =	sadd.s32 s2, s17  }
0x8e: {  	[smem:$0x3FBF] =	sst s2  }
0x8f: {  	_ = 	snop  }
0x90: {  	s2 =	sld [smem:$0x3FD0];
	(tm) =	ssettm $0x1  }
0x91: {  	s18 =	sld [smem:$0x3FFB];
	_ =	sdelay $0x3  }
0x92: {  	_ =	strace s18  }
0x93: {  	s3 =	sld [smem:$0x3FFC];
	_ =	sdelay $0x3  }
0x94: {  	_ =	strace s3  }
0x95: {  	s3 =	sld [smem:$0x3FFD];
	_ =	sdelay $0x3  }
0x96: {  	_ =	strace s3  }
0x97: {  	_ =	strace $0x8FFFFFFF  }
0x98: {  	s19 =	sld [smem:$0x3FDB];
	_ =	sdelay $0x1  }
0x99: {  	s4 =	simm.s32 $_scs_section_size  }
0x9a: {  	s5 =	simm.s32 $_size__tile_overlayer_lowered;
	s6 =	simm.s32 $_tile_overlayer_lowered  }
0x9b: {  	s22 =	simm.s32 $0x1BFF;
	s21 =	sshll.u32 s6, $0x1;
	s3 =	sadd.s32 s4, s19  }
0x9c: {  	s7 =	simm.s32 $0x0;
	s20 =	sshll.u32 s5, $0x1;
	s5 =	sadd.s32 s21, s3  }
0x9d: {  	[timem:s7], [sflag:s22] =	dma.local [hbm:s5], s20  }
0x9e: {  	_ =	swait.ge [sflag:s22], s20  }
0x9f: {  	s4 =	ssub.s32 $0x0, s20;
	[sflag:s22] =	ssyncset.done $0x0  }
0xa0: {  	[sflag:s22] =	ssyncadd.s32 s4;
	_ =	sdelay $0x1  }
0xa1: {  	s23 =	simm.s32 $0x1B8B  }
0xa2: {  	_ =	swait.ge [sflag:s23], $0x1  }
0xa3: {  	[sflag:s23] =	ssyncset.done $0x0  }
0xa4: {  	s25 =	simm.s32 $0x1B8E;
	s24 =	sld [smem:$0x3FFE];
	[sflag:s23] =	ssyncadd.s32 $0xFFFFFFFF  }
0xa5: {  	s26 =	simm.s32 $execute0_lowered;
	[smem:$0x3FD2] =	sst s25  }
0xa6: {  	s5 =	sshll.u32 s26, $0x1;
	_ =	strace $0x80000046;
	[dreg:$0x1] =	wrdreg $0xFFFFFFFF  }
0xa7: {  	s28 =	simm.s32 $_size_execute0_lowered;
	s3 =	sadd.s32 s3, s5;
	[dreg:$0x0] =	wrdreg $0x0  }
0xa8: {  	s5 =	sshll.u32 s28, $0x1;
	[dreg:$0x2] =	wrdreg s3  }
0xa9: {  	[dreg:$0x3] =	wrdreg s5  }
0xaa: {  	[dreg:$0x4] =	wrdreg $0xC0  }
0xab: {  	_ =	task [dreg:s7], $0x5FFFF  }
0xac: {  	[dreg:$0x1] =	wrdreg $0xFFFFFFFF  }
0xad: {  	[dreg:$0x0] =	wrdreg $0x60  }
0xae: {  	[dreg:$0x2] =	wrdreg s2  }
0xaf: {  	[dreg:$0x3] =	wrdreg s24  }
0xb0: {  	[dreg:$0x4] =	wrdreg $0x9  }
0xb1: {  	_ =	task.clear_ibuf [dreg:s7], $0x5FFFF;
	_ =	strace $0x90000046  }
0xb2: {  	s29 =	simm.s32 $0x9;
	_ =	strace $0x80000048  }
0xb3: {  	_ =	swait.ge [sflag:s29], $0x1  }
0xb4: {  	[sflag:s29] =	ssyncadd.s32 $0xFFFFFFFF  }
0xb5: {  	_ =	strace $0x90000048  }
0xb6: {  	_ =	sfence  }
0xb7: {  	s30 =	sld [smem:$0x0];
	_ =	sdelay $0x2  }
0xb8: {  	s31 =	sshll.u32 s1, $0xD;
	s1 =	sshrl.u32 s1, $0x2  }
0xb9: {  	s3 =	sand.u32 $0x4000, s31;
	s1 =	sadd.s32 s1, s30  }
0xba: {  	s0 =	sor.u32 s3, s0;
	s1 =	sshll.u32 s1, $0x11  }
0xbb: {  	s0 =	sor.u32 s1, s0  }
0xbc: {  	s0 =	sadd.s32 $0x8F2B, s0  }
0xbd: {  	[sflag:s0] =	ssyncadd.remote.s32 $0x1  }
0xbe: {  	_ =	sfence.sel $0xFFFF  }
0xbf: {  	[dreg:$0x0] =	wrdreg $0xFFFFFFFF;
	(pc) =	sbr.abs _section_cstart, $3  }
0xc0: {  	[dreg:$0x1] =	wrdreg $0xFFFFFFFF  }
0xc1: {  	_ =	task.clear_ibuf [dreg:s7], $0x2FFFF;
	_ =	strace $0x9FFFFFFF  }
0xc2: {  	(tm) =	ssettm $0x7FFFFFFF  }
0xc3: {  	_ =	shalt  }
tec
execute0_lowered:
.L_overlay_start_1:
0x0: {  	(tag) =	ssettag $0x1  }
0x1: {  	s4 =	rddreg [dreg:$0x0]  }
0x2: {  	s5 =	rddreg [dreg:$0x1]  }
0x3: {  	s0 =	rddreg [dreg:$0x2];
	s1 =	simm.s32 $0x0;
	s6 =	srdreg.scid  }
0x4: {  	s2 =	stileid.u32;
	[smem:$0x7FF] =	sst s1  }
0x5: {  	s3 =	sadd.s32 $0x7E00, s5;
	s7 =	sand.u32 $0x1, s6;
	s8 =	sshll.u32 s2, $0x5  }
0x6: {  	s10 =	sshll.u32 s2, $0xB;
	s29 =	sshll.u32 s2, $0x1;
	_ =	strace $0x80000047  }
0x7: {  	s6 =	ssub.s32 $0x2, s7;
	s9 =	sshll.u32 s7, $0x4;
	s5 =	sadd.s32 s10, s5  }
0x8: {  	s11 =	sshll.u32 s7, $0xA;
	s7 =	sor.u32 s7, s29;
	s8 =	sor.u32 s9, s8  }
0x9: {  	s26 =	sshrl.u32 s6, $0x1;
	s31 =	sadd.s32 s11, s5;
	s28 =	sand.u32 $0x180, s8  }
0xa: {  	s6 =	ssub.s32 s6, s26;
	s30 =	sand.u32 $0x70, s8;
	s9 =	sadd.s32 s28, s4  }
0xb: {  	s4 =	smax.u32 s6, $0x1;
	s6 =	sadd.s32 $0x2F000, s31;
	s5 =	sadd.s32 s30, s9  }
.LBB2_1:
0xc: {  	s8 =	sadd.s32 $0x0, s7  }
0xd: {  	p0 =	sgt.u32 s8, $0x9C3  }
0xe: {  	s8 =	simm.s32 @!p0 $0x0;
	s9 =	simm.s32 @!p0 $0x3  }
0xf: {  	[tilespmem:s8], [sflag:$0x3] =	stream.linear.gather @!p0 [hbm4b:s5+s8], $0x80, $0x38;
	[tilespmem:$0x2080] =	vst v63  }
0x10: {  	_ =	swait.ge @!p0 [sflag:s9], $0x80  }
0x11: {  	s10 =	simm.s32 @!p0 $0x1;
	[sflag:s9] =	ssyncset.done @!p0 $0x0  }
0x12: {  	s12 =	simm.s32 @!p0 $0x80;
	[sflag:s9] =	ssyncadd.s32 @!p0 $0xFFFFFF80;
	s9 =	simm.s32 @!p0 $0x40  }
0x13: {  	[tilespmem:s12], [sflag:$0x1] =	stream.indirect.gather @!p0 [hbm4b:s3+s9], $0x80, s8, s9, $0xb8;
	[tilespmem:$0x2080] =	vst v63  }
0x14: {  	p1 =	por p0, p0;
	_ =	swait.ge @!p0 [sflag:s10], $0x2000  }
0x15: {  	[sflag:s10] =	ssyncset.done @!p1 $0x0  }
0x16: {  	s31 =	sadd.s32 $0x20, s7;
	s11 =	simm.s32 @!p1 $0x2;
	[sflag:s10] =	ssyncadd.s32 @!p1 $0xFFFFE000  }
0x17: {  	[hbm4b:s6+s8] =	stream.linear.scatter @!p1 [tilespmem:s12], [sflag:$0x2], $0x2000, $0x38;
	[tilespmem:$0x2080] =	vst v63  }
0x18: {  	s9 =	simm.s32 $0x40;
	p0 =	sgt.u32 s31, $0x9C3;
	_ =	swait.ge @!p1 [sflag:s11], $0x2000  }
0x19: {  	s10 =	sadd.s32 $0x200, s5;
	s8 =	sadd.s32 $0x8000, s6;
	[sflag:s11] =	ssyncset.done @!p1 $0x0  }
.LBB2_2:
0x1a: {  	s12 =	simm.s32 @!p0 $0x0;
	s13 =	simm.s32 @!p0 $0x3;
	[sflag:s11] =	ssyncadd.s32 @!p1 $0xFFFFE000  }
0x1b: {  	[tilespmem:s12], [sflag:$0x3] =	stream.linear.gather @!p0 [hbm4b:s10+s12], $0x80, $0x38;
	[tilespmem:$0x2080] =	vst v63  }
0x1c: {  	s14 =	smov.u32 s9;
	s9 =	sadd.s32 $0x20, s9;
	_ =	swait.ge @!p0 [sflag:s13], $0x80  }
0x1d: {  	s11 =	simm.s32 @!p0 $0x1;
	p2 =	sne.s32 s9, $0x9E0;
	[sflag:s13] =	ssyncset.done @!p0 $0x0  }
0x1e: {  	s15 =	simm.s32 @!p0 $0x80;
	[sflag:s13] =	ssyncadd.s32 @!p0 $0xFFFFFF80;
	s13 =	simm.s32 @!p0 $0x40  }
0x1f: {  	[tilespmem:s15], [sflag:$0x1] =	stream.indirect.gather @!p0 [hbm4b:s3+s13], $0x80, s12, s13, $0xb8;
	[tilespmem:$0x2080] =	vst v63  }
0x20: {  	p1 =	por p0, p0;
	_ =	swait.ge @!p0 [sflag:s11], $0x2000  }
.Ltmp0:
0x21: {  	[sflag:s11] =	ssyncset.done @!p1 $0x0;
	(pc) =	sbr.rel @p2 .LBB2_2-.Ltmp0, $4  }
0x22: {  	[sflag:s11] =	ssyncadd.s32 @!p1 $0xFFFFE000;
	s11 =	simm.s32 @!p1 $0x2  }
0x23: {  	[hbm4b:s8+s12] =	stream.linear.scatter @!p1 [tilespmem:s15], [sflag:$0x2], $0x2000, $0x38;
	[tilespmem:$0x2080] =	vst v63  }
0x24: {  	s12 =	sadd.s32 s14, s7;
	s8 =	sadd.s32 $0x8000, s8;
	_ =	swait.ge @!p1 [sflag:s11], $0x2000  }
0x25: {  	s10 =	sadd.s32 $0x200, s10;
	p0 =	sgt.u32 s12, $0x9C3;
	[sflag:s11] =	ssyncset.done @!p1 $0x0  }
0x26: {  	s9 =	simm.s32 @!p0 $0x0;
	s12 =	simm.s32 @!p0 $0x3;
	[sflag:s11] =	ssyncadd.s32 @!p1 $0xFFFFE000  }
0x27: {  	[tilespmem:s9], [sflag:$0x3] =	stream.linear.gather @!p0 [hbm4b:s10+s9], $0x80, $0x38;
	[tilespmem:$0x2080] =	vst v63  }
0x28: {  	_ =	swait.ge @!p0 [sflag:s12], $0x80  }
0x29: {  	s11 =	simm.s32 @!p0 $0x40;
	[sflag:s12] =	ssyncset.done @!p0 $0x0  }
0x2a: {  	s10 =	simm.s32 @!p0 $0x1;
	[sflag:s12] =	ssyncadd.s32 @!p0 $0xFFFFFF80;
	s12 =	simm.s32 @!p0 $0x80  }
0x2b: {  	[tilespmem:s12], [sflag:$0x1] =	stream.indirect.gather @!p0 [hbm4b:s3+s11], $0x80, s9, s11, $0xb8;
	[tilespmem:$0x2080] =	vst v63  }
0x2c: {  	s1 =	sadd.s32 $0x1, s1;
	_ =	swait.ge @!p0 [sflag:s10], $0x2000;
	p0 =	por p0, p0  }
0x2d: {  	p1 =	sne.s32 s1, s4;
	[sflag:s10] =	ssyncset.done @!p0 $0x0  }
.Ltmp1:
0x2e: {  	[sflag:s10] =	ssyncadd.s32 @!p0 $0xFFFFE000;
	s10 =	simm.s32 @!p0 $0x2;
	(pc) =	sbr.rel @p1 .LBB2_1-.Ltmp1, $4  }
0x2f: {  	[hbm4b:s8+s9] =	stream.linear.scatter @!p0 [tilespmem:s12], [sflag:$0x2], $0x2000, $0x38;
	[tilespmem:$0x2080] =	vst v63  }
0x30: {  	_ =	swait.ge @!p0 [sflag:s10], $0x2000  }
0x31: {  	[sflag:s10] =	ssyncset.done @!p0 $0x0  }
0x32: {  	[sflag:s10] =	ssyncadd.s32 @!p0 $0xFFFFE000  }
0x33: {  	_ =	sfence.sel $0x180000  }
0x34: {  	[bflag:$0x0] =	sbarrier.arrive $0xFFFF  }
0x35: {  	p0 =	sne.s32 s2, $0x0;
	_ =	strace $0x90000047  }
0x36: {  	s0 =	sadd.s32 @!p0 $0x100000, s0;
	[bflag:$0x2] =	sbarrier.arrive $0xFFFF  }
0x37: {  	[sflag:s0] =	ssyncadd.tile.s32 @!p0 $0x1;
	_ =	shalt  }
.Lfunc_end2:
_tile_overlayer_lowered:
.L_overlay_start_2:
0x38: {  	(tag) =	ssettag $0x2  }
0x39: {  	s0 =	rddreg [dreg:$0x0];
	s2 =	stileid.u32  }
0x3a: {  	s1 =	rddreg [dreg:$0x1];
	p0 =	sne.s32 s2, $0x0  }
0x3b: {  	s3 =	rddreg [dreg:$0x2];
	[bflag:$0x3] =	sbarrier.arrive $0xFFFF;
	s2 =	simm.s32 @!p0 $0x1C02  }
0x3c: {  	[timem:s3], [sflag:s2] =	dma.local @!p0 [hbm:s0], s1  }
0x3d: {  	s0 =	simm.s32 @!p0 $0x2  }
0x3e: {  	_ =	swait.ge @!p0 [sflag:s0], s1  }
0x3f: {  	s1 =	ssub.s32 @!p0 $0x0, s1;
	[sflag:s0] =	ssyncset.done @!p0 $0x0  }
0x40: {  	[sflag:s0] =	ssyncadd.s32 @!p0 s1  }
0x41: {  	[bflag:$0x3] =	sbarrier.arrive $0xFFFF  }
0x42: {  	_ =	shalt  }

</sc_bundles>
